<compile_context>
chip_gen: v7x
topology: tpu7x:2x2x1
jax: 0.10.2.dev20260603
libtpu: 0.0.44.dev20260713+nightly
codegen_flags: <defaults>
</compile_context>

<pallas_src>
import functools

import jax
import jax.numpy as jnp
from jax import lax
from jax.experimental import pallas as pl
from jax.experimental.pallas import tpu as pltpu
from jax.experimental.pallas import tpu_sc as plsc

N = 10000
E = 320000
NODE_DIM = 128
EDGE_DIM = 16
GLOBAL_DIM = 64
HIDDEN = 64
G = 64

NC = 2
NS = 16
NW = NC * NS
N_PAD = 10240
ROWS_PER_SUB = N_PAD // NS
CHUNK = 128
NUM_CHUNKS = E // CHUNK
BASE_CHUNKS = NUM_CHUNKS // NW
EXTRA = NUM_CHUNKS - BASE_CHUNKS * NW


EXB = 32768
CHUNKS_PAD = 2560


def _extract_recv_kernel(ei_ref, out_ref):
    row = ei_ref[1, :]
    out_ref[...] = row.reshape(EXB // CHUNK, CHUNK)


def _extract_recv(edge_index):
    return pl.pallas_call(
        _extract_recv_kernel,
        grid=(CHUNKS_PAD * CHUNK // EXB,),
        in_specs=[pl.BlockSpec((2, EXB), lambda i: (0, i))],
        out_specs=pl.BlockSpec((EXB // CHUNK, CHUNK), lambda i: (i, 0)),
        out_shape=jax.ShapeDtypeStruct((CHUNKS_PAD, CHUNK), jnp.int32),
    )(edge_index)


SLAB_B = 32768


def _edges_to_slabs_kernel(et_ref, out_ref):
    x = et_ref[...]
    y = x.T
    y8 = y.reshape(8, SLAB_B // 8, EDGE_DIM)
    out_ref[...] = jnp.concatenate(
        [y8[i] for i in range(8)], axis=1)


def _edges_to_slabs(edges, blk_off, n_blocks):
    return pl.pallas_call(
        _edges_to_slabs_kernel,
        grid=(n_blocks,),
        in_specs=[pl.BlockSpec((EDGE_DIM, SLAB_B),
                               lambda i: (0, i + blk_off))],
        out_specs=pl.BlockSpec((SLAB_B // 8, 128), lambda i: (i, 0)),
        out_shape=jax.ShapeDtypeStruct((n_blocks * SLAB_B // 8, 128),
                                       jnp.float32),
    )(edges.T)


def _sc_segment_sum(edges_slabs, recv2, lo_chunk, base, extra):
    mesh = plsc.VectorSubcoreMesh(core_axis_name="c", subcore_axis_name="s")

    @functools.partial(
        pl.kernel,
        out_type=jax.ShapeDtypeStruct((NC, N_PAD, EDGE_DIM), jnp.float32),
        mesh=mesh,
        compiler_params=pltpu.CompilerParams(use_tc_tiling_on_sc=False),
        scratch_types=[
            pltpu.VMEM((2, CHUNK), jnp.int32),
            pltpu.VMEM((CHUNK, EDGE_DIM), jnp.float32),
            pltpu.VMEM((CHUNK, EDGE_DIM), jnp.float32),
            pltpu.VMEM((CHUNK, EDGE_DIM), jnp.float32),
            pltpu.VMEM_SHARED((N_PAD, EDGE_DIM), jnp.float32),
            pltpu.SemaphoreType.DMA((2,)),
            pltpu.SemaphoreType.DMA((2,)),
        ],
    )
    def kern(edges_hbm, recv_hbm, out_hbm, idx_v, ed0_v, ed1_v, zero_v,
             acc_sh, fsem, ssem):
        c = lax.axis_index("c")
        s = lax.axis_index("s")
        w = c * NS + s
        ed_bufs = (ed0_v, ed1_v)

        def slab_window(k):
            kl = k - lo_chunk
            bk = kl // 256
            kp = kl % 256
            r0 = bk * 4096 + (kp % 32) * CHUNK
            l0 = (kp // 32) * EDGE_DIM
            return edges_hbm.at[pl.ds(r0, CHUNK), pl.ds(l0, EDGE_DIM)]

        def fetch(k, b):
            pltpu.async_copy(
                recv_hbm.at[pl.ds(k, 1)],
                idx_v.at[pl.ds(b, 1)], fsem.at[b])
            pltpu.async_copy(slab_window(k), ed_bufs[b], fsem.at[b])

        def wait_fetch(k, b):
            pltpu.make_async_copy(
                recv_hbm.at[pl.ds(k, 1)],
                idx_v.at[pl.ds(b, 1)], fsem.at[b]).wait()
            pltpu.make_async_copy(slab_window(k), ed_bufs[b],
                                  fsem.at[b]).wait()

        def scatter_start(b):
            pltpu.async_copy(
                ed_bufs[b], acc_sh.at[idx_v.at[b]], ssem.at[b], add=True)

        def scatter_wait(b):
            pltpu.make_async_copy(
                ed_bufs[b], acc_sh.at[idx_v.at[b]], ssem.at[b]).wait()

        @pl.loop(0, CHUNK)
        def _(i):
            zero_v[i, :] = jnp.zeros((EDGE_DIM,), jnp.float32)

        @pl.loop(0, ROWS_PER_SUB // CHUNK)
        def _(j):
            pltpu.sync_copy(zero_v,
                            acc_sh.at[pl.ds(s * ROWS_PER_SUB + j * CHUNK,
                                            CHUNK)])

        plsc.subcore_barrier()

        lo = lo_chunk + w * base + jnp.minimum(w, extra)
        cnt = base + jnp.where(w < extra, 1, 0)
        hi = lo + cnt

        fetch(lo, 0)
        fetch(lo + 1, 1)

        @pl.loop(0, base // 2)
        def _(jj):
            k0 = lo + 2 * jj

            wait_fetch(k0, 0)
            scatter_start(0)
            wait_fetch(k0 + 1, 1)
            scatter_start(1)

            scatter_wait(0)

            @pl.when(k0 + 2 < hi)
            def _():
                fetch(k0 + 2, 0)

            scatter_wait(1)

            @pl.when(k0 + 3 < hi)
            def _():
                fetch(k0 + 3, 1)

        @pl.when(cnt > base)
        def _():
            wait_fetch(hi - 1, 0)
            scatter_start(0)
            scatter_wait(0)

        plsc.subcore_barrier()

        pltpu.sync_copy(acc_sh.at[pl.ds(s * ROWS_PER_SUB, ROWS_PER_SUB)],
                        out_hbm.at[c, pl.ds(s * ROWS_PER_SUB, ROWS_PER_SUB)])

    return kern(edges_slabs, recv2)


BLK = 1000


def _tc_mlp_kernel(nodes_ref, pa_ref, pb_ref, batch_ref, gg_ref, w1_ref,
                   b1_ref, w2_ref, b2_ref, out_ref):
    f32 = jnp.float32
    nodes = nodes_ref[...]
    pa = pa_ref[...]
    pb = pb_ref[...]
    agg = pa[0] + pa[1] + pb[0] + pb[1]
    bt = batch_ref[0, 0, :]
    gh = jnp.dot(gg_ref[...], w1_ref[NODE_DIM + EDGE_DIM:, :],
                 preferred_element_type=f32)
    onehot = (bt[:, None] == lax.broadcasted_iota(jnp.int32, (BLK, G), 1)
              ).astype(f32)
    acc = (jnp.dot(nodes, w1_ref[:NODE_DIM, :], preferred_element_type=f32)
           + jnp.dot(agg, w1_ref[NODE_DIM:NODE_DIM + EDGE_DIM, :],
                     preferred_element_type=f32)
           + jnp.dot(onehot, gh, preferred_element_type=f32)
           + b1_ref[...])
    h = jnp.maximum(acc, 0.0)
    out_ref[...] = jnp.dot(h, w2_ref[...], preferred_element_type=f32) \
        + b2_ref[...]


HALF_A_CHUNKS = 1280
HALF_B_CHUNKS = NUM_CHUNKS - HALF_A_CHUNKS


def kernel(nodes, edges, edge_index, graph_globals, batch, W1, b1, W2, b2):
    recv2 = _extract_recv(edge_index)
    slabs_a = _edges_to_slabs(edges, 0, 5)
    partials_a = _sc_segment_sum(slabs_a, recv2, 0,
                                 HALF_A_CHUNKS // NW, 0)
    slabs_b = _edges_to_slabs(edges, 5, 5)
    partials_b = _sc_segment_sum(slabs_b, recv2, HALF_A_CHUNKS,
                                 HALF_B_CHUNKS // NW,
                                 HALF_B_CHUNKS % NW)

    batch3 = batch.reshape(N // BLK, 1, BLK)
    grid = (N // BLK,)
    out = pl.pallas_call(
        _tc_mlp_kernel,
        grid=grid,
        in_specs=[
            pl.BlockSpec((BLK, NODE_DIM), lambda i: (i, 0)),
            pl.BlockSpec((NC, BLK, EDGE_DIM), lambda i: (0, i, 0)),
            pl.BlockSpec((NC, BLK, EDGE_DIM), lambda i: (0, i, 0)),
            pl.BlockSpec((1, 1, BLK), lambda i: (i, 0, 0)),
            pl.BlockSpec((G, GLOBAL_DIM), lambda i: (0, 0)),
            pl.BlockSpec((NODE_DIM + EDGE_DIM + GLOBAL_DIM, HIDDEN),
                         lambda i: (0, 0)),
            pl.BlockSpec((1, HIDDEN), lambda i: (0, 0)),
            pl.BlockSpec((HIDDEN, NODE_DIM), lambda i: (0, 0)),
            pl.BlockSpec((1, NODE_DIM), lambda i: (0, 0)),
        ],
        out_specs=pl.BlockSpec((BLK, NODE_DIM), lambda i: (i, 0)),
        out_shape=jax.ShapeDtypeStruct((N, NODE_DIM), jnp.float32),
    )(nodes, partials_a, partials_b, batch3, graph_globals, W1,
      b1.reshape(1, HIDDEN), W2, b2.reshape(1, NODE_DIM))
    return out

# --- scband reference (transcript-rebuilt; emitter-appended) ---
"""Pipeline reference for scband-node-block-1855425872042 (READ-ONLY COPY).

The authoritative reference and input builder live on the scoring server;
editing this copy changes nothing except your own understanding.
"""

import jax, jax.numpy as jnp
import numpy as np

N = 10000
E = 320000
NODE_DIM = 128
EDGE_DIM = 16
GLOBAL_DIM = 64
HIDDEN = 64
G = 64


def setup_inputs(seed: int = 0) -> dict:
    key = jax.random.key(seed)
    ks = jax.random.split(key, 9)
    nodes = jax.random.normal(ks[0], (N, NODE_DIM), dtype=jnp.float32)
    edges = jax.random.normal(ks[1], (E, EDGE_DIM), dtype=jnp.float32)
    edge_index = jax.random.randint(ks[2], (2, E), 0, N, dtype=jnp.int32)
    graph_globals = jax.random.normal(ks[3], (G, GLOBAL_DIM), dtype=jnp.float32)
    batch = jnp.sort(jax.random.randint(ks[4], (N,), 0, G, dtype=jnp.int32))
    in_dim = NODE_DIM + EDGE_DIM + GLOBAL_DIM
    W1 = jax.random.normal(ks[5], (in_dim, HIDDEN), dtype=jnp.float32) * 0.05
    b1 = jnp.zeros((HIDDEN,), dtype=jnp.float32)
    W2 = jax.random.normal(ks[6], (HIDDEN, NODE_DIM), dtype=jnp.float32) * 0.05
    b2 = jnp.zeros((NODE_DIM,), dtype=jnp.float32)
    return {
        "nodes": nodes,
        "edges": edges,
        "edge_index": edge_index,
        "graph_globals": graph_globals,
        "batch": batch,
        "W1": W1,
        "b1": b1,
        "W2": W2,
        "b2": b2,
    }


def reference(nodes, edges, edge_index, graph_globals, batch, W1, b1, W2, b2):
    # NodeBlock: V' = phi_v([V, rho_e->v(E), U])
    recv = edge_index[1]
    # agg_edges_to_nodes: scatter-add of edge messages into receiving nodes
    agg = jax.ops.segment_sum(edges, recv, num_segments=nodes.shape[0])
    # broadcast per-graph globals to nodes via batch assignment (gather)
    u = jnp.take(graph_globals, batch, axis=0)
    x = jnp.concatenate([nodes, agg, u], axis=1)
    h = jnp.maximum(x @ W1 + b1, 0.0)
    new_nodes = h @ W2 + b2
    return new_nodes

if __name__ == "__main__":
    import jax
    _d = setup_inputs()
    print(jax.jit(kernel)(*tuple(_d.values())))

</pallas_src>

<mosaic_0001>
#map = affine_map<(d0, d1) -> (0, 0)>
#map1 = affine_map<(d0, d1) -> (0, 0, 0)>
module attributes {stable_mosaic.version = 14 : i64} {
  func.func @kern(%arg0: i32, %arg1: i32, %arg2: memref<20480x128xf32, #tpu.memory_space<hbm>>, %arg3: memref<2560x128xi32, #tpu.memory_space<hbm>>, %arg4: memref<2x10240x16xf32, #tpu.memory_space<hbm>>, %arg5: memref<2x128xi32, #tpu.memory_space<vmem>>, %arg6: memref<128x16xf32, #tpu.memory_space<vmem>>, %arg7: memref<128x16xf32, #tpu.memory_space<vmem>>, %arg8: memref<128x16xf32, #tpu.memory_space<vmem>>, %arg9: memref<10240x16xf32, #tpu.memory_space<vmem_shared>>, %arg10: memref<2x!tpu.dma_semaphore, #tpu.memory_space<semaphore_mem>>, %arg11: memref<2x!tpu.dma_semaphore, #tpu.memory_space<semaphore_mem>>) attributes {dimension_semantics = [#tpu.dimension_semantics<core_parallel>, #tpu.dimension_semantics<subcore_parallel>], iteration_bounds = array<i64: 2, 16>, scalar_prefetch = 0 : i64, scratch_operands = 7 : i64, tpu.core_type = #tpu.core_type<sc_vector_subcore>, window_params = [{transform_indices = #map}, {transform_indices = #map}, {transform_indices = #map1}]} {
    %mul3A = arith.constant 16 : i32
    %mul3A_0 = arith.muli %arg0, %mul3A : i32
    %add3A = arith.addi %mul3A_0, %arg1 : i32
    %scan3A = arith.constant 0 : i32
    %scan3A_1 = arith.constant 128 : i32
    %scan3A_2 = arith.addi %scan3A, %scan3A_1 : i32
    %scan3A_3 = arith.constant 1 : i32
    scf.for %scan3A_241 = %scan3A to %scan3A_2 step %scan3A_3  : i32 {
      %mul3A_242 = arith.constant 1 : i32
      %mul3A_243 = arith.muli %scan3A_241, %mul3A_242 : i32
      %add3A_244 = arith.constant 0 : i32
      %add3A_245 = arith.addi %add3A_244, %mul3A_243 : i32
      %broadcast_in_dim3A = arith.constant 0.000000e+00 : f32
      %broadcast_in_dim3A_246 = vector.broadcast %broadcast_in_dim3A : f32 to vector<16xf32>
      %swap3A = arith.index_cast %add3A_245 : i32 to index
      %swap3A_247 = arith.constant 0 : index
      %swap3A_248 = tpu.vector_load %arg8[%swap3A, %swap3A_247] {strides = array<i32>} : memref<128x16xf32, #tpu.memory_space<vmem>>, vector<1x16xf32>,
      %swap3A_249 = vector.shape_cast %swap3A_248 : vector<1x16xf32> to vector<16xf32>
      %swap3A_250 = vector.shape_cast %broadcast_in_dim3A_246 : vector<16xf32> to vector<1x16xf32>
      tpu.vector_store %arg8[%swap3A, %swap3A_247], %swap3A_250 {strides = array<i32>} : memref<128x16xf32, #tpu.memory_space<vmem>>, vector<1x16xf32>,
    }
    %scan3A_4 = arith.constant 128 : i32
    %scan3A_5 = arith.constant 0 : i32
    %scan3A_6 = arith.constant 5 : i32
    %scan3A_7 = arith.addi %scan3A_5, %scan3A_6 : i32
    %scan3A_8 = arith.constant 1 : i32
    scf.for %scan3A_241 = %scan3A_5 to %scan3A_7 step %scan3A_8  : i32 {
      %mul3A_242 = arith.constant 1 : i32
      %mul3A_243 = arith.muli %scan3A_241, %mul3A_242 : i32
      %add3A_244 = arith.constant 0 : i32
      %add3A_245 = arith.addi %add3A_244, %mul3A_243 : i32
      %mul3A_246 = arith.constant 640 : i32
      %mul3A_247 = arith.muli %arg1, %mul3A_246 : i32
      %mul3A_248 = arith.constant 128 : i32
      %mul3A_249 = arith.muli %add3A_245, %mul3A_248 : i32
      %add3A_250 = arith.addi %mul3A_247, %mul3A_249 : i32
      "tpu.region"() ({
        %run_scoped3A = tpu.sem_alloc : memref<!tpu.dma_semaphore, #tpu.memory_space<semaphore_mem>>
        %dma_start3A_251 = arith.constant 0 : i32
        %dma_start3A_252 = tpu.memref_slice %arg9[%add3A_250, %dma_start3A_251] : memref<10240x16xf32, #tpu.memory_space<vmem_shared>> -> memref<128x16xf32, #tpu.memory_space<vmem_shared>>
        %dma_start3A_253 = arith.constant 0 : i32
        %dma_start3A_254 = tpu.memref_slice %arg9[%add3A_250, %dma_start3A_253] : memref<10240x16xf32, #tpu.memory_space<vmem_shared>> -> memref<128x16xf32, #tpu.memory_space<vmem_shared>>
        tpu.enqueue_dma source(%arg8 : memref<128x16xf32, #tpu.memory_space<vmem>>) target(%dma_start3A_254 : memref<128x16xf32, #tpu.memory_space<vmem_shared>>) target_semaphore(%run_scoped3A : memref<!tpu.dma_semaphore, #tpu.memory_space<semaphore_mem>>)
        %dma_wait3A = arith.constant 0 : i32
        %dma_wait3A_255 = tpu.memref_slice %arg9[%add3A_250, %dma_wait3A] : memref<10240x16xf32, #tpu.memory_space<vmem_shared>> -> memref<128x16xf32, #tpu.memory_space<vmem_shared>>
        %dma_wait3A_256 = arith.constant 0 : i32
        %dma_wait3A_257 = tpu.memref_slice %arg9[%add3A_250, %dma_wait3A_256] : memref<10240x16xf32, #tpu.memory_space<vmem_shared>> -> memref<128x16xf32, #tpu.memory_space<vmem_shared>>
        tpu.wait_dma2 semaphore(%run_scoped3A : memref<!tpu.dma_semaphore, #tpu.memory_space<semaphore_mem>>) src(%arg8 : memref<128x16xf32, #tpu.memory_space<vmem>>) dst(%dma_wait3A_257 : memref<128x16xf32, #tpu.memory_space<vmem_shared>>)
        tpu.yield
      }) : () -> ()
    }
    %scan3A_9 = arith.constant 5 : i32
    %barrier3A = arith.constant 0 : index
    tpu.barrier barrier_id(%barrier3A)
    %mul3A_10 = arith.constant 40 : i32
    %mul3A_11 = arith.muli %add3A, %mul3A_10 : i32
    %add3A_12 = arith.constant 0 : i32
    %add3A_13 = arith.addi %add3A_12, %mul3A_11 : i32
    %min3A = arith.constant 0 : i32
    %min3A_14 = arith.minsi %add3A, %min3A : i32
    %add3A_15 = arith.addi %add3A_13, %min3A_14 : i32
    %lt3A = arith.constant 0 : i32
    %lt3A_16 = arith.cmpi slt, %add3A, %lt3A : i32
    %jit3A = arith.constant 1 : i32
    %jit3A_17 = arith.constant 0 : i32
    %select_n3A = arith.select %lt3A_16, %jit3A, %jit3A_17 : i32
    %add3A_18 = arith.constant 40 : i32
    %add3A_19 = arith.addi %add3A_18, %select_n3A : i32
    %add3A_20 = arith.addi %add3A_15, %add3A_19 : i32
    %dma_start3A = arith.constant 0 : i32
    %dma_start3A_21 = arith.constant 0 : i32
    %dma_start3A_22 = arith.constant 0 : i32
    %dma_start3A_23 = tpu.memref_slice %arg5[%dma_start3A_21, %dma_start3A_22] : memref<2x128xi32, #tpu.memory_space<vmem>> -> memref<1x128xi32, #tpu.memory_space<vmem>>
    %dma_start3A_24 = arith.constant 0 : i32
    %dma_start3A_25 = tpu.memref_slice %arg3[%add3A_15, %dma_start3A_24] : memref<2560x128xi32, #tpu.memory_space<hbm>> -> memref<1x128xi32, #tpu.memory_space<hbm>>
    %dma_start3A_26 = tpu.memref_slice %arg10[%dma_start3A] : memref<2x!tpu.dma_semaphore, #tpu.memory_space<semaphore_mem>> -> memref<1x!tpu.dma_semaphore, #tpu.memory_space<semaphore_mem>>
    %dma_start3A_27 = tpu.memref_squeeze %dma_start3A_26 : memref<1x!tpu.dma_semaphore, #tpu.memory_space<semaphore_mem>> -> memref<!tpu.dma_semaphore, #tpu.memory_space<semaphore_mem>>
    %dma_start3A_28 = arith.constant 0 : i32
    %dma_start3A_29 = arith.constant 0 : i32
    %dma_start3A_30 = tpu.memref_slice %arg5[%dma_start3A_28, %dma_start3A_29] : memref<2x128xi32, #tpu.memory_space<vmem>> -> memref<1x128xi32, #tpu.memory_space<vmem>>
    %dma_start3A_31 = arith.constant 0 : i32
    %dma_start3A_32 = tpu.memref_slice %arg3[%add3A_15, %dma_start3A_31] : memref<2560x128xi32, #tpu.memory_space<hbm>> -> memref<1x128xi32, #tpu.memory_space<hbm>>
    tpu.enqueue_dma source(%dma_start3A_32 : memref<1x128xi32, #tpu.memory_space<hbm>>) target(%dma_start3A_30 : memref<1x128xi32, #tpu.memory_space<vmem>>) target_semaphore(%dma_start3A_27 : memref<!tpu.dma_semaphore, #tpu.memory_space<semaphore_mem>>)
    %sub3A = arith.constant 0 : i32
    %sub3A_33 = arith.subi %add3A_15, %sub3A : i32
    %jit3A_34 = arith.constant 256 : i32
    %div3A = arith.divsi %sub3A_33, %jit3A_34 : i32
    %sign3A = arith.constant 0 : i32
    %sign3A_35 = arith.cmpi sgt, %sub3A_33, %sign3A : i32
    %sign3A_36 = arith.extui %sign3A_35 : i1 to i32
    %sign3A_37 = arith.constant 0 : i32
    %sign3A_38 = arith.cmpi slt, %sub3A_33, %sign3A_37 : i32
    %sign3A_39 = arith.extui %sign3A_38 : i1 to i32
    %sign3A_40 = arith.subi %sign3A_36, %sign3A_39 : i32
    %sign3A_41 = arith.constant 0 : i32
    %sign3A_42 = arith.cmpi sgt, %jit3A_34, %sign3A_41 : i32
    %sign3A_43 = arith.extui %sign3A_42 : i1 to i32
    %sign3A_44 = arith.constant 0 : i32
    %sign3A_45 = arith.cmpi slt, %jit3A_34, %sign3A_44 : i32
    %sign3A_46 = arith.extui %sign3A_45 : i1 to i32
    %sign3A_47 = arith.subi %sign3A_43, %sign3A_46 : i32
    %ne3A = arith.cmpi ne, %sign3A_40, %sign3A_47 : i32
    %rem3A = arith.remsi %sub3A_33, %jit3A_34 : i32
    %ne3A_48 = arith.constant 0 : i32
    %ne3A_49 = arith.cmpi ne, %rem3A, %ne3A_48 : i32
    %and3A = arith.andi %ne3A, %ne3A_49 : i1
    %sub3A_50 = arith.constant 1 : i32
    %sub3A_51 = arith.subi %div3A, %sub3A_50 : i32
    %select_n3A_52 = arith.select %and3A, %sub3A_51, %div3A : i32
    %jit3A_53 = arith.constant 256 : i32
    %eq3A = arith.constant 0 : i32
    %eq3A_54 = arith.cmpi eq, %jit3A_53, %eq3A : i32
    %jit3A_55 = arith.constant 1 : i32
    %select_n3A_56 = arith.select %eq3A_54, %jit3A_55, %jit3A_53 : i32
    %rem3A_57 = arith.remsi %sub3A_33, %select_n3A_56 : i32
    %ne3A_58 = arith.constant 0 : i32
    %ne3A_59 = arith.cmpi ne, %rem3A_57, %ne3A_58 : i32
    %lt3A_60 = arith.constant 0 : i32
    %lt3A_61 = arith.cmpi slt, %rem3A_57, %lt3A_60 : i32
    %lt3A_62 = arith.constant 0 : i32
    %lt3A_63 = arith.cmpi slt, %select_n3A_56, %lt3A_62 : i32
    %ne3A_64 = arith.xori %lt3A_61, %lt3A_63 : i1
    %and3A_65 = arith.andi %ne3A_64, %ne3A_59 : i1
    %add3A_66 = arith.addi %rem3A_57, %select_n3A_56 : i32
    %select_n3A_67 = arith.select %and3A_65, %add3A_66, %rem3A_57 : i32
    %mul3A_68 = arith.constant 4096 : i32
    %mul3A_69 = arith.muli %select_n3A_52, %mul3A_68 : i32
    %jit3A_70 = arith.constant 32 : i32
    %eq3A_71 = arith.constant 0 : i32
    %eq3A_72 = arith.cmpi eq, %jit3A_70, %eq3A_71 : i32
    %jit3A_73 = arith.constant 1 : i32
    %select_n3A_74 = arith.select %eq3A_72, %jit3A_73, %jit3A_70 : i32
    %rem3A_75 = arith.remsi %select_n3A_67, %select_n3A_74 : i32
    %ne3A_76 = arith.constant 0 : i32
    %ne3A_77 = arith.cmpi ne, %rem3A_75, %ne3A_76 : i32
    %lt3A_78 = arith.constant 0 : i32
    %lt3A_79 = arith.cmpi slt, %rem3A_75, %lt3A_78 : i32
    %lt3A_80 = arith.constant 0 : i32
    %lt3A_81 = arith.cmpi slt, %select_n3A_74, %lt3A_80 : i32
    %ne3A_82 = arith.xori %lt3A_79, %lt3A_81 : i1
    %and3A_83 = arith.andi %ne3A_82, %ne3A_77 : i1
    %add3A_84 = arith.addi %rem3A_75, %select_n3A_74 : i32
    %select_n3A_85 = arith.select %and3A_83, %add3A_84, %rem3A_75 : i32
    %mul3A_86 = arith.constant 128 : i32
    %mul3A_87 = arith.muli %select_n3A_85, %mul3A_86 : i32
    %add3A_88 = arith.addi %mul3A_69, %mul3A_87 : i32
    %jit3A_89 = arith.constant 32 : i32
    %div3A_90 = arith.divsi %select_n3A_67, %jit3A_89 : i32
    %sign3A_91 = arith.constant 0 : i32
    %sign3A_92 = arith.cmpi sgt, %select_n3A_67, %sign3A_91 : i32
    %sign3A_93 = arith.extui %sign3A_92 : i1 to i32
    %sign3A_94 = arith.constant 0 : i32
    %sign3A_95 = arith.cmpi slt, %select_n3A_67, %sign3A_94 : i32
    %sign3A_96 = arith.extui %sign3A_95 : i1 to i32
    %sign3A_97 = arith.subi %sign3A_93, %sign3A_96 : i32
    %sign3A_98 = arith.constant 0 : i32
    %sign3A_99 = arith.cmpi sgt, %jit3A_89, %sign3A_98 : i32
    %sign3A_100 = arith.extui %sign3A_99 : i1 to i32
    %sign3A_101 = arith.constant 0 : i32
    %sign3A_102 = arith.cmpi slt, %jit3A_89, %sign3A_101 : i32
    %sign3A_103 = arith.extui %sign3A_102 : i1 to i32
    %sign3A_104 = arith.subi %sign3A_100, %sign3A_103 : i32
    %ne3A_105 = arith.cmpi ne, %sign3A_97, %sign3A_104 : i32
    %rem3A_106 = arith.remsi %select_n3A_67, %jit3A_89 : i32
    %ne3A_107 = arith.constant 0 : i32
    %ne3A_108 = arith.cmpi ne, %rem3A_106, %ne3A_107 : i32
    %and3A_109 = arith.andi %ne3A_105, %ne3A_108 : i1
    %sub3A_110 = arith.constant 1 : i32
    %sub3A_111 = arith.subi %div3A_90, %sub3A_110 : i32
    %select_n3A_112 = arith.select %and3A_109, %sub3A_111, %div3A_90 : i32
    %mul3A_113 = arith.constant 16 : i32
    %mul3A_114 = arith.muli %select_n3A_112, %mul3A_113 : i32
    %dma_start3A_115 = arith.constant 0 : i32
    %dma_start3A_116 = tpu.memref_slice %arg2[%add3A_88, %mul3A_114] : memref<20480x128xf32, #tpu.memory_space<hbm>> -> memref<128x16xf32, #tpu.memory_space<hbm>>
    %dma_start3A_117 = tpu.memref_slice %arg10[%dma_start3A_115] : memref<2x!tpu.dma_semaphore, #tpu.memory_space<semaphore_mem>> -> memref<1x!tpu.dma_semaphore, #tpu.memory_space<semaphore_mem>>
    %dma_start3A_118 = tpu.memref_squeeze %dma_start3A_117 : memref<1x!tpu.dma_semaphore, #tpu.memory_space<semaphore_mem>> -> memref<!tpu.dma_semaphore, #tpu.memory_space<semaphore_mem>>
    %dma_start3A_119 = tpu.memref_slice %arg2[%add3A_88, %mul3A_114] : memref<20480x128xf32, #tpu.memory_space<hbm>> -> memref<128x16xf32, #tpu.memory_space<hbm>>
    tpu.enqueue_dma source(%dma_start3A_119 : memref<128x16xf32, #tpu.memory_space<hbm>>) target(%arg6 : memref<128x16xf32, #tpu.memory_space<vmem>>) target_semaphore(%dma_start3A_118 : memref<!tpu.dma_semaphore, #tpu.memory_space<semaphore_mem>>)
    %add3A_120 = arith.constant 1 : i32
    %add3A_121 = arith.addi %add3A_15, %add3A_120 : i32
    %dma_start3A_122 = arith.constant 1 : i32
    %dma_start3A_123 = arith.constant 1 : i32
    %dma_start3A_124 = arith.constant 0 : i32
    %dma_start3A_125 = tpu.memref_slice %arg5[%dma_start3A_123, %dma_start3A_124] : memref<2x128xi32, #tpu.memory_space<vmem>> -> memref<1x128xi32, #tpu.memory_space<vmem>>
    %dma_start3A_126 = arith.constant 0 : i32
    %dma_start3A_127 = tpu.memref_slice %arg3[%add3A_121, %dma_start3A_126] : memref<2560x128xi32, #tpu.memory_space<hbm>> -> memref<1x128xi32, #tpu.memory_space<hbm>>
    %dma_start3A_128 = tpu.memref_slice %arg10[%dma_start3A_122] : memref<2x!tpu.dma_semaphore, #tpu.memory_space<semaphore_mem>> -> memref<1x!tpu.dma_semaphore, #tpu.memory_space<semaphore_mem>>
    %dma_start3A_129 = tpu.memref_squeeze %dma_start3A_128 : memref<1x!tpu.dma_semaphore, #tpu.memory_space<semaphore_mem>> -> memref<!tpu.dma_semaphore, #tpu.memory_space<semaphore_mem>>
    %dma_start3A_130 = arith.constant 1 : i32
    %dma_start3A_131 = arith.constant 0 : i32
    %dma_start3A_132 = tpu.memref_slice %arg5[%dma_start3A_130, %dma_start3A_131] : memref<2x128xi32, #tpu.memory_space<vmem>> -> memref<1x128xi32, #tpu.memory_space<vmem>>
    %dma_start3A_133 = arith.constant 0 : i32
    %dma_start3A_134 = tpu.memref_slice %arg3[%add3A_121, %dma_start3A_133] : memref<2560x128xi32, #tpu.memory_space<hbm>> -> memref<1x128xi32, #tpu.memory_space<hbm>>
    tpu.enqueue_dma source(%dma_start3A_134 : memref<1x128xi32, #tpu.memory_space<hbm>>) target(%dma_start3A_132 : memref<1x128xi32, #tpu.memory_space<vmem>>) target_semaphore(%dma_start3A_129 : memref<!tpu.dma_semaphore, #tpu.memory_space<semaphore_mem>>)
    %sub3A_135 = arith.constant 0 : i32
    %sub3A_136 = arith.subi %add3A_121, %sub3A_135 : i32
    %jit3A_137 = arith.constant 256 : i32
    %div3A_138 = arith.divsi %sub3A_136, %jit3A_137 : i32
    %sign3A_139 = arith.constant 0 : i32
    %sign3A_140 = arith.cmpi sgt, %sub3A_136, %sign3A_139 : i32
    %sign3A_141 = arith.extui %sign3A_140 : i1 to i32
    %sign3A_142 = arith.constant 0 : i32
    %sign3A_143 = arith.cmpi slt, %sub3A_136, %sign3A_142 : i32
    %sign3A_144 = arith.extui %sign3A_143 : i1 to i32
    %sign3A_145 = arith.subi %sign3A_141, %sign3A_144 : i32
    %sign3A_146 = arith.constant 0 : i32
    %sign3A_147 = arith.cmpi sgt, %jit3A_137, %sign3A_146 : i32
    %sign3A_148 = arith.extui %sign3A_147 : i1 to i32
    %sign3A_149 = arith.constant 0 : i32
    %sign3A_150 = arith.cmpi slt, %jit3A_137, %sign3A_149 : i32
    %sign3A_151 = arith.extui %sign3A_150 : i1 to i32
    %sign3A_152 = arith.subi %sign3A_148, %sign3A_151 : i32
    %ne3A_153 = arith.cmpi ne, %sign3A_145, %sign3A_152 : i32
    %rem3A_154 = arith.remsi %sub3A_136, %jit3A_137 : i32
    %ne3A_155 = arith.constant 0 : i32
    %ne3A_156 = arith.cmpi ne, %rem3A_154, %ne3A_155 : i32
    %and3A_157 = arith.andi %ne3A_153, %ne3A_156 : i1
    %sub3A_158 = arith.constant 1 : i32
    %sub3A_159 = arith.subi %div3A_138, %sub3A_158 : i32
    %select_n3A_160 = arith.select %and3A_157, %sub3A_159, %div3A_138 : i32
    %jit3A_161 = arith.constant 256 : i32
    %eq3A_162 = arith.constant 0 : i32
    %eq3A_163 = arith.cmpi eq, %jit3A_161, %eq3A_162 : i32
    %jit3A_164 = arith.constant 1 : i32
    %select_n3A_165 = arith.select %eq3A_163, %jit3A_164, %jit3A_161 : i32
    %rem3A_166 = arith.remsi %sub3A_136, %select_n3A_165 : i32
    %ne3A_167 = arith.constant 0 : i32
    %ne3A_168 = arith.cmpi ne, %rem3A_166, %ne3A_167 : i32
    %lt3A_169 = arith.constant 0 : i32
    %lt3A_170 = arith.cmpi slt, %rem3A_166, %lt3A_169 : i32
    %lt3A_171 = arith.constant 0 : i32
    %lt3A_172 = arith.cmpi slt, %select_n3A_165, %lt3A_171 : i32
    %ne3A_173 = arith.xori %lt3A_170, %lt3A_172 : i1
    %and3A_174 = arith.andi %ne3A_173, %ne3A_168 : i1
    %add3A_175 = arith.addi %rem3A_166, %select_n3A_165 : i32
    %select_n3A_176 = arith.select %and3A_174, %add3A_175, %rem3A_166 : i32
    %mul3A_177 = arith.constant 4096 : i32
    %mul3A_178 = arith.muli %select_n3A_160, %mul3A_177 : i32
    %jit3A_179 = arith.constant 32 : i32
    %eq3A_180 = arith.constant 0 : i32
    %eq3A_181 = arith.cmpi eq, %jit3A_179, %eq3A_180 : i32
    %jit3A_182 = arith.constant 1 : i32
    %select_n3A_183 = arith.select %eq3A_181, %jit3A_182, %jit3A_179 : i32
    %rem3A_184 = arith.remsi %select_n3A_176, %select_n3A_183 : i32
    %ne3A_185 = arith.constant 0 : i32
    %ne3A_186 = arith.cmpi ne, %rem3A_184, %ne3A_185 : i32
    %lt3A_187 = arith.constant 0 : i32
    %lt3A_188 = arith.cmpi slt, %rem3A_184, %lt3A_187 : i32
    %lt3A_189 = arith.constant 0 : i32
    %lt3A_190 = arith.cmpi slt, %select_n3A_183, %lt3A_189 : i32
    %ne3A_191 = arith.xori %lt3A_188, %lt3A_190 : i1
    %and3A_192 = arith.andi %ne3A_191, %ne3A_186 : i1
    %add3A_193 = arith.addi %rem3A_184, %select_n3A_183 : i32
    %select_n3A_194 = arith.select %and3A_192, %add3A_193, %rem3A_184 : i32
    %mul3A_195 = arith.constant 128 : i32
    %mul3A_196 = arith.muli %select_n3A_194, %mul3A_195 : i32
    %add3A_197 = arith.addi %mul3A_178, %mul3A_196 : i32
    %jit3A_198 = arith.constant 32 : i32
    %div3A_199 = arith.divsi %select_n3A_176, %jit3A_198 : i32
    %sign3A_200 = arith.constant 0 : i32
    %sign3A_201 = arith.cmpi sgt, %select_n3A_176, %sign3A_200 : i32
    %sign3A_202 = arith.extui %sign3A_201 : i1 to i32
    %sign3A_203 = arith.constant 0 : i32
    %sign3A_204 = arith.cmpi slt, %select_n3A_176, %sign3A_203 : i32
    %sign3A_205 = arith.extui %sign3A_204 : i1 to i32
    %sign3A_206 = arith.subi %sign3A_202, %sign3A_205 : i32
    %sign3A_207 = arith.constant 0 : i32
    %sign3A_208 = arith.cmpi sgt, %jit3A_198, %sign3A_207 : i32
    %sign3A_209 = arith.extui %sign3A_208 : i1 to i32
    %sign3A_210 = arith.constant 0 : i32
    %sign3A_211 = arith.cmpi slt, %jit3A_198, %sign3A_210 : i32
    %sign3A_212 = arith.extui %sign3A_211 : i1 to i32
    %sign3A_213 = arith.subi %sign3A_209, %sign3A_212 : i32
    %ne3A_214 = arith.cmpi ne, %sign3A_206, %sign3A_213 : i32
    %rem3A_215 = arith.remsi %select_n3A_176, %jit3A_198 : i32
    %ne3A_216 = arith.constant 0 : i32
    %ne3A_217 = arith.cmpi ne, %rem3A_215, %ne3A_216 : i32
    %and3A_218 = arith.andi %ne3A_214, %ne3A_217 : i1
    %sub3A_219 = arith.constant 1 : i32
    %sub3A_220 = arith.subi %div3A_199, %sub3A_219 : i32
    %select_n3A_221 = arith.select %and3A_218, %sub3A_220, %div3A_199 : i32
    %mul3A_222 = arith.constant 16 : i32
    %mul3A_223 = arith.muli %select_n3A_221, %mul3A_222 : i32
    %dma_start3A_224 = arith.constant 1 : i32
    %dma_start3A_225 = tpu.memref_slice %arg2[%add3A_197, %mul3A_223] : memref<20480x128xf32, #tpu.memory_space<hbm>> -> memref<128x16xf32, #tpu.memory_space<hbm>>
    %dma_start3A_226 = tpu.memref_slice %arg10[%dma_start3A_224] : memref<2x!tpu.dma_semaphore, #tpu.memory_space<semaphore_mem>> -> memref<1x!tpu.dma_semaphore, #tpu.memory_space<semaphore_mem>>
    %dma_start3A_227 = tpu.memref_squeeze %dma_start3A_226 : memref<1x!tpu.dma_semaphore, #tpu.memory_space<semaphore_mem>> -> memref<!tpu.dma_semaphore, #tpu.memory_space<semaphore_mem>>
    %dma_start3A_228 = tpu.memref_slice %arg2[%add3A_197, %mul3A_223] : memref<20480x128xf32, #tpu.memory_space<hbm>> -> memref<128x16xf32, #tpu.memory_space<hbm>>
    tpu.enqueue_dma source(%dma_start3A_228 : memref<128x16xf32, #tpu.memory_space<hbm>>) target(%arg7 : memref<128x16xf32, #tpu.memory_space<vmem>>) target_semaphore(%dma_start3A_227 : memref<!tpu.dma_semaphore, #tpu.memory_space<semaphore_mem>>)
    %scan3A_229 = arith.constant 0 : i32
    %scan3A_230 = arith.constant 20 : i32
    %scan3A_231 = arith.addi %scan3A_229, %scan3A_230 : i32
    %scan3A_232 = arith.constant 1 : i32
    scf.for %scan3A_241 = %scan3A_229 to %scan3A_231 step %scan3A_232  : i32 {
      %mul3A_242 = arith.constant 1 : i32
      %mul3A_243 = arith.muli %scan3A_241, %mul3A_242 : i32
      %add3A_244 = arith.constant 0 : i32
      %add3A_245 = arith.addi %add3A_244, %mul3A_243 : i32
      %mul3A_246 = arith.constant 2 : i32
      %mul3A_247 = arith.muli %mul3A_246, %add3A_245 : i32
      %add3A_248 = arith.addi %add3A_15, %mul3A_247 : i32
      %dma_wait3A = arith.constant 0 : i32
      %dma_wait3A_249 = arith.constant 0 : i32
      %dma_wait3A_250 = arith.constant 0 : i32
      %dma_wait3A_251 = tpu.memref_slice %arg5[%dma_wait3A_249, %dma_wait3A_250] : memref<2x128xi32, #tpu.memory_space<vmem>> -> memref<1x128xi32, #tpu.memory_space<vmem>>
      %dma_wait3A_252 = arith.constant 0 : i32
      %dma_wait3A_253 = tpu.memref_slice %arg3[%add3A_248, %dma_wait3A_252] : memref<2560x128xi32, #tpu.memory_space<hbm>> -> memref<1x128xi32, #tpu.memory_space<hbm>>
      %dma_wait3A_254 = tpu.memref_slice %arg10[%dma_wait3A] : memref<2x!tpu.dma_semaphore, #tpu.memory_space<semaphore_mem>> -> memref<1x!tpu.dma_semaphore, #tpu.memory_space<semaphore_mem>>
      %dma_wait3A_255 = tpu.memref_squeeze %dma_wait3A_254 : memref<1x!tpu.dma_semaphore, #tpu.memory_space<semaphore_mem>> -> memref<!tpu.dma_semaphore, #tpu.memory_space<semaphore_mem>>
      %dma_wait3A_256 = arith.constant 0 : i32
      %dma_wait3A_257 = arith.constant 0 : i32
      %dma_wait3A_258 = tpu.memref_slice %arg5[%dma_wait3A_256, %dma_wait3A_257] : memref<2x128xi32, #tpu.memory_space<vmem>> -> memref<1x128xi32, #tpu.memory_space<vmem>>
      %dma_wait3A_259 = arith.constant 0 : i32
      %dma_wait3A_260 = tpu.memref_slice %arg3[%add3A_248, %dma_wait3A_259] : memref<2560x128xi32, #tpu.memory_space<hbm>> -> memref<1x128xi32, #tpu.memory_space<hbm>>
      tpu.wait_dma2 semaphore(%dma_wait3A_255 : memref<!tpu.dma_semaphore, #tpu.memory_space<semaphore_mem>>) src(%dma_wait3A_260 : memref<1x128xi32, #tpu.memory_space<hbm>>) dst(%dma_wait3A_258 : memref<1x128xi32, #tpu.memory_space<vmem>>)
      %sub3A_261 = arith.constant 0 : i32
      %sub3A_262 = arith.subi %add3A_248, %sub3A_261 : i32
      %jit3A_263 = arith.constant 256 : i32
      %div3A_264 = arith.divsi %sub3A_262, %jit3A_263 : i32
      %sign3A_265 = arith.constant 0 : i32
      %sign3A_266 = arith.cmpi sgt, %sub3A_262, %sign3A_265 : i32
      %sign3A_267 = arith.extui %sign3A_266 : i1 to i32
      %sign3A_268 = arith.constant 0 : i32
      %sign3A_269 = arith.cmpi slt, %sub3A_262, %sign3A_268 : i32
      %sign3A_270 = arith.extui %sign3A_269 : i1 to i32
      %sign3A_271 = arith.subi %sign3A_267, %sign3A_270 : i32
      %sign3A_272 = arith.constant 0 : i32
      %sign3A_273 = arith.cmpi sgt, %jit3A_263, %sign3A_272 : i32
      %sign3A_274 = arith.extui %sign3A_273 : i1 to i32
      %sign3A_275 = arith.constant 0 : i32
      %sign3A_276 = arith.cmpi slt, %jit3A_263, %sign3A_275 : i32
      %sign3A_277 = arith.extui %sign3A_276 : i1 to i32
      %sign3A_278 = arith.subi %sign3A_274, %sign3A_277 : i32
      %ne3A_279 = arith.cmpi ne, %sign3A_271, %sign3A_278 : i32
      %rem3A_280 = arith.remsi %sub3A_262, %jit3A_263 : i32
      %ne3A_281 = arith.constant 0 : i32
      %ne3A_282 = arith.cmpi ne, %rem3A_280, %ne3A_281 : i32
      %and3A_283 = arith.andi %ne3A_279, %ne3A_282 : i1
      %sub3A_284 = arith.constant 1 : i32
      %sub3A_285 = arith.subi %div3A_264, %sub3A_284 : i32
      %select_n3A_286 = arith.select %and3A_283, %sub3A_285, %div3A_264 : i32
      %jit3A_287 = arith.constant 256 : i32
      %eq3A_288 = arith.constant 0 : i32
      %eq3A_289 = arith.cmpi eq, %jit3A_287, %eq3A_288 : i32
      %jit3A_290 = arith.constant 1 : i32
      %select_n3A_291 = arith.select %eq3A_289, %jit3A_290, %jit3A_287 : i32
      %rem3A_292 = arith.remsi %sub3A_262, %select_n3A_291 : i32
      %ne3A_293 = arith.constant 0 : i32
      %ne3A_294 = arith.cmpi ne, %rem3A_292, %ne3A_293 : i32
      %lt3A_295 = arith.constant 0 : i32
      %lt3A_296 = arith.cmpi slt, %rem3A_292, %lt3A_295 : i32
      %lt3A_297 = arith.constant 0 : i32
      %lt3A_298 = arith.cmpi slt, %select_n3A_291, %lt3A_297 : i32
      %ne3A_299 = arith.xori %lt3A_296, %lt3A_298 : i1
      %and3A_300 = arith.andi %ne3A_299, %ne3A_294 : i1
      %add3A_301 = arith.addi %rem3A_292, %select_n3A_291 : i32
      %select_n3A_302 = arith.select %and3A_300, %add3A_301, %rem3A_292 : i32
      %mul3A_303 = arith.constant 4096 : i32
      %mul3A_304 = arith.muli %select_n3A_286, %mul3A_303 : i32
      %jit3A_305 = arith.constant 32 : i32
      %eq3A_306 = arith.constant 0 : i32
      %eq3A_307 = arith.cmpi eq, %jit3A_305, %eq3A_306 : i32
      %jit3A_308 = arith.constant 1 : i32
      %select_n3A_309 = arith.select %eq3A_307, %jit3A_308, %jit3A_305 : i32
      %rem3A_310 = arith.remsi %select_n3A_302, %select_n3A_309 : i32
      %ne3A_311 = arith.constant 0 : i32
      %ne3A_312 = arith.cmpi ne, %rem3A_310, %ne3A_311 : i32
      %lt3A_313 = arith.constant 0 : i32
      %lt3A_314 = arith.cmpi slt, %rem3A_310, %lt3A_313 : i32
      %lt3A_315 = arith.constant 0 : i32
      %lt3A_316 = arith.cmpi slt, %select_n3A_309, %lt3A_315 : i32
      %ne3A_317 = arith.xori %lt3A_314, %lt3A_316 : i1
      %and3A_318 = arith.andi %ne3A_317, %ne3A_312 : i1
      %add3A_319 = arith.addi %rem3A_310, %select_n3A_309 : i32
      %select_n3A_320 = arith.select %and3A_318, %add3A_319, %rem3A_310 : i32
      %mul3A_321 = arith.constant 128 : i32
      %mul3A_322 = arith.muli %select_n3A_320, %mul3A_321 : i32
      %add3A_323 = arith.addi %mul3A_304, %mul3A_322 : i32
      %jit3A_324 = arith.constant 32 : i32
      %div3A_325 = arith.divsi %select_n3A_302, %jit3A_324 : i32
      %sign3A_326 = arith.constant 0 : i32
      %sign3A_327 = arith.cmpi sgt, %select_n3A_302, %sign3A_326 : i32
      %sign3A_328 = arith.extui %sign3A_327 : i1 to i32
      %sign3A_329 = arith.constant 0 : i32
      %sign3A_330 = arith.cmpi slt, %select_n3A_302, %sign3A_329 : i32
      %sign3A_331 = arith.extui %sign3A_330 : i1 to i32
      %sign3A_332 = arith.subi %sign3A_328, %sign3A_331 : i32
      %sign3A_333 = arith.constant 0 : i32
      %sign3A_334 = arith.cmpi sgt, %jit3A_324, %sign3A_333 : i32
      %sign3A_335 = arith.extui %sign3A_334 : i1 to i32
      %sign3A_336 = arith.constant 0 : i32
      %sign3A_337 = arith.cmpi slt, %jit3A_324, %sign3A_336 : i32
      %sign3A_338 = arith.extui %sign3A_337 : i1 to i32
      %sign3A_339 = arith.subi %sign3A_335, %sign3A_338 : i32
      %ne3A_340 = arith.cmpi ne, %sign3A_332, %sign3A_339 : i32
      %rem3A_341 = arith.remsi %select_n3A_302, %jit3A_324 : i32
      %ne3A_342 = arith.constant 0 : i32
      %ne3A_343 = arith.cmpi ne, %rem3A_341, %ne3A_342 : i32
      %and3A_344 = arith.andi %ne3A_340, %ne3A_343 : i1
      %sub3A_345 = arith.constant 1 : i32
      %sub3A_346 = arith.subi %div3A_325, %sub3A_345 : i32
      %select_n3A_347 = arith.select %and3A_344, %sub3A_346, %div3A_325 : i32
      %mul3A_348 = arith.constant 16 : i32
      %mul3A_349 = arith.muli %select_n3A_347, %mul3A_348 : i32
      %dma_wait3A_350 = arith.constant 0 : i32
      %dma_wait3A_351 = tpu.memref_slice %arg2[%add3A_323, %mul3A_349] : memref<20480x128xf32, #tpu.memory_space<hbm>> -> memref<128x16xf32, #tpu.memory_space<hbm>>
      %dma_wait3A_352 = tpu.memref_slice %arg10[%dma_wait3A_350] : memref<2x!tpu.dma_semaphore, #tpu.memory_space<semaphore_mem>> -> memref<1x!tpu.dma_semaphore, #tpu.memory_space<semaphore_mem>>
      %dma_wait3A_353 = tpu.memref_squeeze %dma_wait3A_352 : memref<1x!tpu.dma_semaphore, #tpu.memory_space<semaphore_mem>> -> memref<!tpu.dma_semaphore, #tpu.memory_space<semaphore_mem>>
      %dma_wait3A_354 = tpu.memref_slice %arg2[%add3A_323, %mul3A_349] : memref<20480x128xf32, #tpu.memory_space<hbm>> -> memref<128x16xf32, #tpu.memory_space<hbm>>
      tpu.wait_dma2 semaphore(%dma_wait3A_353 : memref<!tpu.dma_semaphore, #tpu.memory_space<semaphore_mem>>) src(%dma_wait3A_354 : memref<128x16xf32, #tpu.memory_space<hbm>>) dst(%arg6 : memref<128x16xf32, #tpu.memory_space<vmem>>)
      %dma_start3A_355 = arith.constant 0 : i32
      %dma_start3A_356 = arith.constant 0 : i32
      %dma_start3A_357 = arith.constant 0 : i32
      %dma_start3A_358 = tpu.memref_slice %arg5[%dma_start3A_355, %dma_start3A_357] : memref<2x128xi32, #tpu.memory_space<vmem>> -> memref<1x128xi32, #tpu.memory_space<vmem>>
      %dma_start3A_359 = tpu.memref_squeeze %dma_start3A_358 : memref<1x128xi32, #tpu.memory_space<vmem>> -> memref<128xi32, #tpu.memory_space<vmem>>
      %dma_start3A_360 = arith.constant 0 : i32
      %dma_start3A_361 = arith.constant 0 : i32
      %dma_start3A_362 = tpu.memref_slice %arg9[%dma_start3A_360, %dma_start3A_361] : memref<10240x16xf32, #tpu.memory_space<vmem_shared>> -> memref<10240x16xf32, #tpu.memory_space<vmem_shared>>
      %dma_start3A_363 = tpu.memref_slice %arg11[%dma_start3A_356] : memref<2x!tpu.dma_semaphore, #tpu.memory_space<semaphore_mem>> -> memref<1x!tpu.dma_semaphore, #tpu.memory_space<semaphore_mem>>
      %dma_start3A_364 = tpu.memref_squeeze %dma_start3A_363 : memref<1x!tpu.dma_semaphore, #tpu.memory_space<semaphore_mem>> -> memref<!tpu.dma_semaphore, #tpu.memory_space<semaphore_mem>>
      tpu.enqueue_indirect_dma source(%arg6 : memref<128x16xf32, #tpu.memory_space<vmem>>) target(%dma_start3A_362 : memref<10240x16xf32, #tpu.memory_space<vmem_shared>>) offsets(%dma_start3A_359 : memref<128xi32, #tpu.memory_space<vmem>>) semaphore(%dma_start3A_364 : memref<!tpu.dma_semaphore, #tpu.memory_space<semaphore_mem>>) {add = true}
      %add3A_365 = arith.constant 1 : i32
      %add3A_366 = arith.addi %add3A_248, %add3A_365 : i32
      %dma_wait3A_367 = arith.constant 1 : i32
      %dma_wait3A_368 = arith.constant 1 : i32
      %dma_wait3A_369 = arith.constant 0 : i32
      %dma_wait3A_370 = tpu.memref_slice %arg5[%dma_wait3A_368, %dma_wait3A_369] : memref<2x128xi32, #tpu.memory_space<vmem>> -> memref<1x128xi32, #tpu.memory_space<vmem>>
      %dma_wait3A_371 = arith.constant 0 : i32
      %dma_wait3A_372 = tpu.memref_slice %arg3[%add3A_366, %dma_wait3A_371] : memref<2560x128xi32, #tpu.memory_space<hbm>> -> memref<1x128xi32, #tpu.memory_space<hbm>>
      %dma_wait3A_373 = tpu.memref_slice %arg10[%dma_wait3A_367] : memref<2x!tpu.dma_semaphore, #tpu.memory_space<semaphore_mem>> -> memref<1x!tpu.dma_semaphore, #tpu.memory_space<semaphore_mem>>
      %dma_wait3A_374 = tpu.memref_squeeze %dma_wait3A_373 : memref<1x!tpu.dma_semaphore, #tpu.memory_space<semaphore_mem>> -> memref<!tpu.dma_semaphore, #tpu.memory_space<semaphore_mem>>
      %dma_wait3A_375 = arith.constant 1 : i32
      %dma_wait3A_376 = arith.constant 0 : i32
      %dma_wait3A_377 = tpu.memref_slice %arg5[%dma_wait3A_375, %dma_wait3A_376] : memref<2x128xi32, #tpu.memory_space<vmem>> -> memref<1x128xi32, #tpu.memory_space<vmem>>
      %dma_wait3A_378 = arith.constant 0 : i32
      %dma_wait3A_379 = tpu.memref_slice %arg3[%add3A_366, %dma_wait3A_378] : memref<2560x128xi32, #tpu.memory_space<hbm>> -> memref<1x128xi32, #tpu.memory_space<hbm>>
      tpu.wait_dma2 semaphore(%dma_wait3A_374 : memref<!tpu.dma_semaphore, #tpu.memory_space<semaphore_mem>>) src(%dma_wait3A_379 : memref<1x128xi32, #tpu.memory_space<hbm>>) dst(%dma_wait3A_377 : memref<1x128xi32, #tpu.memory_space<vmem>>)
      %sub3A_380 = arith.constant 0 : i32
      %sub3A_381 = arith.subi %add3A_366, %sub3A_380 : i32
      %jit3A_382 = arith.constant 256 : i32
      %div3A_383 = arith.divsi %sub3A_381, %jit3A_382 : i32
      %sign3A_384 = arith.constant 0 : i32
      %sign3A_385 = arith.cmpi sgt, %sub3A_381, %sign3A_384 : i32
      %sign3A_386 = arith.extui %sign3A_385 : i1 to i32
      %sign3A_387 = arith.constant 0 : i32
      %sign3A_388 = arith.cmpi slt, %sub3A_381, %sign3A_387 : i32
      %sign3A_389 = arith.extui %sign3A_388 : i1 to i32
      %sign3A_390 = arith.subi %sign3A_386, %sign3A_389 : i32
      %sign3A_391 = arith.constant 0 : i32
      %sign3A_392 = arith.cmpi sgt, %jit3A_382, %sign3A_391 : i32
      %sign3A_393 = arith.extui %sign3A_392 : i1 to i32
      %sign3A_394 = arith.constant 0 : i32
      %sign3A_395 = arith.cmpi slt, %jit3A_382, %sign3A_394 : i32
      %sign3A_396 = arith.extui %sign3A_395 : i1 to i32
      %sign3A_397 = arith.subi %sign3A_393, %sign3A_396 : i32
      %ne3A_398 = arith.cmpi ne, %sign3A_390, %sign3A_397 : i32
      %rem3A_399 = arith.remsi %sub3A_381, %jit3A_382 : i32
      %ne3A_400 = arith.constant 0 : i32
      %ne3A_401 = arith.cmpi ne, %rem3A_399, %ne3A_400 : i32
      %and3A_402 = arith.andi %ne3A_398, %ne3A_401 : i1
      %sub3A_403 = arith.constant 1 : i32
      %sub3A_404 = arith.subi %div3A_383, %sub3A_403 : i32
      %select_n3A_405 = arith.select %and3A_402, %sub3A_404, %div3A_383 : i32
      %jit3A_406 = arith.constant 256 : i32
      %eq3A_407 = arith.constant 0 : i32
      %eq3A_408 = arith.cmpi eq, %jit3A_406, %eq3A_407 : i32
      %jit3A_409 = arith.constant 1 : i32
      %select_n3A_410 = arith.select %eq3A_408, %jit3A_409, %jit3A_406 : i32
      %rem3A_411 = arith.remsi %sub3A_381, %select_n3A_410 : i32
      %ne3A_412 = arith.constant 0 : i32
      %ne3A_413 = arith.cmpi ne, %rem3A_411, %ne3A_412 : i32
      %lt3A_414 = arith.constant 0 : i32
      %lt3A_415 = arith.cmpi slt, %rem3A_411, %lt3A_414 : i32
      %lt3A_416 = arith.constant 0 : i32
      %lt3A_417 = arith.cmpi slt, %select_n3A_410, %lt3A_416 : i32
      %ne3A_418 = arith.xori %lt3A_415, %lt3A_417 : i1
      %and3A_419 = arith.andi %ne3A_418, %ne3A_413 : i1
      %add3A_420 = arith.addi %rem3A_411, %select_n3A_410 : i32
      %select_n3A_421 = arith.select %and3A_419, %add3A_420, %rem3A_411 : i32
      %mul3A_422 = arith.constant 4096 : i32
      %mul3A_423 = arith.muli %select_n3A_405, %mul3A_422 : i32
      %jit3A_424 = arith.constant 32 : i32
      %eq3A_425 = arith.constant 0 : i32
      %eq3A_426 = arith.cmpi eq, %jit3A_424, %eq3A_425 : i32
      %jit3A_427 = arith.constant 1 : i32
      %select_n3A_428 = arith.select %eq3A_426, %jit3A_427, %jit3A_424 : i32
      %rem3A_429 = arith.remsi %select_n3A_421, %select_n3A_428 : i32
      %ne3A_430 = arith.constant 0 : i32
      %ne3A_431 = arith.cmpi ne, %rem3A_429, %ne3A_430 : i32
      %lt3A_432 = arith.constant 0 : i32
      %lt3A_433 = arith.cmpi slt, %rem3A_429, %lt3A_432 : i32
      %lt3A_434 = arith.constant 0 : i32
      %lt3A_435 = arith.cmpi slt, %select_n3A_428, %lt3A_434 : i32
      %ne3A_436 = arith.xori %lt3A_433, %lt3A_435 : i1
      %and3A_437 = arith.andi %ne3A_436, %ne3A_431 : i1
      %add3A_438 = arith.addi %rem3A_429, %select_n3A_428 : i32
      %select_n3A_439 = arith.select %and3A_437, %add3A_438, %rem3A_429 : i32
      %mul3A_440 = arith.constant 128 : i32
      %mul3A_441 = arith.muli %select_n3A_439, %mul3A_440 : i32
      %add3A_442 = arith.addi %mul3A_423, %mul3A_441 : i32
      %jit3A_443 = arith.constant 32 : i32
      %div3A_444 = arith.divsi %select_n3A_421, %jit3A_443 : i32
      %sign3A_445 = arith.constant 0 : i32
      %sign3A_446 = arith.cmpi sgt, %select_n3A_421, %sign3A_445 : i32
      %sign3A_447 = arith.extui %sign3A_446 : i1 to i32
      %sign3A_448 = arith.constant 0 : i32
      %sign3A_449 = arith.cmpi slt, %select_n3A_421, %sign3A_448 : i32
      %sign3A_450 = arith.extui %sign3A_449 : i1 to i32
      %sign3A_451 = arith.subi %sign3A_447, %sign3A_450 : i32
      %sign3A_452 = arith.constant 0 : i32
      %sign3A_453 = arith.cmpi sgt, %jit3A_443, %sign3A_452 : i32
      %sign3A_454 = arith.extui %sign3A_453 : i1 to i32
      %sign3A_455 = arith.constant 0 : i32
      %sign3A_456 = arith.cmpi slt, %jit3A_443, %sign3A_455 : i32
      %sign3A_457 = arith.extui %sign3A_456 : i1 to i32
      %sign3A_458 = arith.subi %sign3A_454, %sign3A_457 : i32
      %ne3A_459 = arith.cmpi ne, %sign3A_451, %sign3A_458 : i32
      %rem3A_460 = arith.remsi %select_n3A_421, %jit3A_443 : i32
      %ne3A_461 = arith.constant 0 : i32
      %ne3A_462 = arith.cmpi ne, %rem3A_460, %ne3A_461 : i32
      %and3A_463 = arith.andi %ne3A_459, %ne3A_462 : i1
      %sub3A_464 = arith.constant 1 : i32
      %sub3A_465 = arith.subi %div3A_444, %sub3A_464 : i32
      %select_n3A_466 = arith.select %and3A_463, %sub3A_465, %div3A_444 : i32
      %mul3A_467 = arith.constant 16 : i32
      %mul3A_468 = arith.muli %select_n3A_466, %mul3A_467 : i32
      %dma_wait3A_469 = arith.constant 1 : i32
      %dma_wait3A_470 = tpu.memref_slice %arg2[%add3A_442, %mul3A_468] : memref<20480x128xf32, #tpu.memory_space<hbm>> -> memref<128x16xf32, #tpu.memory_space<hbm>>
      %dma_wait3A_471 = tpu.memref_slice %arg10[%dma_wait3A_469] : memref<2x!tpu.dma_semaphore, #tpu.memory_space<semaphore_mem>> -> memref<1x!tpu.dma_semaphore, #tpu.memory_space<semaphore_mem>>
      %dma_wait3A_472 = tpu.memref_squeeze %dma_wait3A_471 : memref<1x!tpu.dma_semaphore, #tpu.memory_space<semaphore_mem>> -> memref<!tpu.dma_semaphore, #tpu.memory_space<semaphore_mem>>
      %dma_wait3A_473 = tpu.memref_slice %arg2[%add3A_442, %mul3A_468] : memref<20480x128xf32, #tpu.memory_space<hbm>> -> memref<128x16xf32, #tpu.memory_space<hbm>>
      tpu.wait_dma2 semaphore(%dma_wait3A_472 : memref<!tpu.dma_semaphore, #tpu.memory_space<semaphore_mem>>) src(%dma_wait3A_473 : memref<128x16xf32, #tpu.memory_space<hbm>>) dst(%arg7 : memref<128x16xf32, #tpu.memory_space<vmem>>)
      %dma_start3A_474 = arith.constant 1 : i32
      %dma_start3A_475 = arith.constant 1 : i32
      %dma_start3A_476 = arith.constant 0 : i32
      %dma_start3A_477 = tpu.memref_slice %arg5[%dma_start3A_474, %dma_start3A_476] : memref<2x128xi32, #tpu.memory_space<vmem>> -> memref<1x128xi32, #tpu.memory_space<vmem>>
      %dma_start3A_478 = tpu.memref_squeeze %dma_start3A_477 : memref<1x128xi32, #tpu.memory_space<vmem>> -> memref<128xi32, #tpu.memory_space<vmem>>
      %dma_start3A_479 = arith.constant 0 : i32
      %dma_start3A_480 = arith.constant 0 : i32
      %dma_start3A_481 = tpu.memref_slice %arg9[%dma_start3A_479, %dma_start3A_480] : memref<10240x16xf32, #tpu.memory_space<vmem_shared>> -> memref<10240x16xf32, #tpu.memory_space<vmem_shared>>
      %dma_start3A_482 = tpu.memref_slice %arg11[%dma_start3A_475] : memref<2x!tpu.dma_semaphore, #tpu.memory_space<semaphore_mem>> -> memref<1x!tpu.dma_semaphore, #tpu.memory_space<semaphore_mem>>
      %dma_start3A_483 = tpu.memref_squeeze %dma_start3A_482 : memref<1x!tpu.dma_semaphore, #tpu.memory_space<semaphore_mem>> -> memref<!tpu.dma_semaphore, #tpu.memory_space<semaphore_mem>>
      tpu.enqueue_indirect_dma source(%arg7 : memref<128x16xf32, #tpu.memory_space<vmem>>) target(%dma_start3A_481 : memref<10240x16xf32, #tpu.memory_space<vmem_shared>>) offsets(%dma_start3A_478 : memref<128xi32, #tpu.memory_space<vmem>>) semaphore(%dma_start3A_483 : memref<!tpu.dma_semaphore, #tpu.memory_space<semaphore_mem>>) {add = true}
      %dma_wait3A_484 = arith.constant 0 : i32
      %dma_wait3A_485 = arith.constant 0 : i32
      %dma_wait3A_486 = arith.constant 0 : i32
      %dma_wait3A_487 = tpu.memref_slice %arg5[%dma_wait3A_484, %dma_wait3A_486] : memref<2x128xi32, #tpu.memory_space<vmem>> -> memref<1x128xi32, #tpu.memory_space<vmem>>
      %dma_wait3A_488 = tpu.memref_squeeze %dma_wait3A_487 : memref<1x128xi32, #tpu.memory_space<vmem>> -> memref<128xi32, #tpu.memory_space<vmem>>
      %dma_wait3A_489 = arith.constant 0 : i32
      %dma_wait3A_490 = arith.constant 0 : i32
      %dma_wait3A_491 = tpu.memref_slice %arg9[%dma_wait3A_489, %dma_wait3A_490] : memref<10240x16xf32, #tpu.memory_space<vmem_shared>> -> memref<10240x16xf32, #tpu.memory_space<vmem_shared>>
      %dma_wait3A_492 = tpu.memref_slice %arg11[%dma_wait3A_485] : memref<2x!tpu.dma_semaphore, #tpu.memory_space<semaphore_mem>> -> memref<1x!tpu.dma_semaphore, #tpu.memory_space<semaphore_mem>>
      %dma_wait3A_493 = tpu.memref_squeeze %dma_wait3A_492 : memref<1x!tpu.dma_semaphore, #tpu.memory_space<semaphore_mem>> -> memref<!tpu.dma_semaphore, #tpu.memory_space<semaphore_mem>>
      tpu.wait_indirect_dma semaphore(%dma_wait3A_493 : memref<!tpu.dma_semaphore, #tpu.memory_space<semaphore_mem>>) src(%arg6 : memref<128x16xf32, #tpu.memory_space<vmem>>) dst(%dma_wait3A_491 : memref<10240x16xf32, #tpu.memory_space<vmem_shared>>)
      %add3A_494 = arith.constant 2 : i32
      %add3A_495 = arith.addi %add3A_248, %add3A_494 : i32
      %lt3A_496 = arith.cmpi slt, %add3A_495, %add3A_20 : i32
      %convert_element_type3A_497 = arith.extui %lt3A_496 : i1 to i32
      %cond3A_498 = arith.constant 0 : i32
      %cond3A_499 = arith.cmpi ne, %convert_element_type3A_497, %cond3A_498 : i32
      scf.if %cond3A_499 {
        %add3A_516 = arith.constant 2 : i32
        %add3A_517 = arith.addi %add3A_248, %add3A_516 : i32
        %dma_start3A_518 = arith.constant 0 : i32
        %dma_start3A_519 = arith.constant 0 : i32
        %dma_start3A_520 = arith.constant 0 : i32
        %dma_start3A_521 = tpu.memref_slice %arg5[%dma_start3A_519, %dma_start3A_520] : memref<2x128xi32, #tpu.memory_space<vmem>> -> memref<1x128xi32, #tpu.memory_space<vmem>>
        %dma_start3A_522 = arith.constant 0 : i32
        %dma_start3A_523 = tpu.memref_slice %arg3[%add3A_517, %dma_start3A_522] : memref<2560x128xi32, #tpu.memory_space<hbm>> -> memref<1x128xi32, #tpu.memory_space<hbm>>
        %dma_start3A_524 = tpu.memref_slice %arg10[%dma_start3A_518] : memref<2x!tpu.dma_semaphore, #tpu.memory_space<semaphore_mem>> -> memref<1x!tpu.dma_semaphore, #tpu.memory_space<semaphore_mem>>
        %dma_start3A_525 = tpu.memref_squeeze %dma_start3A_524 : memref<1x!tpu.dma_semaphore, #tpu.memory_space<semaphore_mem>> -> memref<!tpu.dma_semaphore, #tpu.memory_space<semaphore_mem>>
        %dma_start3A_526 = arith.constant 0 : i32
        %dma_start3A_527 = arith.constant 0 : i32
        %dma_start3A_528 = tpu.memref_slice %arg5[%dma_start3A_526, %dma_start3A_527] : memref<2x128xi32, #tpu.memory_space<vmem>> -> memref<1x128xi32, #tpu.memory_space<vmem>>
        %dma_start3A_529 = arith.constant 0 : i32
        %dma_start3A_530 = tpu.memref_slice %arg3[%add3A_517, %dma_start3A_529] : memref<2560x128xi32, #tpu.memory_space<hbm>> -> memref<1x128xi32, #tpu.memory_space<hbm>>
        tpu.enqueue_dma source(%dma_start3A_530 : memref<1x128xi32, #tpu.memory_space<hbm>>) target(%dma_start3A_528 : memref<1x128xi32, #tpu.memory_space<vmem>>) target_semaphore(%dma_start3A_525 : memref<!tpu.dma_semaphore, #tpu.memory_space<semaphore_mem>>)
        %sub3A_531 = arith.constant 0 : i32
        %sub3A_532 = arith.subi %add3A_517, %sub3A_531 : i32
        %jit3A_533 = arith.constant 256 : i32
        %div3A_534 = arith.divsi %sub3A_532, %jit3A_533 : i32
        %sign3A_535 = arith.constant 0 : i32
        %sign3A_536 = arith.cmpi sgt, %sub3A_532, %sign3A_535 : i32
        %sign3A_537 = arith.extui %sign3A_536 : i1 to i32
        %sign3A_538 = arith.constant 0 : i32
        %sign3A_539 = arith.cmpi slt, %sub3A_532, %sign3A_538 : i32
        %sign3A_540 = arith.extui %sign3A_539 : i1 to i32
        %sign3A_541 = arith.subi %sign3A_537, %sign3A_540 : i32
        %sign3A_542 = arith.constant 0 : i32
        %sign3A_543 = arith.cmpi sgt, %jit3A_533, %sign3A_542 : i32
        %sign3A_544 = arith.extui %sign3A_543 : i1 to i32
        %sign3A_545 = arith.constant 0 : i32
        %sign3A_546 = arith.cmpi slt, %jit3A_533, %sign3A_545 : i32
        %sign3A_547 = arith.extui %sign3A_546 : i1 to i32
        %sign3A_548 = arith.subi %sign3A_544, %sign3A_547 : i32
        %ne3A_549 = arith.cmpi ne, %sign3A_541, %sign3A_548 : i32
        %rem3A_550 = arith.remsi %sub3A_532, %jit3A_533 : i32
        %ne3A_551 = arith.constant 0 : i32
        %ne3A_552 = arith.cmpi ne, %rem3A_550, %ne3A_551 : i32
        %and3A_553 = arith.andi %ne3A_549, %ne3A_552 : i1
        %sub3A_554 = arith.constant 1 : i32
        %sub3A_555 = arith.subi %div3A_534, %sub3A_554 : i32
        %select_n3A_556 = arith.select %and3A_553, %sub3A_555, %div3A_534 : i32
        %jit3A_557 = arith.constant 256 : i32
        %eq3A_558 = arith.constant 0 : i32
        %eq3A_559 = arith.cmpi eq, %jit3A_557, %eq3A_558 : i32
        %jit3A_560 = arith.constant 1 : i32
        %select_n3A_561 = arith.select %eq3A_559, %jit3A_560, %jit3A_557 : i32
        %rem3A_562 = arith.remsi %sub3A_532, %select_n3A_561 : i32
        %ne3A_563 = arith.constant 0 : i32
        %ne3A_564 = arith.cmpi ne, %rem3A_562, %ne3A_563 : i32
        %lt3A_565 = arith.constant 0 : i32
        %lt3A_566 = arith.cmpi slt, %rem3A_562, %lt3A_565 : i32
        %lt3A_567 = arith.constant 0 : i32
        %lt3A_568 = arith.cmpi slt, %select_n3A_561, %lt3A_567 : i32
        %ne3A_569 = arith.xori %lt3A_566, %lt3A_568 : i1
        %and3A_570 = arith.andi %ne3A_569, %ne3A_564 : i1
        %add3A_571 = arith.addi %rem3A_562, %select_n3A_561 : i32
        %select_n3A_572 = arith.select %and3A_570, %add3A_571, %rem3A_562 : i32
        %mul3A_573 = arith.constant 4096 : i32
        %mul3A_574 = arith.muli %select_n3A_556, %mul3A_573 : i32
        %jit3A_575 = arith.constant 32 : i32
        %eq3A_576 = arith.constant 0 : i32
        %eq3A_577 = arith.cmpi eq, %jit3A_575, %eq3A_576 : i32
        %jit3A_578 = arith.constant 1 : i32
        %select_n3A_579 = arith.select %eq3A_577, %jit3A_578, %jit3A_575 : i32
        %rem3A_580 = arith.remsi %select_n3A_572, %select_n3A_579 : i32
        %ne3A_581 = arith.constant 0 : i32
        %ne3A_582 = arith.cmpi ne, %rem3A_580, %ne3A_581 : i32
        %lt3A_583 = arith.constant 0 : i32
        %lt3A_584 = arith.cmpi slt, %rem3A_580, %lt3A_583 : i32
        %lt3A_585 = arith.constant 0 : i32
        %lt3A_586 = arith.cmpi slt, %select_n3A_579, %lt3A_585 : i32
        %ne3A_587 = arith.xori %lt3A_584, %lt3A_586 : i1
        %and3A_588 = arith.andi %ne3A_587, %ne3A_582 : i1
        %add3A_589 = arith.addi %rem3A_580, %select_n3A_579 : i32
        %select_n3A_590 = arith.select %and3A_588, %add3A_589, %rem3A_580 : i32
        %mul3A_591 = arith.constant 128 : i32
        %mul3A_592 = arith.muli %select_n3A_590, %mul3A_591 : i32
        %add3A_593 = arith.addi %mul3A_574, %mul3A_592 : i32
        %jit3A_594 = arith.constant 32 : i32
        %div3A_595 = arith.divsi %select_n3A_572, %jit3A_594 : i32
        %sign3A_596 = arith.constant 0 : i32
        %sign3A_597 = arith.cmpi sgt, %select_n3A_572, %sign3A_596 : i32
        %sign3A_598 = arith.extui %sign3A_597 : i1 to i32
        %sign3A_599 = arith.constant 0 : i32
        %sign3A_600 = arith.cmpi slt, %select_n3A_572, %sign3A_599 : i32
        %sign3A_601 = arith.extui %sign3A_600 : i1 to i32
        %sign3A_602 = arith.subi %sign3A_598, %sign3A_601 : i32
        %sign3A_603 = arith.constant 0 : i32
        %sign3A_604 = arith.cmpi sgt, %jit3A_594, %sign3A_603 : i32
        %sign3A_605 = arith.extui %sign3A_604 : i1 to i32
        %sign3A_606 = arith.constant 0 : i32
        %sign3A_607 = arith.cmpi slt, %jit3A_594, %sign3A_606 : i32
        %sign3A_608 = arith.extui %sign3A_607 : i1 to i32
        %sign3A_609 = arith.subi %sign3A_605, %sign3A_608 : i32
        %ne3A_610 = arith.cmpi ne, %sign3A_602, %sign3A_609 : i32
        %rem3A_611 = arith.remsi %select_n3A_572, %jit3A_594 : i32
        %ne3A_612 = arith.constant 0 : i32
        %ne3A_613 = arith.cmpi ne, %rem3A_611, %ne3A_612 : i32
        %and3A_614 = arith.andi %ne3A_610, %ne3A_613 : i1
        %sub3A_615 = arith.constant 1 : i32
        %sub3A_616 = arith.subi %div3A_595, %sub3A_615 : i32
        %select_n3A_617 = arith.select %and3A_614, %sub3A_616, %div3A_595 : i32
        %mul3A_618 = arith.constant 16 : i32
        %mul3A_619 = arith.muli %select_n3A_617, %mul3A_618 : i32
        %dma_start3A_620 = arith.constant 0 : i32
        %dma_start3A_621 = tpu.memref_slice %arg2[%add3A_593, %mul3A_619] : memref<20480x128xf32, #tpu.memory_space<hbm>> -> memref<128x16xf32, #tpu.memory_space<hbm>>
        %dma_start3A_622 = tpu.memref_slice %arg10[%dma_start3A_620] : memref<2x!tpu.dma_semaphore, #tpu.memory_space<semaphore_mem>> -> memref<1x!tpu.dma_semaphore, #tpu.memory_space<semaphore_mem>>
        %dma_start3A_623 = tpu.memref_squeeze %dma_start3A_622 : memref<1x!tpu.dma_semaphore, #tpu.memory_space<semaphore_mem>> -> memref<!tpu.dma_semaphore, #tpu.memory_space<semaphore_mem>>
        %dma_start3A_624 = tpu.memref_slice %arg2[%add3A_593, %mul3A_619] : memref<20480x128xf32, #tpu.memory_space<hbm>> -> memref<128x16xf32, #tpu.memory_space<hbm>>
        tpu.enqueue_dma source(%dma_start3A_624 : memref<128x16xf32, #tpu.memory_space<hbm>>) target(%arg6 : memref<128x16xf32, #tpu.memory_space<vmem>>) target_semaphore(%dma_start3A_623 : memref<!tpu.dma_semaphore, #tpu.memory_space<semaphore_mem>>)
      } else {
      }
      %dma_wait3A_500 = arith.constant 1 : i32
      %dma_wait3A_501 = arith.constant 1 : i32
      %dma_wait3A_502 = arith.constant 0 : i32
      %dma_wait3A_503 = tpu.memref_slice %arg5[%dma_wait3A_500, %dma_wait3A_502] : memref<2x128xi32, #tpu.memory_space<vmem>> -> memref<1x128xi32, #tpu.memory_space<vmem>>
      %dma_wait3A_504 = tpu.memref_squeeze %dma_wait3A_503 : memref<1x128xi32, #tpu.memory_space<vmem>> -> memref<128xi32, #tpu.memory_space<vmem>>
      %dma_wait3A_505 = arith.constant 0 : i32
      %dma_wait3A_506 = arith.constant 0 : i32
      %dma_wait3A_507 = tpu.memref_slice %arg9[%dma_wait3A_505, %dma_wait3A_506] : memref<10240x16xf32, #tpu.memory_space<vmem_shared>> -> memref<10240x16xf32, #tpu.memory_space<vmem_shared>>
      %dma_wait3A_508 = tpu.memref_slice %arg11[%dma_wait3A_501] : memref<2x!tpu.dma_semaphore, #tpu.memory_space<semaphore_mem>> -> memref<1x!tpu.dma_semaphore, #tpu.memory_space<semaphore_mem>>
      %dma_wait3A_509 = tpu.memref_squeeze %dma_wait3A_508 : memref<1x!tpu.dma_semaphore, #tpu.memory_space<semaphore_mem>> -> memref<!tpu.dma_semaphore, #tpu.memory_space<semaphore_mem>>
      tpu.wait_indirect_dma semaphore(%dma_wait3A_509 : memref<!tpu.dma_semaphore, #tpu.memory_space<semaphore_mem>>) src(%arg7 : memref<128x16xf32, #tpu.memory_space<vmem>>) dst(%dma_wait3A_507 : memref<10240x16xf32, #tpu.memory_space<vmem_shared>>)
      %add3A_510 = arith.constant 3 : i32
      %add3A_511 = arith.addi %add3A_248, %add3A_510 : i32
      %lt3A_512 = arith.cmpi slt, %add3A_511, %add3A_20 : i32
      %convert_element_type3A_513 = arith.extui %lt3A_512 : i1 to i32
      %cond3A_514 = arith.constant 0 : i32
      %cond3A_515 = arith.cmpi ne, %convert_element_type3A_513, %cond3A_514 : i32
      scf.if %cond3A_515 {
        %add3A_516 = arith.constant 3 : i32
        %add3A_517 = arith.addi %add3A_248, %add3A_516 : i32
        %dma_start3A_518 = arith.constant 1 : i32
        %dma_start3A_519 = arith.constant 1 : i32
        %dma_start3A_520 = arith.constant 0 : i32
        %dma_start3A_521 = tpu.memref_slice %arg5[%dma_start3A_519, %dma_start3A_520] : memref<2x128xi32, #tpu.memory_space<vmem>> -> memref<1x128xi32, #tpu.memory_space<vmem>>
        %dma_start3A_522 = arith.constant 0 : i32
        %dma_start3A_523 = tpu.memref_slice %arg3[%add3A_517, %dma_start3A_522] : memref<2560x128xi32, #tpu.memory_space<hbm>> -> memref<1x128xi32, #tpu.memory_space<hbm>>
        %dma_start3A_524 = tpu.memref_slice %arg10[%dma_start3A_518] : memref<2x!tpu.dma_semaphore, #tpu.memory_space<semaphore_mem>> -> memref<1x!tpu.dma_semaphore, #tpu.memory_space<semaphore_mem>>
        %dma_start3A_525 = tpu.memref_squeeze %dma_start3A_524 : memref<1x!tpu.dma_semaphore, #tpu.memory_space<semaphore_mem>> -> memref<!tpu.dma_semaphore, #tpu.memory_space<semaphore_mem>>
        %dma_start3A_526 = arith.constant 1 : i32
        %dma_start3A_527 = arith.constant 0 : i32
        %dma_start3A_528 = tpu.memref_slice %arg5[%dma_start3A_526, %dma_start3A_527] : memref<2x128xi32, #tpu.memory_space<vmem>> -> memref<1x128xi32, #tpu.memory_space<vmem>>
        %dma_start3A_529 = arith.constant 0 : i32
        %dma_start3A_530 = tpu.memref_slice %arg3[%add3A_517, %dma_start3A_529] : memref<2560x128xi32, #tpu.memory_space<hbm>> -> memref<1x128xi32, #tpu.memory_space<hbm>>
        tpu.enqueue_dma source(%dma_start3A_530 : memref<1x128xi32, #tpu.memory_space<hbm>>) target(%dma_start3A_528 : memref<1x128xi32, #tpu.memory_space<vmem>>) target_semaphore(%dma_start3A_525 : memref<!tpu.dma_semaphore, #tpu.memory_space<semaphore_mem>>)
        %sub3A_531 = arith.constant 0 : i32
        %sub3A_532 = arith.subi %add3A_517, %sub3A_531 : i32
        %jit3A_533 = arith.constant 256 : i32
        %div3A_534 = arith.divsi %sub3A_532, %jit3A_533 : i32
        %sign3A_535 = arith.constant 0 : i32
        %sign3A_536 = arith.cmpi sgt, %sub3A_532, %sign3A_535 : i32
        %sign3A_537 = arith.extui %sign3A_536 : i1 to i32
        %sign3A_538 = arith.constant 0 : i32
        %sign3A_539 = arith.cmpi slt, %sub3A_532, %sign3A_538 : i32
        %sign3A_540 = arith.extui %sign3A_539 : i1 to i32
        %sign3A_541 = arith.subi %sign3A_537, %sign3A_540 : i32
        %sign3A_542 = arith.constant 0 : i32
        %sign3A_543 = arith.cmpi sgt, %jit3A_533, %sign3A_542 : i32
        %sign3A_544 = arith.extui %sign3A_543 : i1 to i32
        %sign3A_545 = arith.constant 0 : i32
        %sign3A_546 = arith.cmpi slt, %jit3A_533, %sign3A_545 : i32
        %sign3A_547 = arith.extui %sign3A_546 : i1 to i32
        %sign3A_548 = arith.subi %sign3A_544, %sign3A_547 : i32
        %ne3A_549 = arith.cmpi ne, %sign3A_541, %sign3A_548 : i32
        %rem3A_550 = arith.remsi %sub3A_532, %jit3A_533 : i32
        %ne3A_551 = arith.constant 0 : i32
        %ne3A_552 = arith.cmpi ne, %rem3A_550, %ne3A_551 : i32
        %and3A_553 = arith.andi %ne3A_549, %ne3A_552 : i1
        %sub3A_554 = arith.constant 1 : i32
        %sub3A_555 = arith.subi %div3A_534, %sub3A_554 : i32
        %select_n3A_556 = arith.select %and3A_553, %sub3A_555, %div3A_534 : i32
        %jit3A_557 = arith.constant 256 : i32
        %eq3A_558 = arith.constant 0 : i32
        %eq3A_559 = arith.cmpi eq, %jit3A_557, %eq3A_558 : i32
        %jit3A_560 = arith.constant 1 : i32
        %select_n3A_561 = arith.select %eq3A_559, %jit3A_560, %jit3A_557 : i32
        %rem3A_562 = arith.remsi %sub3A_532, %select_n3A_561 : i32
        %ne3A_563 = arith.constant 0 : i32
        %ne3A_564 = arith.cmpi ne, %rem3A_562, %ne3A_563 : i32
        %lt3A_565 = arith.constant 0 : i32
        %lt3A_566 = arith.cmpi slt, %rem3A_562, %lt3A_565 : i32
        %lt3A_567 = arith.constant 0 : i32
        %lt3A_568 = arith.cmpi slt, %select_n3A_561, %lt3A_567 : i32
        %ne3A_569 = arith.xori %lt3A_566, %lt3A_568 : i1
        %and3A_570 = arith.andi %ne3A_569, %ne3A_564 : i1
        %add3A_571 = arith.addi %rem3A_562, %select_n3A_561 : i32
        %select_n3A_572 = arith.select %and3A_570, %add3A_571, %rem3A_562 : i32
        %mul3A_573 = arith.constant 4096 : i32
        %mul3A_574 = arith.muli %select_n3A_556, %mul3A_573 : i32
        %jit3A_575 = arith.constant 32 : i32
        %eq3A_576 = arith.constant 0 : i32
        %eq3A_577 = arith.cmpi eq, %jit3A_575, %eq3A_576 : i32
        %jit3A_578 = arith.constant 1 : i32
        %select_n3A_579 = arith.select %eq3A_577, %jit3A_578, %jit3A_575 : i32
        %rem3A_580 = arith.remsi %select_n3A_572, %select_n3A_579 : i32
        %ne3A_581 = arith.constant 0 : i32
        %ne3A_582 = arith.cmpi ne, %rem3A_580, %ne3A_581 : i32
        %lt3A_583 = arith.constant 0 : i32
        %lt3A_584 = arith.cmpi slt, %rem3A_580, %lt3A_583 : i32
        %lt3A_585 = arith.constant 0 : i32
        %lt3A_586 = arith.cmpi slt, %select_n3A_579, %lt3A_585 : i32
        %ne3A_587 = arith.xori %lt3A_584, %lt3A_586 : i1
        %and3A_588 = arith.andi %ne3A_587, %ne3A_582 : i1
        %add3A_589 = arith.addi %rem3A_580, %select_n3A_579 : i32
        %select_n3A_590 = arith.select %and3A_588, %add3A_589, %rem3A_580 : i32
        %mul3A_591 = arith.constant 128 : i32
        %mul3A_592 = arith.muli %select_n3A_590, %mul3A_591 : i32
        %add3A_593 = arith.addi %mul3A_574, %mul3A_592 : i32
        %jit3A_594 = arith.constant 32 : i32
        %div3A_595 = arith.divsi %select_n3A_572, %jit3A_594 : i32
        %sign3A_596 = arith.constant 0 : i32
        %sign3A_597 = arith.cmpi sgt, %select_n3A_572, %sign3A_596 : i32
        %sign3A_598 = arith.extui %sign3A_597 : i1 to i32
        %sign3A_599 = arith.constant 0 : i32
        %sign3A_600 = arith.cmpi slt, %select_n3A_572, %sign3A_599 : i32
        %sign3A_601 = arith.extui %sign3A_600 : i1 to i32
        %sign3A_602 = arith.subi %sign3A_598, %sign3A_601 : i32
        %sign3A_603 = arith.constant 0 : i32
        %sign3A_604 = arith.cmpi sgt, %jit3A_594, %sign3A_603 : i32
        %sign3A_605 = arith.extui %sign3A_604 : i1 to i32
        %sign3A_606 = arith.constant 0 : i32
        %sign3A_607 = arith.cmpi slt, %jit3A_594, %sign3A_606 : i32
        %sign3A_608 = arith.extui %sign3A_607 : i1 to i32
        %sign3A_609 = arith.subi %sign3A_605, %sign3A_608 : i32
        %ne3A_610 = arith.cmpi ne, %sign3A_602, %sign3A_609 : i32
        %rem3A_611 = arith.remsi %select_n3A_572, %jit3A_594 : i32
        %ne3A_612 = arith.constant 0 : i32
        %ne3A_613 = arith.cmpi ne, %rem3A_611, %ne3A_612 : i32
        %and3A_614 = arith.andi %ne3A_610, %ne3A_613 : i1
        %sub3A_615 = arith.constant 1 : i32
        %sub3A_616 = arith.subi %div3A_595, %sub3A_615 : i32
        %select_n3A_617 = arith.select %and3A_614, %sub3A_616, %div3A_595 : i32
        %mul3A_618 = arith.constant 16 : i32
        %mul3A_619 = arith.muli %select_n3A_617, %mul3A_618 : i32
        %dma_start3A_620 = arith.constant 1 : i32
        %dma_start3A_621 = tpu.memref_slice %arg2[%add3A_593, %mul3A_619] : memref<20480x128xf32, #tpu.memory_space<hbm>> -> memref<128x16xf32, #tpu.memory_space<hbm>>
        %dma_start3A_622 = tpu.memref_slice %arg10[%dma_start3A_620] : memref<2x!tpu.dma_semaphore, #tpu.memory_space<semaphore_mem>> -> memref<1x!tpu.dma_semaphore, #tpu.memory_space<semaphore_mem>>
        %dma_start3A_623 = tpu.memref_squeeze %dma_start3A_622 : memref<1x!tpu.dma_semaphore, #tpu.memory_space<semaphore_mem>> -> memref<!tpu.dma_semaphore, #tpu.memory_space<semaphore_mem>>
        %dma_start3A_624 = tpu.memref_slice %arg2[%add3A_593, %mul3A_619] : memref<20480x128xf32, #tpu.memory_space<hbm>> -> memref<128x16xf32, #tpu.memory_space<hbm>>
        tpu.enqueue_dma source(%dma_start3A_624 : memref<128x16xf32, #tpu.memory_space<hbm>>) target(%arg7 : memref<128x16xf32, #tpu.memory_space<vmem>>) target_semaphore(%dma_start3A_623 : memref<!tpu.dma_semaphore, #tpu.memory_space<semaphore_mem>>)
      } else {
      }
    }
    %scan3A_233 = arith.constant 20 : i32
    %gt3A = arith.constant 40 : i32
    %gt3A_234 = arith.cmpi sgt, %add3A_19, %gt3A : i32
    %convert_element_type3A = arith.extui %gt3A_234 : i1 to i32
    %cond3A = arith.constant 0 : i32
    %cond3A_235 = arith.cmpi ne, %convert_element_type3A, %cond3A : i32
    scf.if %cond3A_235 {
      %sub3A_241 = arith.constant 1 : i32
      %sub3A_242 = arith.subi %add3A_20, %sub3A_241 : i32
      %dma_wait3A = arith.constant 0 : i32
      %dma_wait3A_243 = arith.constant 0 : i32
      %dma_wait3A_244 = arith.constant 0 : i32
      %dma_wait3A_245 = tpu.memref_slice %arg5[%dma_wait3A_243, %dma_wait3A_244] : memref<2x128xi32, #tpu.memory_space<vmem>> -> memref<1x128xi32, #tpu.memory_space<vmem>>
      %dma_wait3A_246 = arith.constant 0 : i32
      %dma_wait3A_247 = tpu.memref_slice %arg3[%sub3A_242, %dma_wait3A_246] : memref<2560x128xi32, #tpu.memory_space<hbm>> -> memref<1x128xi32, #tpu.memory_space<hbm>>
      %dma_wait3A_248 = tpu.memref_slice %arg10[%dma_wait3A] : memref<2x!tpu.dma_semaphore, #tpu.memory_space<semaphore_mem>> -> memref<1x!tpu.dma_semaphore, #tpu.memory_space<semaphore_mem>>
      %dma_wait3A_249 = tpu.memref_squeeze %dma_wait3A_248 : memref<1x!tpu.dma_semaphore, #tpu.memory_space<semaphore_mem>> -> memref<!tpu.dma_semaphore, #tpu.memory_space<semaphore_mem>>
      %dma_wait3A_250 = arith.constant 0 : i32
      %dma_wait3A_251 = arith.constant 0 : i32
      %dma_wait3A_252 = tpu.memref_slice %arg5[%dma_wait3A_250, %dma_wait3A_251] : memref<2x128xi32, #tpu.memory_space<vmem>> -> memref<1x128xi32, #tpu.memory_space<vmem>>
      %dma_wait3A_253 = arith.constant 0 : i32
      %dma_wait3A_254 = tpu.memref_slice %arg3[%sub3A_242, %dma_wait3A_253] : memref<2560x128xi32, #tpu.memory_space<hbm>> -> memref<1x128xi32, #tpu.memory_space<hbm>>
      tpu.wait_dma2 semaphore(%dma_wait3A_249 : memref<!tpu.dma_semaphore, #tpu.memory_space<semaphore_mem>>) src(%dma_wait3A_254 : memref<1x128xi32, #tpu.memory_space<hbm>>) dst(%dma_wait3A_252 : memref<1x128xi32, #tpu.memory_space<vmem>>)
      %sub3A_255 = arith.constant 0 : i32
      %sub3A_256 = arith.subi %sub3A_242, %sub3A_255 : i32
      %jit3A_257 = arith.constant 256 : i32
      %div3A_258 = arith.divsi %sub3A_256, %jit3A_257 : i32
      %sign3A_259 = arith.constant 0 : i32
      %sign3A_260 = arith.cmpi sgt, %sub3A_256, %sign3A_259 : i32
      %sign3A_261 = arith.extui %sign3A_260 : i1 to i32
      %sign3A_262 = arith.constant 0 : i32
      %sign3A_263 = arith.cmpi slt, %sub3A_256, %sign3A_262 : i32
      %sign3A_264 = arith.extui %sign3A_263 : i1 to i32
      %sign3A_265 = arith.subi %sign3A_261, %sign3A_264 : i32
      %sign3A_266 = arith.constant 0 : i32
      %sign3A_267 = arith.cmpi sgt, %jit3A_257, %sign3A_266 : i32
      %sign3A_268 = arith.extui %sign3A_267 : i1 to i32
      %sign3A_269 = arith.constant 0 : i32
      %sign3A_270 = arith.cmpi slt, %jit3A_257, %sign3A_269 : i32
      %sign3A_271 = arith.extui %sign3A_270 : i1 to i32
      %sign3A_272 = arith.subi %sign3A_268, %sign3A_271 : i32
      %ne3A_273 = arith.cmpi ne, %sign3A_265, %sign3A_272 : i32
      %rem3A_274 = arith.remsi %sub3A_256, %jit3A_257 : i32
      %ne3A_275 = arith.constant 0 : i32
      %ne3A_276 = arith.cmpi ne, %rem3A_274, %ne3A_275 : i32
      %and3A_277 = arith.andi %ne3A_273, %ne3A_276 : i1
      %sub3A_278 = arith.constant 1 : i32
      %sub3A_279 = arith.subi %div3A_258, %sub3A_278 : i32
      %select_n3A_280 = arith.select %and3A_277, %sub3A_279, %div3A_258 : i32
      %jit3A_281 = arith.constant 256 : i32
      %eq3A_282 = arith.constant 0 : i32
      %eq3A_283 = arith.cmpi eq, %jit3A_281, %eq3A_282 : i32
      %jit3A_284 = arith.constant 1 : i32
      %select_n3A_285 = arith.select %eq3A_283, %jit3A_284, %jit3A_281 : i32
      %rem3A_286 = arith.remsi %sub3A_256, %select_n3A_285 : i32
      %ne3A_287 = arith.constant 0 : i32
      %ne3A_288 = arith.cmpi ne, %rem3A_286, %ne3A_287 : i32
      %lt3A_289 = arith.constant 0 : i32
      %lt3A_290 = arith.cmpi slt, %rem3A_286, %lt3A_289 : i32
      %lt3A_291 = arith.constant 0 : i32
      %lt3A_292 = arith.cmpi slt, %select_n3A_285, %lt3A_291 : i32
      %ne3A_293 = arith.xori %lt3A_290, %lt3A_292 : i1
      %and3A_294 = arith.andi %ne3A_293, %ne3A_288 : i1
      %add3A_295 = arith.addi %rem3A_286, %select_n3A_285 : i32
      %select_n3A_296 = arith.select %and3A_294, %add3A_295, %rem3A_286 : i32
      %mul3A_297 = arith.constant 4096 : i32
      %mul3A_298 = arith.muli %select_n3A_280, %mul3A_297 : i32
      %jit3A_299 = arith.constant 32 : i32
      %eq3A_300 = arith.constant 0 : i32
      %eq3A_301 = arith.cmpi eq, %jit3A_299, %eq3A_300 : i32
      %jit3A_302 = arith.constant 1 : i32
      %select_n3A_303 = arith.select %eq3A_301, %jit3A_302, %jit3A_299 : i32
      %rem3A_304 = arith.remsi %select_n3A_296, %select_n3A_303 : i32
      %ne3A_305 = arith.constant 0 : i32
      %ne3A_306 = arith.cmpi ne, %rem3A_304, %ne3A_305 : i32
      %lt3A_307 = arith.constant 0 : i32
      %lt3A_308 = arith.cmpi slt, %rem3A_304, %lt3A_307 : i32
      %lt3A_309 = arith.constant 0 : i32
      %lt3A_310 = arith.cmpi slt, %select_n3A_303, %lt3A_309 : i32
      %ne3A_311 = arith.xori %lt3A_308, %lt3A_310 : i1
      %and3A_312 = arith.andi %ne3A_311, %ne3A_306 : i1
      %add3A_313 = arith.addi %rem3A_304, %select_n3A_303 : i32
      %select_n3A_314 = arith.select %and3A_312, %add3A_313, %rem3A_304 : i32
      %mul3A_315 = arith.constant 128 : i32
      %mul3A_316 = arith.muli %select_n3A_314, %mul3A_315 : i32
      %add3A_317 = arith.addi %mul3A_298, %mul3A_316 : i32
      %jit3A_318 = arith.constant 32 : i32
      %div3A_319 = arith.divsi %select_n3A_296, %jit3A_318 : i32
      %sign3A_320 = arith.constant 0 : i32
      %sign3A_321 = arith.cmpi sgt, %select_n3A_296, %sign3A_320 : i32
      %sign3A_322 = arith.extui %sign3A_321 : i1 to i32
      %sign3A_323 = arith.constant 0 : i32
      %sign3A_324 = arith.cmpi slt, %select_n3A_296, %sign3A_323 : i32
      %sign3A_325 = arith.extui %sign3A_324 : i1 to i32
      %sign3A_326 = arith.subi %sign3A_322, %sign3A_325 : i32
      %sign3A_327 = arith.constant 0 : i32
      %sign3A_328 = arith.cmpi sgt, %jit3A_318, %sign3A_327 : i32
      %sign3A_329 = arith.extui %sign3A_328 : i1 to i32
      %sign3A_330 = arith.constant 0 : i32
      %sign3A_331 = arith.cmpi slt, %jit3A_318, %sign3A_330 : i32
      %sign3A_332 = arith.extui %sign3A_331 : i1 to i32
      %sign3A_333 = arith.subi %sign3A_329, %sign3A_332 : i32
      %ne3A_334 = arith.cmpi ne, %sign3A_326, %sign3A_333 : i32
      %rem3A_335 = arith.remsi %select_n3A_296, %jit3A_318 : i32
      %ne3A_336 = arith.constant 0 : i32
      %ne3A_337 = arith.cmpi ne, %rem3A_335, %ne3A_336 : i32
      %and3A_338 = arith.andi %ne3A_334, %ne3A_337 : i1
      %sub3A_339 = arith.constant 1 : i32
      %sub3A_340 = arith.subi %div3A_319, %sub3A_339 : i32
      %select_n3A_341 = arith.select %and3A_338, %sub3A_340, %div3A_319 : i32
      %mul3A_342 = arith.constant 16 : i32
      %mul3A_343 = arith.muli %select_n3A_341, %mul3A_342 : i32
      %dma_wait3A_344 = arith.constant 0 : i32
      %dma_wait3A_345 = tpu.memref_slice %arg2[%add3A_317, %mul3A_343] : memref<20480x128xf32, #tpu.memory_space<hbm>> -> memref<128x16xf32, #tpu.memory_space<hbm>>
      %dma_wait3A_346 = tpu.memref_slice %arg10[%dma_wait3A_344] : memref<2x!tpu.dma_semaphore, #tpu.memory_space<semaphore_mem>> -> memref<1x!tpu.dma_semaphore, #tpu.memory_space<semaphore_mem>>
      %dma_wait3A_347 = tpu.memref_squeeze %dma_wait3A_346 : memref<1x!tpu.dma_semaphore, #tpu.memory_space<semaphore_mem>> -> memref<!tpu.dma_semaphore, #tpu.memory_space<semaphore_mem>>
      %dma_wait3A_348 = tpu.memref_slice %arg2[%add3A_317, %mul3A_343] : memref<20480x128xf32, #tpu.memory_space<hbm>> -> memref<128x16xf32, #tpu.memory_space<hbm>>
      tpu.wait_dma2 semaphore(%dma_wait3A_347 : memref<!tpu.dma_semaphore, #tpu.memory_space<semaphore_mem>>) src(%dma_wait3A_348 : memref<128x16xf32, #tpu.memory_space<hbm>>) dst(%arg6 : memref<128x16xf32, #tpu.memory_space<vmem>>)
      %dma_start3A_349 = arith.constant 0 : i32
      %dma_start3A_350 = arith.constant 0 : i32
      %dma_start3A_351 = arith.constant 0 : i32
      %dma_start3A_352 = tpu.memref_slice %arg5[%dma_start3A_349, %dma_start3A_351] : memref<2x128xi32, #tpu.memory_space<vmem>> -> memref<1x128xi32, #tpu.memory_space<vmem>>
      %dma_start3A_353 = tpu.memref_squeeze %dma_start3A_352 : memref<1x128xi32, #tpu.memory_space<vmem>> -> memref<128xi32, #tpu.memory_space<vmem>>
      %dma_start3A_354 = arith.constant 0 : i32
      %dma_start3A_355 = arith.constant 0 : i32
      %dma_start3A_356 = tpu.memref_slice %arg9[%dma_start3A_354, %dma_start3A_355] : memref<10240x16xf32, #tpu.memory_space<vmem_shared>> -> memref<10240x16xf32, #tpu.memory_space<vmem_shared>>
      %dma_start3A_357 = tpu.memref_slice %arg11[%dma_start3A_350] : memref<2x!tpu.dma_semaphore, #tpu.memory_space<semaphore_mem>> -> memref<1x!tpu.dma_semaphore, #tpu.memory_space<semaphore_mem>>
      %dma_start3A_358 = tpu.memref_squeeze %dma_start3A_357 : memref<1x!tpu.dma_semaphore, #tpu.memory_space<semaphore_mem>> -> memref<!tpu.dma_semaphore, #tpu.memory_space<semaphore_mem>>
      tpu.enqueue_indirect_dma source(%arg6 : memref<128x16xf32, #tpu.memory_space<vmem>>) target(%dma_start3A_356 : memref<10240x16xf32, #tpu.memory_space<vmem_shared>>) offsets(%dma_start3A_353 : memref<128xi32, #tpu.memory_space<vmem>>) semaphore(%dma_start3A_358 : memref<!tpu.dma_semaphore, #tpu.memory_space<semaphore_mem>>) {add = true}
      %dma_wait3A_359 = arith.constant 0 : i32
      %dma_wait3A_360 = arith.constant 0 : i32
      %dma_wait3A_361 = arith.constant 0 : i32
      %dma_wait3A_362 = tpu.memref_slice %arg5[%dma_wait3A_359, %dma_wait3A_361] : memref<2x128xi32, #tpu.memory_space<vmem>> -> memref<1x128xi32, #tpu.memory_space<vmem>>
      %dma_wait3A_363 = tpu.memref_squeeze %dma_wait3A_362 : memref<1x128xi32, #tpu.memory_space<vmem>> -> memref<128xi32, #tpu.memory_space<vmem>>
      %dma_wait3A_364 = arith.constant 0 : i32
      %dma_wait3A_365 = arith.constant 0 : i32
      %dma_wait3A_366 = tpu.memref_slice %arg9[%dma_wait3A_364, %dma_wait3A_365] : memref<10240x16xf32, #tpu.memory_space<vmem_shared>> -> memref<10240x16xf32, #tpu.memory_space<vmem_shared>>
      %dma_wait3A_367 = tpu.memref_slice %arg11[%dma_wait3A_360] : memref<2x!tpu.dma_semaphore, #tpu.memory_space<semaphore_mem>> -> memref<1x!tpu.dma_semaphore, #tpu.memory_space<semaphore_mem>>
      %dma_wait3A_368 = tpu.memref_squeeze %dma_wait3A_367 : memref<1x!tpu.dma_semaphore, #tpu.memory_space<semaphore_mem>> -> memref<!tpu.dma_semaphore, #tpu.memory_space<semaphore_mem>>
      tpu.wait_indirect_dma semaphore(%dma_wait3A_368 : memref<!tpu.dma_semaphore, #tpu.memory_space<semaphore_mem>>) src(%arg6 : memref<128x16xf32, #tpu.memory_space<vmem>>) dst(%dma_wait3A_366 : memref<10240x16xf32, #tpu.memory_space<vmem_shared>>)
    } else {
    }
    %barrier3A_236 = arith.constant 0 : index
    tpu.barrier barrier_id(%barrier3A_236)
    %mul3A_237 = arith.constant 640 : i32
    %mul3A_238 = arith.muli %arg1, %mul3A_237 : i32
    %mul3A_239 = arith.constant 640 : i32
    %mul3A_240 = arith.muli %arg1, %mul3A_239 : i32
    "tpu.region"() ({
      %run_scoped3A = tpu.sem_alloc : memref<!tpu.dma_semaphore, #tpu.memory_space<semaphore_mem>>
      %dma_start3A_241 = arith.constant 0 : i32
      %dma_start3A_242 = tpu.memref_slice %arg4[%arg0, %mul3A_240, %dma_start3A_241] : memref<2x10240x16xf32, #tpu.memory_space<hbm>> -> memref<1x640x16xf32, #tpu.memory_space<hbm>>
      %dma_start3A_243 = tpu.memref_squeeze %dma_start3A_242 : memref<1x640x16xf32, #tpu.memory_space<hbm>> -> memref<640x16xf32, #tpu.memory_space<hbm>>
      %dma_start3A_244 = arith.constant 0 : i32
      %dma_start3A_245 = tpu.memref_slice %arg9[%mul3A_238, %dma_start3A_244] : memref<10240x16xf32, #tpu.memory_space<vmem_shared>> -> memref<640x16xf32, #tpu.memory_space<vmem_shared>>
      tpu.enqueue_dma source(%dma_start3A_245 : memref<640x16xf32, #tpu.memory_space<vmem_shared>>) target(%dma_start3A_243 : memref<640x16xf32, #tpu.memory_space<hbm>>) target_semaphore(%run_scoped3A : memref<!tpu.dma_semaphore, #tpu.memory_space<semaphore_mem>>)
      %dma_wait3A = arith.constant 0 : i32
      %dma_wait3A_246 = tpu.memref_slice %arg4[%arg0, %mul3A_240, %dma_wait3A] : memref<2x10240x16xf32, #tpu.memory_space<hbm>> -> memref<1x640x16xf32, #tpu.memory_space<hbm>>
      %dma_wait3A_247 = tpu.memref_squeeze %dma_wait3A_246 : memref<1x640x16xf32, #tpu.memory_space<hbm>> -> memref<640x16xf32, #tpu.memory_space<hbm>>
      %dma_wait3A_248 = arith.constant 0 : i32
      %dma_wait3A_249 = tpu.memref_slice %arg9[%mul3A_238, %dma_wait3A_248] : memref<10240x16xf32, #tpu.memory_space<vmem_shared>> -> memref<640x16xf32, #tpu.memory_space<vmem_shared>>
      tpu.wait_dma2 semaphore(%run_scoped3A : memref<!tpu.dma_semaphore, #tpu.memory_space<semaphore_mem>>) src(%dma_wait3A_249 : memref<640x16xf32, #tpu.memory_space<vmem_shared>>) dst(%dma_wait3A_247 : memref<640x16xf32, #tpu.memory_space<hbm>>)
      tpu.yield
    }) : () -> ()
    return
  }
}

#map = affine_map<(d0, d1) -> (0, 0)>
#map1 = affine_map<(d0, d1) -> (0, 0, 0)>
module attributes {stable_mosaic.version = 14 : i64} {
  func.func @kern(%arg0: i32, %arg1: i32, %arg2: memref<20480x128xf32, #tpu.memory_space<hbm>>, %arg3: memref<2560x128xi32, #tpu.memory_space<hbm>>, %arg4: memref<2x10240x16xf32, #tpu.memory_space<hbm>>, %arg5: memref<2x128xi32, #tpu.memory_space<vmem>>, %arg6: memref<128x16xf32, #tpu.memory_space<vmem>>, %arg7: memref<128x16xf32, #tpu.memory_space<vmem>>, %arg8: memref<128x16xf32, #tpu.memory_space<vmem>>, %arg9: memref<10240x16xf32, #tpu.memory_space<vmem_shared>>, %arg10: memref<2x!tpu.dma_semaphore, #tpu.memory_space<semaphore_mem>>, %arg11: memref<2x!tpu.dma_semaphore, #tpu.memory_space<semaphore_mem>>) attributes {dimension_semantics = [#tpu.dimension_semantics<core_parallel>, #tpu.dimension_semantics<subcore_parallel>], iteration_bounds = array<i64: 2, 16>, scalar_prefetch = 0 : i64, scratch_operands = 7 : i64, tpu.core_type = #tpu.core_type<sc_vector_subcore>, window_params = [{transform_indices = #map}, {transform_indices = #map}, {transform_indices = #map1}]} {
    %mul3A = arith.constant 16 : i32
    %mul3A_0 = arith.muli %arg0, %mul3A : i32
    %add3A = arith.addi %mul3A_0, %arg1 : i32
    %scan3A = arith.constant 0 : i32
    %scan3A_1 = arith.constant 128 : i32
    %scan3A_2 = arith.addi %scan3A, %scan3A_1 : i32
    %scan3A_3 = arith.constant 1 : i32
    scf.for %scan3A_241 = %scan3A to %scan3A_2 step %scan3A_3  : i32 {
      %mul3A_242 = arith.constant 1 : i32
      %mul3A_243 = arith.muli %scan3A_241, %mul3A_242 : i32
      %add3A_244 = arith.constant 0 : i32
      %add3A_245 = arith.addi %add3A_244, %mul3A_243 : i32
      %broadcast_in_dim3A = arith.constant 0.000000e+00 : f32
      %broadcast_in_dim3A_246 = vector.broadcast %broadcast_in_dim3A : f32 to vector<16xf32>
      %swap3A = arith.index_cast %add3A_245 : i32 to index
      %swap3A_247 = arith.constant 0 : index
      %swap3A_248 = tpu.vector_load %arg8[%swap3A, %swap3A_247] {strides = array<i32>} : memref<128x16xf32, #tpu.memory_space<vmem>>, vector<1x16xf32>,
      %swap3A_249 = vector.shape_cast %swap3A_248 : vector<1x16xf32> to vector<16xf32>
      %swap3A_250 = vector.shape_cast %broadcast_in_dim3A_246 : vector<16xf32> to vector<1x16xf32>
      tpu.vector_store %arg8[%swap3A, %swap3A_247], %swap3A_250 {strides = array<i32>} : memref<128x16xf32, #tpu.memory_space<vmem>>, vector<1x16xf32>,
    }
    %scan3A_4 = arith.constant 128 : i32
    %scan3A_5 = arith.constant 0 : i32
    %scan3A_6 = arith.constant 5 : i32
    %scan3A_7 = arith.addi %scan3A_5, %scan3A_6 : i32
    %scan3A_8 = arith.constant 1 : i32
    scf.for %scan3A_241 = %scan3A_5 to %scan3A_7 step %scan3A_8  : i32 {
      %mul3A_242 = arith.constant 1 : i32
      %mul3A_243 = arith.muli %scan3A_241, %mul3A_242 : i32
      %add3A_244 = arith.constant 0 : i32
      %add3A_245 = arith.addi %add3A_244, %mul3A_243 : i32
      %mul3A_246 = arith.constant 640 : i32
      %mul3A_247 = arith.muli %arg1, %mul3A_246 : i32
      %mul3A_248 = arith.constant 128 : i32
      %mul3A_249 = arith.muli %add3A_245, %mul3A_248 : i32
      %add3A_250 = arith.addi %mul3A_247, %mul3A_249 : i32
      "tpu.region"() ({
        %run_scoped3A = tpu.sem_alloc : memref<!tpu.dma_semaphore, #tpu.memory_space<semaphore_mem>>
        %dma_start3A_251 = arith.constant 0 : i32
        %dma_start3A_252 = tpu.memref_slice %arg9[%add3A_250, %dma_start3A_251] : memref<10240x16xf32, #tpu.memory_space<vmem_shared>> -> memref<128x16xf32, #tpu.memory_space<vmem_shared>>
        %dma_start3A_253 = arith.constant 0 : i32
        %dma_start3A_254 = tpu.memref_slice %arg9[%add3A_250, %dma_start3A_253] : memref<10240x16xf32, #tpu.memory_space<vmem_shared>> -> memref<128x16xf32, #tpu.memory_space<vmem_shared>>
        tpu.enqueue_dma source(%arg8 : memref<128x16xf32, #tpu.memory_space<vmem>>) target(%dma_start3A_254 : memref<128x16xf32, #tpu.memory_space<vmem_shared>>) target_semaphore(%run_scoped3A : memref<!tpu.dma_semaphore, #tpu.memory_space<semaphore_mem>>)
        %dma_wait3A = arith.constant 0 : i32
        %dma_wait3A_255 = tpu.memref_slice %arg9[%add3A_250, %dma_wait3A] : memref<10240x16xf32, #tpu.memory_space<vmem_shared>> -> memref<128x16xf32, #tpu.memory_space<vmem_shared>>
        %dma_wait3A_256 = arith.constant 0 : i32
        %dma_wait3A_257 = tpu.memref_slice %arg9[%add3A_250, %dma_wait3A_256] : memref<10240x16xf32, #tpu.memory_space<vmem_shared>> -> memref<128x16xf32, #tpu.memory_space<vmem_shared>>
        tpu.wait_dma2 semaphore(%run_scoped3A : memref<!tpu.dma_semaphore, #tpu.memory_space<semaphore_mem>>) src(%arg8 : memref<128x16xf32, #tpu.memory_space<vmem>>) dst(%dma_wait3A_257 : memref<128x16xf32, #tpu.memory_space<vmem_shared>>)
        tpu.yield
      }) : () -> ()
    }
    %scan3A_9 = arith.constant 5 : i32
    %barrier3A = arith.constant 0 : index
    tpu.barrier barrier_id(%barrier3A)
    %mul3A_10 = arith.constant 38 : i32
    %mul3A_11 = arith.muli %add3A, %mul3A_10 : i32
    %add3A_12 = arith.constant 1280 : i32
    %add3A_13 = arith.addi %add3A_12, %mul3A_11 : i32
    %min3A = arith.constant 4 : i32
    %min3A_14 = arith.minsi %add3A, %min3A : i32
    %add3A_15 = arith.addi %add3A_13, %min3A_14 : i32
    %lt3A = arith.constant 4 : i32
    %lt3A_16 = arith.cmpi slt, %add3A, %lt3A : i32
    %jit3A = arith.constant 1 : i32
    %jit3A_17 = arith.constant 0 : i32
    %select_n3A = arith.select %lt3A_16, %jit3A, %jit3A_17 : i32
    %add3A_18 = arith.constant 38 : i32
    %add3A_19 = arith.addi %add3A_18, %select_n3A : i32
    %add3A_20 = arith.addi %add3A_15, %add3A_19 : i32
    %dma_start3A = arith.constant 0 : i32
    %dma_start3A_21 = arith.constant 0 : i32
    %dma_start3A_22 = arith.constant 0 : i32
    %dma_start3A_23 = tpu.memref_slice %arg5[%dma_start3A_21, %dma_start3A_22] : memref<2x128xi32, #tpu.memory_space<vmem>> -> memref<1x128xi32, #tpu.memory_space<vmem>>
    %dma_start3A_24 = arith.constant 0 : i32
    %dma_start3A_25 = tpu.memref_slice %arg3[%add3A_15, %dma_start3A_24] : memref<2560x128xi32, #tpu.memory_space<hbm>> -> memref<1x128xi32, #tpu.memory_space<hbm>>
    %dma_start3A_26 = tpu.memref_slice %arg10[%dma_start3A] : memref<2x!tpu.dma_semaphore, #tpu.memory_space<semaphore_mem>> -> memref<1x!tpu.dma_semaphore, #tpu.memory_space<semaphore_mem>>
    %dma_start3A_27 = tpu.memref_squeeze %dma_start3A_26 : memref<1x!tpu.dma_semaphore, #tpu.memory_space<semaphore_mem>> -> memref<!tpu.dma_semaphore, #tpu.memory_space<semaphore_mem>>
    %dma_start3A_28 = arith.constant 0 : i32
    %dma_start3A_29 = arith.constant 0 : i32
    %dma_start3A_30 = tpu.memref_slice %arg5[%dma_start3A_28, %dma_start3A_29] : memref<2x128xi32, #tpu.memory_space<vmem>> -> memref<1x128xi32, #tpu.memory_space<vmem>>
    %dma_start3A_31 = arith.constant 0 : i32
    %dma_start3A_32 = tpu.memref_slice %arg3[%add3A_15, %dma_start3A_31] : memref<2560x128xi32, #tpu.memory_space<hbm>> -> memref<1x128xi32, #tpu.memory_space<hbm>>
    tpu.enqueue_dma source(%dma_start3A_32 : memref<1x128xi32, #tpu.memory_space<hbm>>) target(%dma_start3A_30 : memref<1x128xi32, #tpu.memory_space<vmem>>) target_semaphore(%dma_start3A_27 : memref<!tpu.dma_semaphore, #tpu.memory_space<semaphore_mem>>)
    %sub3A = arith.constant 1280 : i32
    %sub3A_33 = arith.subi %add3A_15, %sub3A : i32
    %jit3A_34 = arith.constant 256 : i32
    %div3A = arith.divsi %sub3A_33, %jit3A_34 : i32
    %sign3A = arith.constant 0 : i32
    %sign3A_35 = arith.cmpi sgt, %sub3A_33, %sign3A : i32
    %sign3A_36 = arith.extui %sign3A_35 : i1 to i32
    %sign3A_37 = arith.constant 0 : i32
    %sign3A_38 = arith.cmpi slt, %sub3A_33, %sign3A_37 : i32
    %sign3A_39 = arith.extui %sign3A_38 : i1 to i32
    %sign3A_40 = arith.subi %sign3A_36, %sign3A_39 : i32
    %sign3A_41 = arith.constant 0 : i32
    %sign3A_42 = arith.cmpi sgt, %jit3A_34, %sign3A_41 : i32
    %sign3A_43 = arith.extui %sign3A_42 : i1 to i32
    %sign3A_44 = arith.constant 0 : i32
    %sign3A_45 = arith.cmpi slt, %jit3A_34, %sign3A_44 : i32
    %sign3A_46 = arith.extui %sign3A_45 : i1 to i32
    %sign3A_47 = arith.subi %sign3A_43, %sign3A_46 : i32
    %ne3A = arith.cmpi ne, %sign3A_40, %sign3A_47 : i32
    %rem3A = arith.remsi %sub3A_33, %jit3A_34 : i32
    %ne3A_48 = arith.constant 0 : i32
    %ne3A_49 = arith.cmpi ne, %rem3A, %ne3A_48 : i32
    %and3A = arith.andi %ne3A, %ne3A_49 : i1
    %sub3A_50 = arith.constant 1 : i32
    %sub3A_51 = arith.subi %div3A, %sub3A_50 : i32
    %select_n3A_52 = arith.select %and3A, %sub3A_51, %div3A : i32
    %jit3A_53 = arith.constant 256 : i32
    %eq3A = arith.constant 0 : i32
    %eq3A_54 = arith.cmpi eq, %jit3A_53, %eq3A : i32
    %jit3A_55 = arith.constant 1 : i32
    %select_n3A_56 = arith.select %eq3A_54, %jit3A_55, %jit3A_53 : i32
    %rem3A_57 = arith.remsi %sub3A_33, %select_n3A_56 : i32
    %ne3A_58 = arith.constant 0 : i32
    %ne3A_59 = arith.cmpi ne, %rem3A_57, %ne3A_58 : i32
    %lt3A_60 = arith.constant 0 : i32
    %lt3A_61 = arith.cmpi slt, %rem3A_57, %lt3A_60 : i32
    %lt3A_62 = arith.constant 0 : i32
    %lt3A_63 = arith.cmpi slt, %select_n3A_56, %lt3A_62 : i32
    %ne3A_64 = arith.xori %lt3A_61, %lt3A_63 : i1
    %and3A_65 = arith.andi %ne3A_64, %ne3A_59 : i1
    %add3A_66 = arith.addi %rem3A_57, %select_n3A_56 : i32
    %select_n3A_67 = arith.select %and3A_65, %add3A_66, %rem3A_57 : i32
    %mul3A_68 = arith.constant 4096 : i32
    %mul3A_69 = arith.muli %select_n3A_52, %mul3A_68 : i32
    %jit3A_70 = arith.constant 32 : i32
    %eq3A_71 = arith.constant 0 : i32
    %eq3A_72 = arith.cmpi eq, %jit3A_70, %eq3A_71 : i32
    %jit3A_73 = arith.constant 1 : i32
    %select_n3A_74 = arith.select %eq3A_72, %jit3A_73, %jit3A_70 : i32
    %rem3A_75 = arith.remsi %select_n3A_67, %select_n3A_74 : i32
    %ne3A_76 = arith.constant 0 : i32
    %ne3A_77 = arith.cmpi ne, %rem3A_75, %ne3A_76 : i32
    %lt3A_78 = arith.constant 0 : i32
    %lt3A_79 = arith.cmpi slt, %rem3A_75, %lt3A_78 : i32
    %lt3A_80 = arith.constant 0 : i32
    %lt3A_81 = arith.cmpi slt, %select_n3A_74, %lt3A_80 : i32
    %ne3A_82 = arith.xori %lt3A_79, %lt3A_81 : i1
    %and3A_83 = arith.andi %ne3A_82, %ne3A_77 : i1
    %add3A_84 = arith.addi %rem3A_75, %select_n3A_74 : i32
    %select_n3A_85 = arith.select %and3A_83, %add3A_84, %rem3A_75 : i32
    %mul3A_86 = arith.constant 128 : i32
    %mul3A_87 = arith.muli %select_n3A_85, %mul3A_86 : i32
    %add3A_88 = arith.addi %mul3A_69, %mul3A_87 : i32
    %jit3A_89 = arith.constant 32 : i32
    %div3A_90 = arith.divsi %select_n3A_67, %jit3A_89 : i32
    %sign3A_91 = arith.constant 0 : i32
    %sign3A_92 = arith.cmpi sgt, %select_n3A_67, %sign3A_91 : i32
    %sign3A_93 = arith.extui %sign3A_92 : i1 to i32
    %sign3A_94 = arith.constant 0 : i32
    %sign3A_95 = arith.cmpi slt, %select_n3A_67, %sign3A_94 : i32
    %sign3A_96 = arith.extui %sign3A_95 : i1 to i32
    %sign3A_97 = arith.subi %sign3A_93, %sign3A_96 : i32
    %sign3A_98 = arith.constant 0 : i32
    %sign3A_99 = arith.cmpi sgt, %jit3A_89, %sign3A_98 : i32
    %sign3A_100 = arith.extui %sign3A_99 : i1 to i32
    %sign3A_101 = arith.constant 0 : i32
    %sign3A_102 = arith.cmpi slt, %jit3A_89, %sign3A_101 : i32
    %sign3A_103 = arith.extui %sign3A_102 : i1 to i32
    %sign3A_104 = arith.subi %sign3A_100, %sign3A_103 : i32
    %ne3A_105 = arith.cmpi ne, %sign3A_97, %sign3A_104 : i32
    %rem3A_106 = arith.remsi %select_n3A_67, %jit3A_89 : i32
    %ne3A_107 = arith.constant 0 : i32
    %ne3A_108 = arith.cmpi ne, %rem3A_106, %ne3A_107 : i32
    %and3A_109 = arith.andi %ne3A_105, %ne3A_108 : i1
    %sub3A_110 = arith.constant 1 : i32
    %sub3A_111 = arith.subi %div3A_90, %sub3A_110 : i32
    %select_n3A_112 = arith.select %and3A_109, %sub3A_111, %div3A_90 : i32
    %mul3A_113 = arith.constant 16 : i32
    %mul3A_114 = arith.muli %select_n3A_112, %mul3A_113 : i32
    %dma_start3A_115 = arith.constant 0 : i32
    %dma_start3A_116 = tpu.memref_slice %arg2[%add3A_88, %mul3A_114] : memref<20480x128xf32, #tpu.memory_space<hbm>> -> memref<128x16xf32, #tpu.memory_space<hbm>>
    %dma_start3A_117 = tpu.memref_slice %arg10[%dma_start3A_115] : memref<2x!tpu.dma_semaphore, #tpu.memory_space<semaphore_mem>> -> memref<1x!tpu.dma_semaphore, #tpu.memory_space<semaphore_mem>>
    %dma_start3A_118 = tpu.memref_squeeze %dma_start3A_117 : memref<1x!tpu.dma_semaphore, #tpu.memory_space<semaphore_mem>> -> memref<!tpu.dma_semaphore, #tpu.memory_space<semaphore_mem>>
    %dma_start3A_119 = tpu.memref_slice %arg2[%add3A_88, %mul3A_114] : memref<20480x128xf32, #tpu.memory_space<hbm>> -> memref<128x16xf32, #tpu.memory_space<hbm>>
    tpu.enqueue_dma source(%dma_start3A_119 : memref<128x16xf32, #tpu.memory_space<hbm>>) target(%arg6 : memref<128x16xf32, #tpu.memory_space<vmem>>) target_semaphore(%dma_start3A_118 : memref<!tpu.dma_semaphore, #tpu.memory_space<semaphore_mem>>)
    %add3A_120 = arith.constant 1 : i32
    %add3A_121 = arith.addi %add3A_15, %add3A_120 : i32
    %dma_start3A_122 = arith.constant 1 : i32
    %dma_start3A_123 = arith.constant 1 : i32
    %dma_start3A_124 = arith.constant 0 : i32
    %dma_start3A_125 = tpu.memref_slice %arg5[%dma_start3A_123, %dma_start3A_124] : memref<2x128xi32, #tpu.memory_space<vmem>> -> memref<1x128xi32, #tpu.memory_space<vmem>>
    %dma_start3A_126 = arith.constant 0 : i32
    %dma_start3A_127 = tpu.memref_slice %arg3[%add3A_121, %dma_start3A_126] : memref<2560x128xi32, #tpu.memory_space<hbm>> -> memref<1x128xi32, #tpu.memory_space<hbm>>
    %dma_start3A_128 = tpu.memref_slice %arg10[%dma_start3A_122] : memref<2x!tpu.dma_semaphore, #tpu.memory_space<semaphore_mem>> -> memref<1x!tpu.dma_semaphore, #tpu.memory_space<semaphore_mem>>
    %dma_start3A_129 = tpu.memref_squeeze %dma_start3A_128 : memref<1x!tpu.dma_semaphore, #tpu.memory_space<semaphore_mem>> -> memref<!tpu.dma_semaphore, #tpu.memory_space<semaphore_mem>>
    %dma_start3A_130 = arith.constant 1 : i32
    %dma_start3A_131 = arith.constant 0 : i32
    %dma_start3A_132 = tpu.memref_slice %arg5[%dma_start3A_130, %dma_start3A_131] : memref<2x128xi32, #tpu.memory_space<vmem>> -> memref<1x128xi32, #tpu.memory_space<vmem>>
    %dma_start3A_133 = arith.constant 0 : i32
    %dma_start3A_134 = tpu.memref_slice %arg3[%add3A_121, %dma_start3A_133] : memref<2560x128xi32, #tpu.memory_space<hbm>> -> memref<1x128xi32, #tpu.memory_space<hbm>>
    tpu.enqueue_dma source(%dma_start3A_134 : memref<1x128xi32, #tpu.memory_space<hbm>>) target(%dma_start3A_132 : memref<1x128xi32, #tpu.memory_space<vmem>>) target_semaphore(%dma_start3A_129 : memref<!tpu.dma_semaphore, #tpu.memory_space<semaphore_mem>>)
    %sub3A_135 = arith.constant 1280 : i32
    %sub3A_136 = arith.subi %add3A_121, %sub3A_135 : i32
    %jit3A_137 = arith.constant 256 : i32
    %div3A_138 = arith.divsi %sub3A_136, %jit3A_137 : i32
    %sign3A_139 = arith.constant 0 : i32
    %sign3A_140 = arith.cmpi sgt, %sub3A_136, %sign3A_139 : i32
    %sign3A_141 = arith.extui %sign3A_140 : i1 to i32
    %sign3A_142 = arith.constant 0 : i32
    %sign3A_143 = arith.cmpi slt, %sub3A_136, %sign3A_142 : i32
    %sign3A_144 = arith.extui %sign3A_143 : i1 to i32
    %sign3A_145 = arith.subi %sign3A_141, %sign3A_144 : i32
    %sign3A_146 = arith.constant 0 : i32
    %sign3A_147 = arith.cmpi sgt, %jit3A_137, %sign3A_146 : i32
    %sign3A_148 = arith.extui %sign3A_147 : i1 to i32
    %sign3A_149 = arith.constant 0 : i32
    %sign3A_150 = arith.cmpi slt, %jit3A_137, %sign3A_149 : i32
    %sign3A_151 = arith.extui %sign3A_150 : i1 to i32
    %sign3A_152 = arith.subi %sign3A_148, %sign3A_151 : i32
    %ne3A_153 = arith.cmpi ne, %sign3A_145, %sign3A_152 : i32
    %rem3A_154 = arith.remsi %sub3A_136, %jit3A_137 : i32
    %ne3A_155 = arith.constant 0 : i32
    %ne3A_156 = arith.cmpi ne, %rem3A_154, %ne3A_155 : i32
    %and3A_157 = arith.andi %ne3A_153, %ne3A_156 : i1
    %sub3A_158 = arith.constant 1 : i32
    %sub3A_159 = arith.subi %div3A_138, %sub3A_158 : i32
    %select_n3A_160 = arith.select %and3A_157, %sub3A_159, %div3A_138 : i32
    %jit3A_161 = arith.constant 256 : i32
    %eq3A_162 = arith.constant 0 : i32
    %eq3A_163 = arith.cmpi eq, %jit3A_161, %eq3A_162 : i32
    %jit3A_164 = arith.constant 1 : i32
    %select_n3A_165 = arith.select %eq3A_163, %jit3A_164, %jit3A_161 : i32
    %rem3A_166 = arith.remsi %sub3A_136, %select_n3A_165 : i32
    %ne3A_167 = arith.constant 0 : i32
    %ne3A_168 = arith.cmpi ne, %rem3A_166, %ne3A_167 : i32
    %lt3A_169 = arith.constant 0 : i32
    %lt3A_170 = arith.cmpi slt, %rem3A_166, %lt3A_169 : i32
    %lt3A_171 = arith.constant 0 : i32
    %lt3A_172 = arith.cmpi slt, %select_n3A_165, %lt3A_171 : i32
    %ne3A_173 = arith.xori %lt3A_170, %lt3A_172 : i1
    %and3A_174 = arith.andi %ne3A_173, %ne3A_168 : i1
    %add3A_175 = arith.addi %rem3A_166, %select_n3A_165 : i32
    %select_n3A_176 = arith.select %and3A_174, %add3A_175, %rem3A_166 : i32
    %mul3A_177 = arith.constant 4096 : i32
    %mul3A_178 = arith.muli %select_n3A_160, %mul3A_177 : i32
    %jit3A_179 = arith.constant 32 : i32
    %eq3A_180 = arith.constant 0 : i32
    %eq3A_181 = arith.cmpi eq, %jit3A_179, %eq3A_180 : i32
    %jit3A_182 = arith.constant 1 : i32
    %select_n3A_183 = arith.select %eq3A_181, %jit3A_182, %jit3A_179 : i32
    %rem3A_184 = arith.remsi %select_n3A_176, %select_n3A_183 : i32
    %ne3A_185 = arith.constant 0 : i32
    %ne3A_186 = arith.cmpi ne, %rem3A_184, %ne3A_185 : i32
    %lt3A_187 = arith.constant 0 : i32
    %lt3A_188 = arith.cmpi slt, %rem3A_184, %lt3A_187 : i32
    %lt3A_189 = arith.constant 0 : i32
    %lt3A_190 = arith.cmpi slt, %select_n3A_183, %lt3A_189 : i32
    %ne3A_191 = arith.xori %lt3A_188, %lt3A_190 : i1
    %and3A_192 = arith.andi %ne3A_191, %ne3A_186 : i1
    %add3A_193 = arith.addi %rem3A_184, %select_n3A_183 : i32
    %select_n3A_194 = arith.select %and3A_192, %add3A_193, %rem3A_184 : i32
    %mul3A_195 = arith.constant 128 : i32
    %mul3A_196 = arith.muli %select_n3A_194, %mul3A_195 : i32
    %add3A_197 = arith.addi %mul3A_178, %mul3A_196 : i32
    %jit3A_198 = arith.constant 32 : i32
    %div3A_199 = arith.divsi %select_n3A_176, %jit3A_198 : i32
    %sign3A_200 = arith.constant 0 : i32
    %sign3A_201 = arith.cmpi sgt, %select_n3A_176, %sign3A_200 : i32
    %sign3A_202 = arith.extui %sign3A_201 : i1 to i32
    %sign3A_203 = arith.constant 0 : i32
    %sign3A_204 = arith.cmpi slt, %select_n3A_176, %sign3A_203 : i32
    %sign3A_205 = arith.extui %sign3A_204 : i1 to i32
    %sign3A_206 = arith.subi %sign3A_202, %sign3A_205 : i32
    %sign3A_207 = arith.constant 0 : i32
    %sign3A_208 = arith.cmpi sgt, %jit3A_198, %sign3A_207 : i32
    %sign3A_209 = arith.extui %sign3A_208 : i1 to i32
    %sign3A_210 = arith.constant 0 : i32
    %sign3A_211 = arith.cmpi slt, %jit3A_198, %sign3A_210 : i32
    %sign3A_212 = arith.extui %sign3A_211 : i1 to i32
    %sign3A_213 = arith.subi %sign3A_209, %sign3A_212 : i32
    %ne3A_214 = arith.cmpi ne, %sign3A_206, %sign3A_213 : i32
    %rem3A_215 = arith.remsi %select_n3A_176, %jit3A_198 : i32
    %ne3A_216 = arith.constant 0 : i32
    %ne3A_217 = arith.cmpi ne, %rem3A_215, %ne3A_216 : i32
    %and3A_218 = arith.andi %ne3A_214, %ne3A_217 : i1
    %sub3A_219 = arith.constant 1 : i32
    %sub3A_220 = arith.subi %div3A_199, %sub3A_219 : i32
    %select_n3A_221 = arith.select %and3A_218, %sub3A_220, %div3A_199 : i32
    %mul3A_222 = arith.constant 16 : i32
    %mul3A_223 = arith.muli %select_n3A_221, %mul3A_222 : i32
    %dma_start3A_224 = arith.constant 1 : i32
    %dma_start3A_225 = tpu.memref_slice %arg2[%add3A_197, %mul3A_223] : memref<20480x128xf32, #tpu.memory_space<hbm>> -> memref<128x16xf32, #tpu.memory_space<hbm>>
    %dma_start3A_226 = tpu.memref_slice %arg10[%dma_start3A_224] : memref<2x!tpu.dma_semaphore, #tpu.memory_space<semaphore_mem>> -> memref<1x!tpu.dma_semaphore, #tpu.memory_space<semaphore_mem>>
    %dma_start3A_227 = tpu.memref_squeeze %dma_start3A_226 : memref<1x!tpu.dma_semaphore, #tpu.memory_space<semaphore_mem>> -> memref<!tpu.dma_semaphore, #tpu.memory_space<semaphore_mem>>
    %dma_start3A_228 = tpu.memref_slice %arg2[%add3A_197, %mul3A_223] : memref<20480x128xf32, #tpu.memory_space<hbm>> -> memref<128x16xf32, #tpu.memory_space<hbm>>
    tpu.enqueue_dma source(%dma_start3A_228 : memref<128x16xf32, #tpu.memory_space<hbm>>) target(%arg7 : memref<128x16xf32, #tpu.memory_space<vmem>>) target_semaphore(%dma_start3A_227 : memref<!tpu.dma_semaphore, #tpu.memory_space<semaphore_mem>>)
    %scan3A_229 = arith.constant 0 : i32
    %scan3A_230 = arith.constant 19 : i32
    %scan3A_231 = arith.addi %scan3A_229, %scan3A_230 : i32
    %scan3A_232 = arith.constant 1 : i32
    scf.for %scan3A_241 = %scan3A_229 to %scan3A_231 step %scan3A_232  : i32 {
      %mul3A_242 = arith.constant 1 : i32
      %mul3A_243 = arith.muli %scan3A_241, %mul3A_242 : i32
      %add3A_244 = arith.constant 0 : i32
      %add3A_245 = arith.addi %add3A_244, %mul3A_243 : i32
      %mul3A_246 = arith.constant 2 : i32
      %mul3A_247 = arith.muli %mul3A_246, %add3A_245 : i32
      %add3A_248 = arith.addi %add3A_15, %mul3A_247 : i32
      %dma_wait3A = arith.constant 0 : i32
      %dma_wait3A_249 = arith.constant 0 : i32
      %dma_wait3A_250 = arith.constant 0 : i32
      %dma_wait3A_251 = tpu.memref_slice %arg5[%dma_wait3A_249, %dma_wait3A_250] : memref<2x128xi32, #tpu.memory_space<vmem>> -> memref<1x128xi32, #tpu.memory_space<vmem>>
      %dma_wait3A_252 = arith.constant 0 : i32
      %dma_wait3A_253 = tpu.memref_slice %arg3[%add3A_248, %dma_wait3A_252] : memref<2560x128xi32, #tpu.memory_space<hbm>> -> memref<1x128xi32, #tpu.memory_space<hbm>>
      %dma_wait3A_254 = tpu.memref_slice %arg10[%dma_wait3A] : memref<2x!tpu.dma_semaphore, #tpu.memory_space<semaphore_mem>> -> memref<1x!tpu.dma_semaphore, #tpu.memory_space<semaphore_mem>>
      %dma_wait3A_255 = tpu.memref_squeeze %dma_wait3A_254 : memref<1x!tpu.dma_semaphore, #tpu.memory_space<semaphore_mem>> -> memref<!tpu.dma_semaphore, #tpu.memory_space<semaphore_mem>>
      %dma_wait3A_256 = arith.constant 0 : i32
      %dma_wait3A_257 = arith.constant 0 : i32
      %dma_wait3A_258 = tpu.memref_slice %arg5[%dma_wait3A_256, %dma_wait3A_257] : memref<2x128xi32, #tpu.memory_space<vmem>> -> memref<1x128xi32, #tpu.memory_space<vmem>>
      %dma_wait3A_259 = arith.constant 0 : i32
      %dma_wait3A_260 = tpu.memref_slice %arg3[%add3A_248, %dma_wait3A_259] : memref<2560x128xi32, #tpu.memory_space<hbm>> -> memref<1x128xi32, #tpu.memory_space<hbm>>
      tpu.wait_dma2 semaphore(%dma_wait3A_255 : memref<!tpu.dma_semaphore, #tpu.memory_space<semaphore_mem>>) src(%dma_wait3A_260 : memref<1x128xi32, #tpu.memory_space<hbm>>) dst(%dma_wait3A_258 : memref<1x128xi32, #tpu.memory_space<vmem>>)
      %sub3A_261 = arith.constant 1280 : i32
      %sub3A_262 = arith.subi %add3A_248, %sub3A_261 : i32
      %jit3A_263 = arith.constant 256 : i32
      %div3A_264 = arith.divsi %sub3A_262, %jit3A_263 : i32
      %sign3A_265 = arith.constant 0 : i32
      %sign3A_266 = arith.cmpi sgt, %sub3A_262, %sign3A_265 : i32
      %sign3A_267 = arith.extui %sign3A_266 : i1 to i32
      %sign3A_268 = arith.constant 0 : i32
      %sign3A_269 = arith.cmpi slt, %sub3A_262, %sign3A_268 : i32
      %sign3A_270 = arith.extui %sign3A_269 : i1 to i32
      %sign3A_271 = arith.subi %sign3A_267, %sign3A_270 : i32
      %sign3A_272 = arith.constant 0 : i32
      %sign3A_273 = arith.cmpi sgt, %jit3A_263, %sign3A_272 : i32
      %sign3A_274 = arith.extui %sign3A_273 : i1 to i32
      %sign3A_275 = arith.constant 0 : i32
      %sign3A_276 = arith.cmpi slt, %jit3A_263, %sign3A_275 : i32
      %sign3A_277 = arith.extui %sign3A_276 : i1 to i32
      %sign3A_278 = arith.subi %sign3A_274, %sign3A_277 : i32
      %ne3A_279 = arith.cmpi ne, %sign3A_271, %sign3A_278 : i32
      %rem3A_280 = arith.remsi %sub3A_262, %jit3A_263 : i32
      %ne3A_281 = arith.constant 0 : i32
      %ne3A_282 = arith.cmpi ne, %rem3A_280, %ne3A_281 : i32
      %and3A_283 = arith.andi %ne3A_279, %ne3A_282 : i1
      %sub3A_284 = arith.constant 1 : i32
      %sub3A_285 = arith.subi %div3A_264, %sub3A_284 : i32
      %select_n3A_286 = arith.select %and3A_283, %sub3A_285, %div3A_264 : i32
      %jit3A_287 = arith.constant 256 : i32
      %eq3A_288 = arith.constant 0 : i32
      %eq3A_289 = arith.cmpi eq, %jit3A_287, %eq3A_288 : i32
      %jit3A_290 = arith.constant 1 : i32
      %select_n3A_291 = arith.select %eq3A_289, %jit3A_290, %jit3A_287 : i32
      %rem3A_292 = arith.remsi %sub3A_262, %select_n3A_291 : i32
      %ne3A_293 = arith.constant 0 : i32
      %ne3A_294 = arith.cmpi ne, %rem3A_292, %ne3A_293 : i32
      %lt3A_295 = arith.constant 0 : i32
      %lt3A_296 = arith.cmpi slt, %rem3A_292, %lt3A_295 : i32
      %lt3A_297 = arith.constant 0 : i32
      %lt3A_298 = arith.cmpi slt, %select_n3A_291, %lt3A_297 : i32
      %ne3A_299 = arith.xori %lt3A_296, %lt3A_298 : i1
      %and3A_300 = arith.andi %ne3A_299, %ne3A_294 : i1
      %add3A_301 = arith.addi %rem3A_292, %select_n3A_291 : i32
      %select_n3A_302 = arith.select %and3A_300, %add3A_301, %rem3A_292 : i32
      %mul3A_303 = arith.constant 4096 : i32
      %mul3A_304 = arith.muli %select_n3A_286, %mul3A_303 : i32
      %jit3A_305 = arith.constant 32 : i32
      %eq3A_306 = arith.constant 0 : i32
      %eq3A_307 = arith.cmpi eq, %jit3A_305, %eq3A_306 : i32
      %jit3A_308 = arith.constant 1 : i32
      %select_n3A_309 = arith.select %eq3A_307, %jit3A_308, %jit3A_305 : i32
      %rem3A_310 = arith.remsi %select_n3A_302, %select_n3A_309 : i32
      %ne3A_311 = arith.constant 0 : i32
      %ne3A_312 = arith.cmpi ne, %rem3A_310, %ne3A_311 : i32
      %lt3A_313 = arith.constant 0 : i32
      %lt3A_314 = arith.cmpi slt, %rem3A_310, %lt3A_313 : i32
      %lt3A_315 = arith.constant 0 : i32
      %lt3A_316 = arith.cmpi slt, %select_n3A_309, %lt3A_315 : i32
      %ne3A_317 = arith.xori %lt3A_314, %lt3A_316 : i1
      %and3A_318 = arith.andi %ne3A_317, %ne3A_312 : i1
      %add3A_319 = arith.addi %rem3A_310, %select_n3A_309 : i32
      %select_n3A_320 = arith.select %and3A_318, %add3A_319, %rem3A_310 : i32
      %mul3A_321 = arith.constant 128 : i32
      %mul3A_322 = arith.muli %select_n3A_320, %mul3A_321 : i32
      %add3A_323 = arith.addi %mul3A_304, %mul3A_322 : i32
      %jit3A_324 = arith.constant 32 : i32
      %div3A_325 = arith.divsi %select_n3A_302, %jit3A_324 : i32
      %sign3A_326 = arith.constant 0 : i32
      %sign3A_327 = arith.cmpi sgt, %select_n3A_302, %sign3A_326 : i32
      %sign3A_328 = arith.extui %sign3A_327 : i1 to i32
      %sign3A_329 = arith.constant 0 : i32
      %sign3A_330 = arith.cmpi slt, %select_n3A_302, %sign3A_329 : i32
      %sign3A_331 = arith.extui %sign3A_330 : i1 to i32
      %sign3A_332 = arith.subi %sign3A_328, %sign3A_331 : i32
      %sign3A_333 = arith.constant 0 : i32
      %sign3A_334 = arith.cmpi sgt, %jit3A_324, %sign3A_333 : i32
      %sign3A_335 = arith.extui %sign3A_334 : i1 to i32
      %sign3A_336 = arith.constant 0 : i32
      %sign3A_337 = arith.cmpi slt, %jit3A_324, %sign3A_336 : i32
      %sign3A_338 = arith.extui %sign3A_337 : i1 to i32
      %sign3A_339 = arith.subi %sign3A_335, %sign3A_338 : i32
      %ne3A_340 = arith.cmpi ne, %sign3A_332, %sign3A_339 : i32
      %rem3A_341 = arith.remsi %select_n3A_302, %jit3A_324 : i32
      %ne3A_342 = arith.constant 0 : i32
      %ne3A_343 = arith.cmpi ne, %rem3A_341, %ne3A_342 : i32
      %and3A_344 = arith.andi %ne3A_340, %ne3A_343 : i1
      %sub3A_345 = arith.constant 1 : i32
      %sub3A_346 = arith.subi %div3A_325, %sub3A_345 : i32
      %select_n3A_347 = arith.select %and3A_344, %sub3A_346, %div3A_325 : i32
      %mul3A_348 = arith.constant 16 : i32
      %mul3A_349 = arith.muli %select_n3A_347, %mul3A_348 : i32
      %dma_wait3A_350 = arith.constant 0 : i32
      %dma_wait3A_351 = tpu.memref_slice %arg2[%add3A_323, %mul3A_349] : memref<20480x128xf32, #tpu.memory_space<hbm>> -> memref<128x16xf32, #tpu.memory_space<hbm>>
      %dma_wait3A_352 = tpu.memref_slice %arg10[%dma_wait3A_350] : memref<2x!tpu.dma_semaphore, #tpu.memory_space<semaphore_mem>> -> memref<1x!tpu.dma_semaphore, #tpu.memory_space<semaphore_mem>>
      %dma_wait3A_353 = tpu.memref_squeeze %dma_wait3A_352 : memref<1x!tpu.dma_semaphore, #tpu.memory_space<semaphore_mem>> -> memref<!tpu.dma_semaphore, #tpu.memory_space<semaphore_mem>>
      %dma_wait3A_354 = tpu.memref_slice %arg2[%add3A_323, %mul3A_349] : memref<20480x128xf32, #tpu.memory_space<hbm>> -> memref<128x16xf32, #tpu.memory_space<hbm>>
      tpu.wait_dma2 semaphore(%dma_wait3A_353 : memref<!tpu.dma_semaphore, #tpu.memory_space<semaphore_mem>>) src(%dma_wait3A_354 : memref<128x16xf32, #tpu.memory_space<hbm>>) dst(%arg6 : memref<128x16xf32, #tpu.memory_space<vmem>>)
      %dma_start3A_355 = arith.constant 0 : i32
      %dma_start3A_356 = arith.constant 0 : i32
      %dma_start3A_357 = arith.constant 0 : i32
      %dma_start3A_358 = tpu.memref_slice %arg5[%dma_start3A_355, %dma_start3A_357] : memref<2x128xi32, #tpu.memory_space<vmem>> -> memref<1x128xi32, #tpu.memory_space<vmem>>
      %dma_start3A_359 = tpu.memref_squeeze %dma_start3A_358 : memref<1x128xi32, #tpu.memory_space<vmem>> -> memref<128xi32, #tpu.memory_space<vmem>>
      %dma_start3A_360 = arith.constant 0 : i32
      %dma_start3A_361 = arith.constant 0 : i32
      %dma_start3A_362 = tpu.memref_slice %arg9[%dma_start3A_360, %dma_start3A_361] : memref<10240x16xf32, #tpu.memory_space<vmem_shared>> -> memref<10240x16xf32, #tpu.memory_space<vmem_shared>>
      %dma_start3A_363 = tpu.memref_slice %arg11[%dma_start3A_356] : memref<2x!tpu.dma_semaphore, #tpu.memory_space<semaphore_mem>> -> memref<1x!tpu.dma_semaphore, #tpu.memory_space<semaphore_mem>>
      %dma_start3A_364 = tpu.memref_squeeze %dma_start3A_363 : memref<1x!tpu.dma_semaphore, #tpu.memory_space<semaphore_mem>> -> memref<!tpu.dma_semaphore, #tpu.memory_space<semaphore_mem>>
      tpu.enqueue_indirect_dma source(%arg6 : memref<128x16xf32, #tpu.memory_space<vmem>>) target(%dma_start3A_362 : memref<10240x16xf32, #tpu.memory_space<vmem_shared>>) offsets(%dma_start3A_359 : memref<128xi32, #tpu.memory_space<vmem>>) semaphore(%dma_start3A_364 : memref<!tpu.dma_semaphore, #tpu.memory_space<semaphore_mem>>) {add = true}
      %add3A_365 = arith.constant 1 : i32
      %add3A_366 = arith.addi %add3A_248, %add3A_365 : i32
      %dma_wait3A_367 = arith.constant 1 : i32
      %dma_wait3A_368 = arith.constant 1 : i32
      %dma_wait3A_369 = arith.constant 0 : i32
      %dma_wait3A_370 = tpu.memref_slice %arg5[%dma_wait3A_368, %dma_wait3A_369] : memref<2x128xi32, #tpu.memory_space<vmem>> -> memref<1x128xi32, #tpu.memory_space<vmem>>
      %dma_wait3A_371 = arith.constant 0 : i32
      %dma_wait3A_372 = tpu.memref_slice %arg3[%add3A_366, %dma_wait3A_371] : memref<2560x128xi32, #tpu.memory_space<hbm>> -> memref<1x128xi32, #tpu.memory_space<hbm>>
      %dma_wait3A_373 = tpu.memref_slice %arg10[%dma_wait3A_367] : memref<2x!tpu.dma_semaphore, #tpu.memory_space<semaphore_mem>> -> memref<1x!tpu.dma_semaphore, #tpu.memory_space<semaphore_mem>>
      %dma_wait3A_374 = tpu.memref_squeeze %dma_wait3A_373 : memref<1x!tpu.dma_semaphore, #tpu.memory_space<semaphore_mem>> -> memref<!tpu.dma_semaphore, #tpu.memory_space<semaphore_mem>>
      %dma_wait3A_375 = arith.constant 1 : i32
      %dma_wait3A_376 = arith.constant 0 : i32
      %dma_wait3A_377 = tpu.memref_slice %arg5[%dma_wait3A_375, %dma_wait3A_376] : memref<2x128xi32, #tpu.memory_space<vmem>> -> memref<1x128xi32, #tpu.memory_space<vmem>>
      %dma_wait3A_378 = arith.constant 0 : i32
      %dma_wait3A_379 = tpu.memref_slice %arg3[%add3A_366, %dma_wait3A_378] : memref<2560x128xi32, #tpu.memory_space<hbm>> -> memref<1x128xi32, #tpu.memory_space<hbm>>
      tpu.wait_dma2 semaphore(%dma_wait3A_374 : memref<!tpu.dma_semaphore, #tpu.memory_space<semaphore_mem>>) src(%dma_wait3A_379 : memref<1x128xi32, #tpu.memory_space<hbm>>) dst(%dma_wait3A_377 : memref<1x128xi32, #tpu.memory_space<vmem>>)
      %sub3A_380 = arith.constant 1280 : i32
      %sub3A_381 = arith.subi %add3A_366, %sub3A_380 : i32
      %jit3A_382 = arith.constant 256 : i32
      %div3A_383 = arith.divsi %sub3A_381, %jit3A_382 : i32
      %sign3A_384 = arith.constant 0 : i32
      %sign3A_385 = arith.cmpi sgt, %sub3A_381, %sign3A_384 : i32
      %sign3A_386 = arith.extui %sign3A_385 : i1 to i32
      %sign3A_387 = arith.constant 0 : i32
      %sign3A_388 = arith.cmpi slt, %sub3A_381, %sign3A_387 : i32
      %sign3A_389 = arith.extui %sign3A_388 : i1 to i32
      %sign3A_390 = arith.subi %sign3A_386, %sign3A_389 : i32
      %sign3A_391 = arith.constant 0 : i32
      %sign3A_392 = arith.cmpi sgt, %jit3A_382, %sign3A_391 : i32
      %sign3A_393 = arith.extui %sign3A_392 : i1 to i32
      %sign3A_394 = arith.constant 0 : i32
      %sign3A_395 = arith.cmpi slt, %jit3A_382, %sign3A_394 : i32
      %sign3A_396 = arith.extui %sign3A_395 : i1 to i32
      %sign3A_397 = arith.subi %sign3A_393, %sign3A_396 : i32
      %ne3A_398 = arith.cmpi ne, %sign3A_390, %sign3A_397 : i32
      %rem3A_399 = arith.remsi %sub3A_381, %jit3A_382 : i32
      %ne3A_400 = arith.constant 0 : i32
      %ne3A_401 = arith.cmpi ne, %rem3A_399, %ne3A_400 : i32
      %and3A_402 = arith.andi %ne3A_398, %ne3A_401 : i1
      %sub3A_403 = arith.constant 1 : i32
      %sub3A_404 = arith.subi %div3A_383, %sub3A_403 : i32
      %select_n3A_405 = arith.select %and3A_402, %sub3A_404, %div3A_383 : i32
      %jit3A_406 = arith.constant 256 : i32
      %eq3A_407 = arith.constant 0 : i32
      %eq3A_408 = arith.cmpi eq, %jit3A_406, %eq3A_407 : i32
      %jit3A_409 = arith.constant 1 : i32
      %select_n3A_410 = arith.select %eq3A_408, %jit3A_409, %jit3A_406 : i32
      %rem3A_411 = arith.remsi %sub3A_381, %select_n3A_410 : i32
      %ne3A_412 = arith.constant 0 : i32
      %ne3A_413 = arith.cmpi ne, %rem3A_411, %ne3A_412 : i32
      %lt3A_414 = arith.constant 0 : i32
      %lt3A_415 = arith.cmpi slt, %rem3A_411, %lt3A_414 : i32
      %lt3A_416 = arith.constant 0 : i32
      %lt3A_417 = arith.cmpi slt, %select_n3A_410, %lt3A_416 : i32
      %ne3A_418 = arith.xori %lt3A_415, %lt3A_417 : i1
      %and3A_419 = arith.andi %ne3A_418, %ne3A_413 : i1
      %add3A_420 = arith.addi %rem3A_411, %select_n3A_410 : i32
      %select_n3A_421 = arith.select %and3A_419, %add3A_420, %rem3A_411 : i32
      %mul3A_422 = arith.constant 4096 : i32
      %mul3A_423 = arith.muli %select_n3A_405, %mul3A_422 : i32
      %jit3A_424 = arith.constant 32 : i32
      %eq3A_425 = arith.constant 0 : i32
      %eq3A_426 = arith.cmpi eq, %jit3A_424, %eq3A_425 : i32
      %jit3A_427 = arith.constant 1 : i32
      %select_n3A_428 = arith.select %eq3A_426, %jit3A_427, %jit3A_424 : i32
      %rem3A_429 = arith.remsi %select_n3A_421, %select_n3A_428 : i32
      %ne3A_430 = arith.constant 0 : i32
      %ne3A_431 = arith.cmpi ne, %rem3A_429, %ne3A_430 : i32
      %lt3A_432 = arith.constant 0 : i32
      %lt3A_433 = arith.cmpi slt, %rem3A_429, %lt3A_432 : i32
      %lt3A_434 = arith.constant 0 : i32
      %lt3A_435 = arith.cmpi slt, %select_n3A_428, %lt3A_434 : i32
      %ne3A_436 = arith.xori %lt3A_433, %lt3A_435 : i1
      %and3A_437 = arith.andi %ne3A_436, %ne3A_431 : i1
      %add3A_438 = arith.addi %rem3A_429, %select_n3A_428 : i32
      %select_n3A_439 = arith.select %and3A_437, %add3A_438, %rem3A_429 : i32
      %mul3A_440 = arith.constant 128 : i32
      %mul3A_441 = arith.muli %select_n3A_439, %mul3A_440 : i32
      %add3A_442 = arith.addi %mul3A_423, %mul3A_441 : i32
      %jit3A_443 = arith.constant 32 : i32
      %div3A_444 = arith.divsi %select_n3A_421, %jit3A_443 : i32
      %sign3A_445 = arith.constant 0 : i32
      %sign3A_446 = arith.cmpi sgt, %select_n3A_421, %sign3A_445 : i32
      %sign3A_447 = arith.extui %sign3A_446 : i1 to i32
      %sign3A_448 = arith.constant 0 : i32
      %sign3A_449 = arith.cmpi slt, %select_n3A_421, %sign3A_448 : i32
      %sign3A_450 = arith.extui %sign3A_449 : i1 to i32
      %sign3A_451 = arith.subi %sign3A_447, %sign3A_450 : i32
      %sign3A_452 = arith.constant 0 : i32
      %sign3A_453 = arith.cmpi sgt, %jit3A_443, %sign3A_452 : i32
      %sign3A_454 = arith.extui %sign3A_453 : i1 to i32
      %sign3A_455 = arith.constant 0 : i32
      %sign3A_456 = arith.cmpi slt, %jit3A_443, %sign3A_455 : i32
      %sign3A_457 = arith.extui %sign3A_456 : i1 to i32
      %sign3A_458 = arith.subi %sign3A_454, %sign3A_457 : i32
      %ne3A_459 = arith.cmpi ne, %sign3A_451, %sign3A_458 : i32
      %rem3A_460 = arith.remsi %select_n3A_421, %jit3A_443 : i32
      %ne3A_461 = arith.constant 0 : i32
      %ne3A_462 = arith.cmpi ne, %rem3A_460, %ne3A_461 : i32
      %and3A_463 = arith.andi %ne3A_459, %ne3A_462 : i1
      %sub3A_464 = arith.constant 1 : i32
      %sub3A_465 = arith.subi %div3A_444, %sub3A_464 : i32
      %select_n3A_466 = arith.select %and3A_463, %sub3A_465, %div3A_444 : i32
      %mul3A_467 = arith.constant 16 : i32
      %mul3A_468 = arith.muli %select_n3A_466, %mul3A_467 : i32
      %dma_wait3A_469 = arith.constant 1 : i32
      %dma_wait3A_470 = tpu.memref_slice %arg2[%add3A_442, %mul3A_468] : memref<20480x128xf32, #tpu.memory_space<hbm>> -> memref<128x16xf32, #tpu.memory_space<hbm>>
      %dma_wait3A_471 = tpu.memref_slice %arg10[%dma_wait3A_469] : memref<2x!tpu.dma_semaphore, #tpu.memory_space<semaphore_mem>> -> memref<1x!tpu.dma_semaphore, #tpu.memory_space<semaphore_mem>>
      %dma_wait3A_472 = tpu.memref_squeeze %dma_wait3A_471 : memref<1x!tpu.dma_semaphore, #tpu.memory_space<semaphore_mem>> -> memref<!tpu.dma_semaphore, #tpu.memory_space<semaphore_mem>>
      %dma_wait3A_473 = tpu.memref_slice %arg2[%add3A_442, %mul3A_468] : memref<20480x128xf32, #tpu.memory_space<hbm>> -> memref<128x16xf32, #tpu.memory_space<hbm>>
      tpu.wait_dma2 semaphore(%dma_wait3A_472 : memref<!tpu.dma_semaphore, #tpu.memory_space<semaphore_mem>>) src(%dma_wait3A_473 : memref<128x16xf32, #tpu.memory_space<hbm>>) dst(%arg7 : memref<128x16xf32, #tpu.memory_space<vmem>>)
      %dma_start3A_474 = arith.constant 1 : i32
      %dma_start3A_475 = arith.constant 1 : i32
      %dma_start3A_476 = arith.constant 0 : i32
      %dma_start3A_477 = tpu.memref_slice %arg5[%dma_start3A_474, %dma_start3A_476] : memref<2x128xi32, #tpu.memory_space<vmem>> -> memref<1x128xi32, #tpu.memory_space<vmem>>
      %dma_start3A_478 = tpu.memref_squeeze %dma_start3A_477 : memref<1x128xi32, #tpu.memory_space<vmem>> -> memref<128xi32, #tpu.memory_space<vmem>>
      %dma_start3A_479 = arith.constant 0 : i32
      %dma_start3A_480 = arith.constant 0 : i32
      %dma_start3A_481 = tpu.memref_slice %arg9[%dma_start3A_479, %dma_start3A_480] : memref<10240x16xf32, #tpu.memory_space<vmem_shared>> -> memref<10240x16xf32, #tpu.memory_space<vmem_shared>>
      %dma_start3A_482 = tpu.memref_slice %arg11[%dma_start3A_475] : memref<2x!tpu.dma_semaphore, #tpu.memory_space<semaphore_mem>> -> memref<1x!tpu.dma_semaphore, #tpu.memory_space<semaphore_mem>>
      %dma_start3A_483 = tpu.memref_squeeze %dma_start3A_482 : memref<1x!tpu.dma_semaphore, #tpu.memory_space<semaphore_mem>> -> memref<!tpu.dma_semaphore, #tpu.memory_space<semaphore_mem>>
      tpu.enqueue_indirect_dma source(%arg7 : memref<128x16xf32, #tpu.memory_space<vmem>>) target(%dma_start3A_481 : memref<10240x16xf32, #tpu.memory_space<vmem_shared>>) offsets(%dma_start3A_478 : memref<128xi32, #tpu.memory_space<vmem>>) semaphore(%dma_start3A_483 : memref<!tpu.dma_semaphore, #tpu.memory_space<semaphore_mem>>) {add = true}
      %dma_wait3A_484 = arith.constant 0 : i32
      %dma_wait3A_485 = arith.constant 0 : i32
      %dma_wait3A_486 = arith.constant 0 : i32
      %dma_wait3A_487 = tpu.memref_slice %arg5[%dma_wait3A_484, %dma_wait3A_486] : memref<2x128xi32, #tpu.memory_space<vmem>> -> memref<1x128xi32, #tpu.memory_space<vmem>>
      %dma_wait3A_488 = tpu.memref_squeeze %dma_wait3A_487 : memref<1x128xi32, #tpu.memory_space<vmem>> -> memref<128xi32, #tpu.memory_space<vmem>>
      %dma_wait3A_489 = arith.constant 0 : i32
      %dma_wait3A_490 = arith.constant 0 : i32
      %dma_wait3A_491 = tpu.memref_slice %arg9[%dma_wait3A_489, %dma_wait3A_490] : memref<10240x16xf32, #tpu.memory_space<vmem_shared>> -> memref<10240x16xf32, #tpu.memory_space<vmem_shared>>
      %dma_wait3A_492 = tpu.memref_slice %arg11[%dma_wait3A_485] : memref<2x!tpu.dma_semaphore, #tpu.memory_space<semaphore_mem>> -> memref<1x!tpu.dma_semaphore, #tpu.memory_space<semaphore_mem>>
      %dma_wait3A_493 = tpu.memref_squeeze %dma_wait3A_492 : memref<1x!tpu.dma_semaphore, #tpu.memory_space<semaphore_mem>> -> memref<!tpu.dma_semaphore, #tpu.memory_space<semaphore_mem>>
      tpu.wait_indirect_dma semaphore(%dma_wait3A_493 : memref<!tpu.dma_semaphore, #tpu.memory_space<semaphore_mem>>) src(%arg6 : memref<128x16xf32, #tpu.memory_space<vmem>>) dst(%dma_wait3A_491 : memref<10240x16xf32, #tpu.memory_space<vmem_shared>>)
      %add3A_494 = arith.constant 2 : i32
      %add3A_495 = arith.addi %add3A_248, %add3A_494 : i32
      %lt3A_496 = arith.cmpi slt, %add3A_495, %add3A_20 : i32
      %convert_element_type3A_497 = arith.extui %lt3A_496 : i1 to i32
      %cond3A_498 = arith.constant 0 : i32
      %cond3A_499 = arith.cmpi ne, %convert_element_type3A_497, %cond3A_498 : i32
      scf.if %cond3A_499 {
        %add3A_516 = arith.constant 2 : i32
        %add3A_517 = arith.addi %add3A_248, %add3A_516 : i32
        %dma_start3A_518 = arith.constant 0 : i32
        %dma_start3A_519 = arith.constant 0 : i32
        %dma_start3A_520 = arith.constant 0 : i32
        %dma_start3A_521 = tpu.memref_slice %arg5[%dma_start3A_519, %dma_start3A_520] : memref<2x128xi32, #tpu.memory_space<vmem>> -> memref<1x128xi32, #tpu.memory_space<vmem>>
        %dma_start3A_522 = arith.constant 0 : i32
        %dma_start3A_523 = tpu.memref_slice %arg3[%add3A_517, %dma_start3A_522] : memref<2560x128xi32, #tpu.memory_space<hbm>> -> memref<1x128xi32, #tpu.memory_space<hbm>>
        %dma_start3A_524 = tpu.memref_slice %arg10[%dma_start3A_518] : memref<2x!tpu.dma_semaphore, #tpu.memory_space<semaphore_mem>> -> memref<1x!tpu.dma_semaphore, #tpu.memory_space<semaphore_mem>>
        %dma_start3A_525 = tpu.memref_squeeze %dma_start3A_524 : memref<1x!tpu.dma_semaphore, #tpu.memory_space<semaphore_mem>> -> memref<!tpu.dma_semaphore, #tpu.memory_space<semaphore_mem>>
        %dma_start3A_526 = arith.constant 0 : i32
        %dma_start3A_527 = arith.constant 0 : i32
        %dma_start3A_528 = tpu.memref_slice %arg5[%dma_start3A_526, %dma_start3A_527] : memref<2x128xi32, #tpu.memory_space<vmem>> -> memref<1x128xi32, #tpu.memory_space<vmem>>
        %dma_start3A_529 = arith.constant 0 : i32
        %dma_start3A_530 = tpu.memref_slice %arg3[%add3A_517, %dma_start3A_529] : memref<2560x128xi32, #tpu.memory_space<hbm>> -> memref<1x128xi32, #tpu.memory_space<hbm>>
        tpu.enqueue_dma source(%dma_start3A_530 : memref<1x128xi32, #tpu.memory_space<hbm>>) target(%dma_start3A_528 : memref<1x128xi32, #tpu.memory_space<vmem>>) target_semaphore(%dma_start3A_525 : memref<!tpu.dma_semaphore, #tpu.memory_space<semaphore_mem>>)
        %sub3A_531 = arith.constant 1280 : i32
        %sub3A_532 = arith.subi %add3A_517, %sub3A_531 : i32
        %jit3A_533 = arith.constant 256 : i32
        %div3A_534 = arith.divsi %sub3A_532, %jit3A_533 : i32
        %sign3A_535 = arith.constant 0 : i32
        %sign3A_536 = arith.cmpi sgt, %sub3A_532, %sign3A_535 : i32
        %sign3A_537 = arith.extui %sign3A_536 : i1 to i32
        %sign3A_538 = arith.constant 0 : i32
        %sign3A_539 = arith.cmpi slt, %sub3A_532, %sign3A_538 : i32
        %sign3A_540 = arith.extui %sign3A_539 : i1 to i32
        %sign3A_541 = arith.subi %sign3A_537, %sign3A_540 : i32
        %sign3A_542 = arith.constant 0 : i32
        %sign3A_543 = arith.cmpi sgt, %jit3A_533, %sign3A_542 : i32
        %sign3A_544 = arith.extui %sign3A_543 : i1 to i32
        %sign3A_545 = arith.constant 0 : i32
        %sign3A_546 = arith.cmpi slt, %jit3A_533, %sign3A_545 : i32
        %sign3A_547 = arith.extui %sign3A_546 : i1 to i32
        %sign3A_548 = arith.subi %sign3A_544, %sign3A_547 : i32
        %ne3A_549 = arith.cmpi ne, %sign3A_541, %sign3A_548 : i32
        %rem3A_550 = arith.remsi %sub3A_532, %jit3A_533 : i32
        %ne3A_551 = arith.constant 0 : i32
        %ne3A_552 = arith.cmpi ne, %rem3A_550, %ne3A_551 : i32
        %and3A_553 = arith.andi %ne3A_549, %ne3A_552 : i1
        %sub3A_554 = arith.constant 1 : i32
        %sub3A_555 = arith.subi %div3A_534, %sub3A_554 : i32
        %select_n3A_556 = arith.select %and3A_553, %sub3A_555, %div3A_534 : i32
        %jit3A_557 = arith.constant 256 : i32
        %eq3A_558 = arith.constant 0 : i32
        %eq3A_559 = arith.cmpi eq, %jit3A_557, %eq3A_558 : i32
        %jit3A_560 = arith.constant 1 : i32
        %select_n3A_561 = arith.select %eq3A_559, %jit3A_560, %jit3A_557 : i32
        %rem3A_562 = arith.remsi %sub3A_532, %select_n3A_561 : i32
        %ne3A_563 = arith.constant 0 : i32
        %ne3A_564 = arith.cmpi ne, %rem3A_562, %ne3A_563 : i32
        %lt3A_565 = arith.constant 0 : i32
        %lt3A_566 = arith.cmpi slt, %rem3A_562, %lt3A_565 : i32
        %lt3A_567 = arith.constant 0 : i32
        %lt3A_568 = arith.cmpi slt, %select_n3A_561, %lt3A_567 : i32
        %ne3A_569 = arith.xori %lt3A_566, %lt3A_568 : i1
        %and3A_570 = arith.andi %ne3A_569, %ne3A_564 : i1
        %add3A_571 = arith.addi %rem3A_562, %select_n3A_561 : i32
        %select_n3A_572 = arith.select %and3A_570, %add3A_571, %rem3A_562 : i32
        %mul3A_573 = arith.constant 4096 : i32
        %mul3A_574 = arith.muli %select_n3A_556, %mul3A_573 : i32
        %jit3A_575 = arith.constant 32 : i32
        %eq3A_576 = arith.constant 0 : i32
        %eq3A_577 = arith.cmpi eq, %jit3A_575, %eq3A_576 : i32
        %jit3A_578 = arith.constant 1 : i32
        %select_n3A_579 = arith.select %eq3A_577, %jit3A_578, %jit3A_575 : i32
        %rem3A_580 = arith.remsi %select_n3A_572, %select_n3A_579 : i32
        %ne3A_581 = arith.constant 0 : i32
        %ne3A_582 = arith.cmpi ne, %rem3A_580, %ne3A_581 : i32
        %lt3A_583 = arith.constant 0 : i32
        %lt3A_584 = arith.cmpi slt, %rem3A_580, %lt3A_583 : i32
        %lt3A_585 = arith.constant 0 : i32
        %lt3A_586 = arith.cmpi slt, %select_n3A_579, %lt3A_585 : i32
        %ne3A_587 = arith.xori %lt3A_584, %lt3A_586 : i1
        %and3A_588 = arith.andi %ne3A_587, %ne3A_582 : i1
        %add3A_589 = arith.addi %rem3A_580, %select_n3A_579 : i32
        %select_n3A_590 = arith.select %and3A_588, %add3A_589, %rem3A_580 : i32
        %mul3A_591 = arith.constant 128 : i32
        %mul3A_592 = arith.muli %select_n3A_590, %mul3A_591 : i32
        %add3A_593 = arith.addi %mul3A_574, %mul3A_592 : i32
        %jit3A_594 = arith.constant 32 : i32
        %div3A_595 = arith.divsi %select_n3A_572, %jit3A_594 : i32
        %sign3A_596 = arith.constant 0 : i32
        %sign3A_597 = arith.cmpi sgt, %select_n3A_572, %sign3A_596 : i32
        %sign3A_598 = arith.extui %sign3A_597 : i1 to i32
        %sign3A_599 = arith.constant 0 : i32
        %sign3A_600 = arith.cmpi slt, %select_n3A_572, %sign3A_599 : i32
        %sign3A_601 = arith.extui %sign3A_600 : i1 to i32
        %sign3A_602 = arith.subi %sign3A_598, %sign3A_601 : i32
        %sign3A_603 = arith.constant 0 : i32
        %sign3A_604 = arith.cmpi sgt, %jit3A_594, %sign3A_603 : i32
        %sign3A_605 = arith.extui %sign3A_604 : i1 to i32
        %sign3A_606 = arith.constant 0 : i32
        %sign3A_607 = arith.cmpi slt, %jit3A_594, %sign3A_606 : i32
        %sign3A_608 = arith.extui %sign3A_607 : i1 to i32
        %sign3A_609 = arith.subi %sign3A_605, %sign3A_608 : i32
        %ne3A_610 = arith.cmpi ne, %sign3A_602, %sign3A_609 : i32
        %rem3A_611 = arith.remsi %select_n3A_572, %jit3A_594 : i32
        %ne3A_612 = arith.constant 0 : i32
        %ne3A_613 = arith.cmpi ne, %rem3A_611, %ne3A_612 : i32
        %and3A_614 = arith.andi %ne3A_610, %ne3A_613 : i1
        %sub3A_615 = arith.constant 1 : i32
        %sub3A_616 = arith.subi %div3A_595, %sub3A_615 : i32
        %select_n3A_617 = arith.select %and3A_614, %sub3A_616, %div3A_595 : i32
        %mul3A_618 = arith.constant 16 : i32
        %mul3A_619 = arith.muli %select_n3A_617, %mul3A_618 : i32
        %dma_start3A_620 = arith.constant 0 : i32
        %dma_start3A_621 = tpu.memref_slice %arg2[%add3A_593, %mul3A_619] : memref<20480x128xf32, #tpu.memory_space<hbm>> -> memref<128x16xf32, #tpu.memory_space<hbm>>
        %dma_start3A_622 = tpu.memref_slice %arg10[%dma_start3A_620] : memref<2x!tpu.dma_semaphore, #tpu.memory_space<semaphore_mem>> -> memref<1x!tpu.dma_semaphore, #tpu.memory_space<semaphore_mem>>
        %dma_start3A_623 = tpu.memref_squeeze %dma_start3A_622 : memref<1x!tpu.dma_semaphore, #tpu.memory_space<semaphore_mem>> -> memref<!tpu.dma_semaphore, #tpu.memory_space<semaphore_mem>>
        %dma_start3A_624 = tpu.memref_slice %arg2[%add3A_593, %mul3A_619] : memref<20480x128xf32, #tpu.memory_space<hbm>> -> memref<128x16xf32, #tpu.memory_space<hbm>>
        tpu.enqueue_dma source(%dma_start3A_624 : memref<128x16xf32, #tpu.memory_space<hbm>>) target(%arg6 : memref<128x16xf32, #tpu.memory_space<vmem>>) target_semaphore(%dma_start3A_623 : memref<!tpu.dma_semaphore, #tpu.memory_space<semaphore_mem>>)
      } else {
      }
      %dma_wait3A_500 = arith.constant 1 : i32
      %dma_wait3A_501 = arith.constant 1 : i32
      %dma_wait3A_502 = arith.constant 0 : i32
      %dma_wait3A_503 = tpu.memref_slice %arg5[%dma_wait3A_500, %dma_wait3A_502] : memref<2x128xi32, #tpu.memory_space<vmem>> -> memref<1x128xi32, #tpu.memory_space<vmem>>
      %dma_wait3A_504 = tpu.memref_squeeze %dma_wait3A_503 : memref<1x128xi32, #tpu.memory_space<vmem>> -> memref<128xi32, #tpu.memory_space<vmem>>
      %dma_wait3A_505 = arith.constant 0 : i32
      %dma_wait3A_506 = arith.constant 0 : i32
      %dma_wait3A_507 = tpu.memref_slice %arg9[%dma_wait3A_505, %dma_wait3A_506] : memref<10240x16xf32, #tpu.memory_space<vmem_shared>> -> memref<10240x16xf32, #tpu.memory_space<vmem_shared>>
      %dma_wait3A_508 = tpu.memref_slice %arg11[%dma_wait3A_501] : memref<2x!tpu.dma_semaphore, #tpu.memory_space<semaphore_mem>> -> memref<1x!tpu.dma_semaphore, #tpu.memory_space<semaphore_mem>>
      %dma_wait3A_509 = tpu.memref_squeeze %dma_wait3A_508 : memref<1x!tpu.dma_semaphore, #tpu.memory_space<semaphore_mem>> -> memref<!tpu.dma_semaphore, #tpu.memory_space<semaphore_mem>>
      tpu.wait_indirect_dma semaphore(%dma_wait3A_509 : memref<!tpu.dma_semaphore, #tpu.memory_space<semaphore_mem>>) src(%arg7 : memref<128x16xf32, #tpu.memory_space<vmem>>) dst(%dma_wait3A_507 : memref<10240x16xf32, #tpu.memory_space<vmem_shared>>)
      %add3A_510 = arith.constant 3 : i32
      %add3A_511 = arith.addi %add3A_248, %add3A_510 : i32
      %lt3A_512 = arith.cmpi slt, %add3A_511, %add3A_20 : i32
      %convert_element_type3A_513 = arith.extui %lt3A_512 : i1 to i32
      %cond3A_514 = arith.constant 0 : i32
      %cond3A_515 = arith.cmpi ne, %convert_element_type3A_513, %cond3A_514 : i32
      scf.if %cond3A_515 {
        %add3A_516 = arith.constant 3 : i32
        %add3A_517 = arith.addi %add3A_248, %add3A_516 : i32
        %dma_start3A_518 = arith.constant 1 : i32
        %dma_start3A_519 = arith.constant 1 : i32
        %dma_start3A_520 = arith.constant 0 : i32
        %dma_start3A_521 = tpu.memref_slice %arg5[%dma_start3A_519, %dma_start3A_520] : memref<2x128xi32, #tpu.memory_space<vmem>> -> memref<1x128xi32, #tpu.memory_space<vmem>>
        %dma_start3A_522 = arith.constant 0 : i32
        %dma_start3A_523 = tpu.memref_slice %arg3[%add3A_517, %dma_start3A_522] : memref<2560x128xi32, #tpu.memory_space<hbm>> -> memref<1x128xi32, #tpu.memory_space<hbm>>
        %dma_start3A_524 = tpu.memref_slice %arg10[%dma_start3A_518] : memref<2x!tpu.dma_semaphore, #tpu.memory_space<semaphore_mem>> -> memref<1x!tpu.dma_semaphore, #tpu.memory_space<semaphore_mem>>
        %dma_start3A_525 = tpu.memref_squeeze %dma_start3A_524 : memref<1x!tpu.dma_semaphore, #tpu.memory_space<semaphore_mem>> -> memref<!tpu.dma_semaphore, #tpu.memory_space<semaphore_mem>>
        %dma_start3A_526 = arith.constant 1 : i32
        %dma_start3A_527 = arith.constant 0 : i32
        %dma_start3A_528 = tpu.memref_slice %arg5[%dma_start3A_526, %dma_start3A_527] : memref<2x128xi32, #tpu.memory_space<vmem>> -> memref<1x128xi32, #tpu.memory_space<vmem>>
        %dma_start3A_529 = arith.constant 0 : i32
        %dma_start3A_530 = tpu.memref_slice %arg3[%add3A_517, %dma_start3A_529] : memref<2560x128xi32, #tpu.memory_space<hbm>> -> memref<1x128xi32, #tpu.memory_space<hbm>>
        tpu.enqueue_dma source(%dma_start3A_530 : memref<1x128xi32, #tpu.memory_space<hbm>>) target(%dma_start3A_528 : memref<1x128xi32, #tpu.memory_space<vmem>>) target_semaphore(%dma_start3A_525 : memref<!tpu.dma_semaphore, #tpu.memory_space<semaphore_mem>>)
        %sub3A_531 = arith.constant 1280 : i32
        %sub3A_532 = arith.subi %add3A_517, %sub3A_531 : i32
        %jit3A_533 = arith.constant 256 : i32
        %div3A_534 = arith.divsi %sub3A_532, %jit3A_533 : i32
        %sign3A_535 = arith.constant 0 : i32
        %sign3A_536 = arith.cmpi sgt, %sub3A_532, %sign3A_535 : i32
        %sign3A_537 = arith.extui %sign3A_536 : i1 to i32
        %sign3A_538 = arith.constant 0 : i32
        %sign3A_539 = arith.cmpi slt, %sub3A_532, %sign3A_538 : i32
        %sign3A_540 = arith.extui %sign3A_539 : i1 to i32
        %sign3A_541 = arith.subi %sign3A_537, %sign3A_540 : i32
        %sign3A_542 = arith.constant 0 : i32
        %sign3A_543 = arith.cmpi sgt, %jit3A_533, %sign3A_542 : i32
        %sign3A_544 = arith.extui %sign3A_543 : i1 to i32
        %sign3A_545 = arith.constant 0 : i32
        %sign3A_546 = arith.cmpi slt, %jit3A_533, %sign3A_545 : i32
        %sign3A_547 = arith.extui %sign3A_546 : i1 to i32
        %sign3A_548 = arith.subi %sign3A_544, %sign3A_547 : i32
        %ne3A_549 = arith.cmpi ne, %sign3A_541, %sign3A_548 : i32
        %rem3A_550 = arith.remsi %sub3A_532, %jit3A_533 : i32
        %ne3A_551 = arith.constant 0 : i32
        %ne3A_552 = arith.cmpi ne, %rem3A_550, %ne3A_551 : i32
        %and3A_553 = arith.andi %ne3A_549, %ne3A_552 : i1
        %sub3A_554 = arith.constant 1 : i32
        %sub3A_555 = arith.subi %div3A_534, %sub3A_554 : i32
        %select_n3A_556 = arith.select %and3A_553, %sub3A_555, %div3A_534 : i32
        %jit3A_557 = arith.constant 256 : i32
        %eq3A_558 = arith.constant 0 : i32
        %eq3A_559 = arith.cmpi eq, %jit3A_557, %eq3A_558 : i32
        %jit3A_560 = arith.constant 1 : i32
        %select_n3A_561 = arith.select %eq3A_559, %jit3A_560, %jit3A_557 : i32
        %rem3A_562 = arith.remsi %sub3A_532, %select_n3A_561 : i32
        %ne3A_563 = arith.constant 0 : i32
        %ne3A_564 = arith.cmpi ne, %rem3A_562, %ne3A_563 : i32
        %lt3A_565 = arith.constant 0 : i32
        %lt3A_566 = arith.cmpi slt, %rem3A_562, %lt3A_565 : i32
        %lt3A_567 = arith.constant 0 : i32
        %lt3A_568 = arith.cmpi slt, %select_n3A_561, %lt3A_567 : i32
        %ne3A_569 = arith.xori %lt3A_566, %lt3A_568 : i1
        %and3A_570 = arith.andi %ne3A_569, %ne3A_564 : i1
        %add3A_571 = arith.addi %rem3A_562, %select_n3A_561 : i32
        %select_n3A_572 = arith.select %and3A_570, %add3A_571, %rem3A_562 : i32
        %mul3A_573 = arith.constant 4096 : i32
        %mul3A_574 = arith.muli %select_n3A_556, %mul3A_573 : i32
        %jit3A_575 = arith.constant 32 : i32
        %eq3A_576 = arith.constant 0 : i32
        %eq3A_577 = arith.cmpi eq, %jit3A_575, %eq3A_576 : i32
        %jit3A_578 = arith.constant 1 : i32
        %select_n3A_579 = arith.select %eq3A_577, %jit3A_578, %jit3A_575 : i32
        %rem3A_580 = arith.remsi %select_n3A_572, %select_n3A_579 : i32
        %ne3A_581 = arith.constant 0 : i32
        %ne3A_582 = arith.cmpi ne, %rem3A_580, %ne3A_581 : i32
        %lt3A_583 = arith.constant 0 : i32
        %lt3A_584 = arith.cmpi slt, %rem3A_580, %lt3A_583 : i32
        %lt3A_585 = arith.constant 0 : i32
        %lt3A_586 = arith.cmpi slt, %select_n3A_579, %lt3A_585 : i32
        %ne3A_587 = arith.xori %lt3A_584, %lt3A_586 : i1
        %and3A_588 = arith.andi %ne3A_587, %ne3A_582 : i1
        %add3A_589 = arith.addi %rem3A_580, %select_n3A_579 : i32
        %select_n3A_590 = arith.select %and3A_588, %add3A_589, %rem3A_580 : i32
        %mul3A_591 = arith.constant 128 : i32
        %mul3A_592 = arith.muli %select_n3A_590, %mul3A_591 : i32
        %add3A_593 = arith.addi %mul3A_574, %mul3A_592 : i32
        %jit3A_594 = arith.constant 32 : i32
        %div3A_595 = arith.divsi %select_n3A_572, %jit3A_594 : i32
        %sign3A_596 = arith.constant 0 : i32
        %sign3A_597 = arith.cmpi sgt, %select_n3A_572, %sign3A_596 : i32
        %sign3A_598 = arith.extui %sign3A_597 : i1 to i32
        %sign3A_599 = arith.constant 0 : i32
        %sign3A_600 = arith.cmpi slt, %select_n3A_572, %sign3A_599 : i32
        %sign3A_601 = arith.extui %sign3A_600 : i1 to i32
        %sign3A_602 = arith.subi %sign3A_598, %sign3A_601 : i32
        %sign3A_603 = arith.constant 0 : i32
        %sign3A_604 = arith.cmpi sgt, %jit3A_594, %sign3A_603 : i32
        %sign3A_605 = arith.extui %sign3A_604 : i1 to i32
        %sign3A_606 = arith.constant 0 : i32
        %sign3A_607 = arith.cmpi slt, %jit3A_594, %sign3A_606 : i32
        %sign3A_608 = arith.extui %sign3A_607 : i1 to i32
        %sign3A_609 = arith.subi %sign3A_605, %sign3A_608 : i32
        %ne3A_610 = arith.cmpi ne, %sign3A_602, %sign3A_609 : i32
        %rem3A_611 = arith.remsi %select_n3A_572, %jit3A_594 : i32
        %ne3A_612 = arith.constant 0 : i32
        %ne3A_613 = arith.cmpi ne, %rem3A_611, %ne3A_612 : i32
        %and3A_614 = arith.andi %ne3A_610, %ne3A_613 : i1
        %sub3A_615 = arith.constant 1 : i32
        %sub3A_616 = arith.subi %div3A_595, %sub3A_615 : i32
        %select_n3A_617 = arith.select %and3A_614, %sub3A_616, %div3A_595 : i32
        %mul3A_618 = arith.constant 16 : i32
        %mul3A_619 = arith.muli %select_n3A_617, %mul3A_618 : i32
        %dma_start3A_620 = arith.constant 1 : i32
        %dma_start3A_621 = tpu.memref_slice %arg2[%add3A_593, %mul3A_619] : memref<20480x128xf32, #tpu.memory_space<hbm>> -> memref<128x16xf32, #tpu.memory_space<hbm>>
        %dma_start3A_622 = tpu.memref_slice %arg10[%dma_start3A_620] : memref<2x!tpu.dma_semaphore, #tpu.memory_space<semaphore_mem>> -> memref<1x!tpu.dma_semaphore, #tpu.memory_space<semaphore_mem>>
        %dma_start3A_623 = tpu.memref_squeeze %dma_start3A_622 : memref<1x!tpu.dma_semaphore, #tpu.memory_space<semaphore_mem>> -> memref<!tpu.dma_semaphore, #tpu.memory_space<semaphore_mem>>
        %dma_start3A_624 = tpu.memref_slice %arg2[%add3A_593, %mul3A_619] : memref<20480x128xf32, #tpu.memory_space<hbm>> -> memref<128x16xf32, #tpu.memory_space<hbm>>
        tpu.enqueue_dma source(%dma_start3A_624 : memref<128x16xf32, #tpu.memory_space<hbm>>) target(%arg7 : memref<128x16xf32, #tpu.memory_space<vmem>>) target_semaphore(%dma_start3A_623 : memref<!tpu.dma_semaphore, #tpu.memory_space<semaphore_mem>>)
      } else {
      }
    }
    %scan3A_233 = arith.constant 19 : i32
    %gt3A = arith.constant 38 : i32
    %gt3A_234 = arith.cmpi sgt, %add3A_19, %gt3A : i32
    %convert_element_type3A = arith.extui %gt3A_234 : i1 to i32
    %cond3A = arith.constant 0 : i32
    %cond3A_235 = arith.cmpi ne, %convert_element_type3A, %cond3A : i32
    scf.if %cond3A_235 {
      %sub3A_241 = arith.constant 1 : i32
      %sub3A_242 = arith.subi %add3A_20, %sub3A_241 : i32
      %dma_wait3A = arith.constant 0 : i32
      %dma_wait3A_243 = arith.constant 0 : i32
      %dma_wait3A_244 = arith.constant 0 : i32
      %dma_wait3A_245 = tpu.memref_slice %arg5[%dma_wait3A_243, %dma_wait3A_244] : memref<2x128xi32, #tpu.memory_space<vmem>> -> memref<1x128xi32, #tpu.memory_space<vmem>>
      %dma_wait3A_246 = arith.constant 0 : i32
      %dma_wait3A_247 = tpu.memref_slice %arg3[%sub3A_242, %dma_wait3A_246] : memref<2560x128xi32, #tpu.memory_space<hbm>> -> memref<1x128xi32, #tpu.memory_space<hbm>>
      %dma_wait3A_248 = tpu.memref_slice %arg10[%dma_wait3A] : memref<2x!tpu.dma_semaphore, #tpu.memory_space<semaphore_mem>> -> memref<1x!tpu.dma_semaphore, #tpu.memory_space<semaphore_mem>>
      %dma_wait3A_249 = tpu.memref_squeeze %dma_wait3A_248 : memref<1x!tpu.dma_semaphore, #tpu.memory_space<semaphore_mem>> -> memref<!tpu.dma_semaphore, #tpu.memory_space<semaphore_mem>>
      %dma_wait3A_250 = arith.constant 0 : i32
      %dma_wait3A_251 = arith.constant 0 : i32
      %dma_wait3A_252 = tpu.memref_slice %arg5[%dma_wait3A_250, %dma_wait3A_251] : memref<2x128xi32, #tpu.memory_space<vmem>> -> memref<1x128xi32, #tpu.memory_space<vmem>>
      %dma_wait3A_253 = arith.constant 0 : i32
      %dma_wait3A_254 = tpu.memref_slice %arg3[%sub3A_242, %dma_wait3A_253] : memref<2560x128xi32, #tpu.memory_space<hbm>> -> memref<1x128xi32, #tpu.memory_space<hbm>>
      tpu.wait_dma2 semaphore(%dma_wait3A_249 : memref<!tpu.dma_semaphore, #tpu.memory_space<semaphore_mem>>) src(%dma_wait3A_254 : memref<1x128xi32, #tpu.memory_space<hbm>>) dst(%dma_wait3A_252 : memref<1x128xi32, #tpu.memory_space<vmem>>)
      %sub3A_255 = arith.constant 1280 : i32
      %sub3A_256 = arith.subi %sub3A_242, %sub3A_255 : i32
      %jit3A_257 = arith.constant 256 : i32
      %div3A_258 = arith.divsi %sub3A_256, %jit3A_257 : i32
      %sign3A_259 = arith.constant 0 : i32
      %sign3A_260 = arith.cmpi sgt, %sub3A_256, %sign3A_259 : i32
      %sign3A_261 = arith.extui %sign3A_260 : i1 to i32
      %sign3A_262 = arith.constant 0 : i32
      %sign3A_263 = arith.cmpi slt, %sub3A_256, %sign3A_262 : i32
      %sign3A_264 = arith.extui %sign3A_263 : i1 to i32
      %sign3A_265 = arith.subi %sign3A_261, %sign3A_264 : i32
      %sign3A_266 = arith.constant 0 : i32
      %sign3A_267 = arith.cmpi sgt, %jit3A_257, %sign3A_266 : i32
      %sign3A_268 = arith.extui %sign3A_267 : i1 to i32
      %sign3A_269 = arith.constant 0 : i32
      %sign3A_270 = arith.cmpi slt, %jit3A_257, %sign3A_269 : i32
      %sign3A_271 = arith.extui %sign3A_270 : i1 to i32
      %sign3A_272 = arith.subi %sign3A_268, %sign3A_271 : i32
      %ne3A_273 = arith.cmpi ne, %sign3A_265, %sign3A_272 : i32
      %rem3A_274 = arith.remsi %sub3A_256, %jit3A_257 : i32
      %ne3A_275 = arith.constant 0 : i32
      %ne3A_276 = arith.cmpi ne, %rem3A_274, %ne3A_275 : i32
      %and3A_277 = arith.andi %ne3A_273, %ne3A_276 : i1
      %sub3A_278 = arith.constant 1 : i32
      %sub3A_279 = arith.subi %div3A_258, %sub3A_278 : i32
      %select_n3A_280 = arith.select %and3A_277, %sub3A_279, %div3A_258 : i32
      %jit3A_281 = arith.constant 256 : i32
      %eq3A_282 = arith.constant 0 : i32
      %eq3A_283 = arith.cmpi eq, %jit3A_281, %eq3A_282 : i32
      %jit3A_284 = arith.constant 1 : i32
      %select_n3A_285 = arith.select %eq3A_283, %jit3A_284, %jit3A_281 : i32
      %rem3A_286 = arith.remsi %sub3A_256, %select_n3A_285 : i32
      %ne3A_287 = arith.constant 0 : i32
      %ne3A_288 = arith.cmpi ne, %rem3A_286, %ne3A_287 : i32
      %lt3A_289 = arith.constant 0 : i32
      %lt3A_290 = arith.cmpi slt, %rem3A_286, %lt3A_289 : i32
      %lt3A_291 = arith.constant 0 : i32
      %lt3A_292 = arith.cmpi slt, %select_n3A_285, %lt3A_291 : i32
      %ne3A_293 = arith.xori %lt3A_290, %lt3A_292 : i1
      %and3A_294 = arith.andi %ne3A_293, %ne3A_288 : i1
      %add3A_295 = arith.addi %rem3A_286, %select_n3A_285 : i32
      %select_n3A_296 = arith.select %and3A_294, %add3A_295, %rem3A_286 : i32
      %mul3A_297 = arith.constant 4096 : i32
      %mul3A_298 = arith.muli %select_n3A_280, %mul3A_297 : i32
      %jit3A_299 = arith.constant 32 : i32
      %eq3A_300 = arith.constant 0 : i32
      %eq3A_301 = arith.cmpi eq, %jit3A_299, %eq3A_300 : i32
      %jit3A_302 = arith.constant 1 : i32
      %select_n3A_303 = arith.select %eq3A_301, %jit3A_302, %jit3A_299 : i32
      %rem3A_304 = arith.remsi %select_n3A_296, %select_n3A_303 : i32
      %ne3A_305 = arith.constant 0 : i32
      %ne3A_306 = arith.cmpi ne, %rem3A_304, %ne3A_305 : i32
      %lt3A_307 = arith.constant 0 : i32
      %lt3A_308 = arith.cmpi slt, %rem3A_304, %lt3A_307 : i32
      %lt3A_309 = arith.constant 0 : i32
      %lt3A_310 = arith.cmpi slt, %select_n3A_303, %lt3A_309 : i32
      %ne3A_311 = arith.xori %lt3A_308, %lt3A_310 : i1
      %and3A_312 = arith.andi %ne3A_311, %ne3A_306 : i1
      %add3A_313 = arith.addi %rem3A_304, %select_n3A_303 : i32
      %select_n3A_314 = arith.select %and3A_312, %add3A_313, %rem3A_304 : i32
      %mul3A_315 = arith.constant 128 : i32
      %mul3A_316 = arith.muli %select_n3A_314, %mul3A_315 : i32
      %add3A_317 = arith.addi %mul3A_298, %mul3A_316 : i32
      %jit3A_318 = arith.constant 32 : i32
      %div3A_319 = arith.divsi %select_n3A_296, %jit3A_318 : i32
      %sign3A_320 = arith.constant 0 : i32
      %sign3A_321 = arith.cmpi sgt, %select_n3A_296, %sign3A_320 : i32
      %sign3A_322 = arith.extui %sign3A_321 : i1 to i32
      %sign3A_323 = arith.constant 0 : i32
      %sign3A_324 = arith.cmpi slt, %select_n3A_296, %sign3A_323 : i32
      %sign3A_325 = arith.extui %sign3A_324 : i1 to i32
      %sign3A_326 = arith.subi %sign3A_322, %sign3A_325 : i32
      %sign3A_327 = arith.constant 0 : i32
      %sign3A_328 = arith.cmpi sgt, %jit3A_318, %sign3A_327 : i32
      %sign3A_329 = arith.extui %sign3A_328 : i1 to i32
      %sign3A_330 = arith.constant 0 : i32
      %sign3A_331 = arith.cmpi slt, %jit3A_318, %sign3A_330 : i32
      %sign3A_332 = arith.extui %sign3A_331 : i1 to i32
      %sign3A_333 = arith.subi %sign3A_329, %sign3A_332 : i32
      %ne3A_334 = arith.cmpi ne, %sign3A_326, %sign3A_333 : i32
      %rem3A_335 = arith.remsi %select_n3A_296, %jit3A_318 : i32
      %ne3A_336 = arith.constant 0 : i32
      %ne3A_337 = arith.cmpi ne, %rem3A_335, %ne3A_336 : i32
      %and3A_338 = arith.andi %ne3A_334, %ne3A_337 : i1
      %sub3A_339 = arith.constant 1 : i32
      %sub3A_340 = arith.subi %div3A_319, %sub3A_339 : i32
      %select_n3A_341 = arith.select %and3A_338, %sub3A_340, %div3A_319 : i32
      %mul3A_342 = arith.constant 16 : i32
      %mul3A_343 = arith.muli %select_n3A_341, %mul3A_342 : i32
      %dma_wait3A_344 = arith.constant 0 : i32
      %dma_wait3A_345 = tpu.memref_slice %arg2[%add3A_317, %mul3A_343] : memref<20480x128xf32, #tpu.memory_space<hbm>> -> memref<128x16xf32, #tpu.memory_space<hbm>>
      %dma_wait3A_346 = tpu.memref_slice %arg10[%dma_wait3A_344] : memref<2x!tpu.dma_semaphore, #tpu.memory_space<semaphore_mem>> -> memref<1x!tpu.dma_semaphore, #tpu.memory_space<semaphore_mem>>
      %dma_wait3A_347 = tpu.memref_squeeze %dma_wait3A_346 : memref<1x!tpu.dma_semaphore, #tpu.memory_space<semaphore_mem>> -> memref<!tpu.dma_semaphore, #tpu.memory_space<semaphore_mem>>
      %dma_wait3A_348 = tpu.memref_slice %arg2[%add3A_317, %mul3A_343] : memref<20480x128xf32, #tpu.memory_space<hbm>> -> memref<128x16xf32, #tpu.memory_space<hbm>>
      tpu.wait_dma2 semaphore(%dma_wait3A_347 : memref<!tpu.dma_semaphore, #tpu.memory_space<semaphore_mem>>) src(%dma_wait3A_348 : memref<128x16xf32, #tpu.memory_space<hbm>>) dst(%arg6 : memref<128x16xf32, #tpu.memory_space<vmem>>)
      %dma_start3A_349 = arith.constant 0 : i32
      %dma_start3A_350 = arith.constant 0 : i32
      %dma_start3A_351 = arith.constant 0 : i32
      %dma_start3A_352 = tpu.memref_slice %arg5[%dma_start3A_349, %dma_start3A_351] : memref<2x128xi32, #tpu.memory_space<vmem>> -> memref<1x128xi32, #tpu.memory_space<vmem>>
      %dma_start3A_353 = tpu.memref_squeeze %dma_start3A_352 : memref<1x128xi32, #tpu.memory_space<vmem>> -> memref<128xi32, #tpu.memory_space<vmem>>
      %dma_start3A_354 = arith.constant 0 : i32
      %dma_start3A_355 = arith.constant 0 : i32
      %dma_start3A_356 = tpu.memref_slice %arg9[%dma_start3A_354, %dma_start3A_355] : memref<10240x16xf32, #tpu.memory_space<vmem_shared>> -> memref<10240x16xf32, #tpu.memory_space<vmem_shared>>
      %dma_start3A_357 = tpu.memref_slice %arg11[%dma_start3A_350] : memref<2x!tpu.dma_semaphore, #tpu.memory_space<semaphore_mem>> -> memref<1x!tpu.dma_semaphore, #tpu.memory_space<semaphore_mem>>
      %dma_start3A_358 = tpu.memref_squeeze %dma_start3A_357 : memref<1x!tpu.dma_semaphore, #tpu.memory_space<semaphore_mem>> -> memref<!tpu.dma_semaphore, #tpu.memory_space<semaphore_mem>>
      tpu.enqueue_indirect_dma source(%arg6 : memref<128x16xf32, #tpu.memory_space<vmem>>) target(%dma_start3A_356 : memref<10240x16xf32, #tpu.memory_space<vmem_shared>>) offsets(%dma_start3A_353 : memref<128xi32, #tpu.memory_space<vmem>>) semaphore(%dma_start3A_358 : memref<!tpu.dma_semaphore, #tpu.memory_space<semaphore_mem>>) {add = true}
      %dma_wait3A_359 = arith.constant 0 : i32
      %dma_wait3A_360 = arith.constant 0 : i32
      %dma_wait3A_361 = arith.constant 0 : i32
      %dma_wait3A_362 = tpu.memref_slice %arg5[%dma_wait3A_359, %dma_wait3A_361] : memref<2x128xi32, #tpu.memory_space<vmem>> -> memref<1x128xi32, #tpu.memory_space<vmem>>
      %dma_wait3A_363 = tpu.memref_squeeze %dma_wait3A_362 : memref<1x128xi32, #tpu.memory_space<vmem>> -> memref<128xi32, #tpu.memory_space<vmem>>
      %dma_wait3A_364 = arith.constant 0 : i32
      %dma_wait3A_365 = arith.constant 0 : i32
      %dma_wait3A_366 = tpu.memref_slice %arg9[%dma_wait3A_364, %dma_wait3A_365] : memref<10240x16xf32, #tpu.memory_space<vmem_shared>> -> memref<10240x16xf32, #tpu.memory_space<vmem_shared>>
      %dma_wait3A_367 = tpu.memref_slice %arg11[%dma_wait3A_360] : memref<2x!tpu.dma_semaphore, #tpu.memory_space<semaphore_mem>> -> memref<1x!tpu.dma_semaphore, #tpu.memory_space<semaphore_mem>>
      %dma_wait3A_368 = tpu.memref_squeeze %dma_wait3A_367 : memref<1x!tpu.dma_semaphore, #tpu.memory_space<semaphore_mem>> -> memref<!tpu.dma_semaphore, #tpu.memory_space<semaphore_mem>>
      tpu.wait_indirect_dma semaphore(%dma_wait3A_368 : memref<!tpu.dma_semaphore, #tpu.memory_space<semaphore_mem>>) src(%arg6 : memref<128x16xf32, #tpu.memory_space<vmem>>) dst(%dma_wait3A_366 : memref<10240x16xf32, #tpu.memory_space<vmem_shared>>)
    } else {
    }
    %barrier3A_236 = arith.constant 0 : index
    tpu.barrier barrier_id(%barrier3A_236)
    %mul3A_237 = arith.constant 640 : i32
    %mul3A_238 = arith.muli %arg1, %mul3A_237 : i32
    %mul3A_239 = arith.constant 640 : i32
    %mul3A_240 = arith.muli %arg1, %mul3A_239 : i32
    "tpu.region"() ({
      %run_scoped3A = tpu.sem_alloc : memref<!tpu.dma_semaphore, #tpu.memory_space<semaphore_mem>>
      %dma_start3A_241 = arith.constant 0 : i32
      %dma_start3A_242 = tpu.memref_slice %arg4[%arg0, %mul3A_240, %dma_start3A_241] : memref<2x10240x16xf32, #tpu.memory_space<hbm>> -> memref<1x640x16xf32, #tpu.memory_space<hbm>>
      %dma_start3A_243 = tpu.memref_squeeze %dma_start3A_242 : memref<1x640x16xf32, #tpu.memory_space<hbm>> -> memref<640x16xf32, #tpu.memory_space<hbm>>
      %dma_start3A_244 = arith.constant 0 : i32
      %dma_start3A_245 = tpu.memref_slice %arg9[%mul3A_238, %dma_start3A_244] : memref<10240x16xf32, #tpu.memory_space<vmem_shared>> -> memref<640x16xf32, #tpu.memory_space<vmem_shared>>
      tpu.enqueue_dma source(%dma_start3A_245 : memref<640x16xf32, #tpu.memory_space<vmem_shared>>) target(%dma_start3A_243 : memref<640x16xf32, #tpu.memory_space<hbm>>) target_semaphore(%run_scoped3A : memref<!tpu.dma_semaphore, #tpu.memory_space<semaphore_mem>>)
      %dma_wait3A = arith.constant 0 : i32
      %dma_wait3A_246 = tpu.memref_slice %arg4[%arg0, %mul3A_240, %dma_wait3A] : memref<2x10240x16xf32, #tpu.memory_space<hbm>> -> memref<1x640x16xf32, #tpu.memory_space<hbm>>
      %dma_wait3A_247 = tpu.memref_squeeze %dma_wait3A_246 : memref<1x640x16xf32, #tpu.memory_space<hbm>> -> memref<640x16xf32, #tpu.memory_space<hbm>>
      %dma_wait3A_248 = arith.constant 0 : i32
      %dma_wait3A_249 = tpu.memref_slice %arg9[%mul3A_238, %dma_wait3A_248] : memref<10240x16xf32, #tpu.memory_space<vmem_shared>> -> memref<640x16xf32, #tpu.memory_space<vmem_shared>>
      tpu.wait_dma2 semaphore(%run_scoped3A : memref<!tpu.dma_semaphore, #tpu.memory_space<semaphore_mem>>) src(%dma_wait3A_249 : memref<640x16xf32, #tpu.memory_space<vmem_shared>>) dst(%dma_wait3A_247 : memref<640x16xf32, #tpu.memory_space<hbm>>)
      tpu.yield
    }) : () -> ()
    return
  }
}

module attributes {stable_mosaic.version = 14 : i64} {
  func.func @_extract_recv_kernel(%arg0: i32, %arg1: memref<2x32768xi32, #tpu.memory_space<vmem>>, %arg2: memref<256x128xi32, #tpu.memory_space<vmem>>) attributes {dimension_semantics = [#tpu.dimension_semantics<arbitrary>], iteration_bounds = array<i64: 10>, scalar_prefetch = 0 : i64, scratch_operands = 0 : i64, tpu.core_type = #tpu.core_type<tc>, window_params = [{transform_indices = @transform_0, window_bounds = array<i64: 2, 32768>}, {transform_indices = @transform_1, window_bounds = array<i64: 256, 128>}]} {
    %get3A = arith.constant 1 : index
    %get3A_0 = arith.constant 0 : index
    %get3A_1 = vector.load %arg1[%get3A, %get3A_0] : memref<2x32768xi32, #tpu.memory_space<vmem>>, vector<1x32768xi32>
    %get3A_2 = vector.shape_cast %get3A_1 : vector<1x32768xi32> to vector<32768xi32>
    %reshape3A = vector.shape_cast %get3A_2 : vector<32768xi32> to vector<256x128xi32>
    %swap3A = arith.constant 0 : index
    %swap3A_3 = arith.constant 0 : index
    %swap3A_4 = vector.load %arg2[%swap3A, %swap3A_3] : memref<256x128xi32, #tpu.memory_space<vmem>>, vector<256x128xi32>
    tpu.vector_store %arg2[%swap3A, %swap3A_3], %reshape3A {strides = array<i32>} : memref<256x128xi32, #tpu.memory_space<vmem>>, vector<256x128xi32>,
    return
  }
  func.func @transform_0(%arg0: i32) -> (i32, i32) {
    %c0_i32 = arith.constant 0 : i32
    %c0_i32_0 = arith.constant 0 : i32
    return %c0_i32, %arg0 : i32, i32
  }
  func.func @transform_1(%arg0: i32) -> (i32, i32) {
    %c0_i32 = arith.constant 0 : i32
    %c0_i32_0 = arith.constant 0 : i32
    return %arg0, %c0_i32 : i32, i32
  }
}

module attributes {stable_mosaic.version = 14 : i64} {
  func.func @_edges_to_slabs_kernel(%arg0: i32, %arg1: memref<16x32768xf32, #tpu.memory_space<vmem>>, %arg2: memref<4096x128xf32, #tpu.memory_space<vmem>>) attributes {dimension_semantics = [#tpu.dimension_semantics<arbitrary>], iteration_bounds = array<i64: 5>, scalar_prefetch = 0 : i64, scratch_operands = 0 : i64, tpu.core_type = #tpu.core_type<tc>, window_params = [{transform_indices = @transform_0, window_bounds = array<i64: 16, 32768>}, {transform_indices = @transform_1, window_bounds = array<i64: 4096, 128>}]} {
    %get3A = arith.constant 0 : index
    %get3A_0 = arith.constant 0 : index
    %get3A_1 = vector.load %arg1[%get3A, %get3A_0] : memref<16x32768xf32, #tpu.memory_space<vmem>>, vector<16x32768xf32>
    %transpose3A = tpu.transpose %get3A_1, [1, 0] : vector<16x32768xf32> -> vector<32768x16xf32>
    %reshape3A = vector.shape_cast %transpose3A : vector<32768x16xf32> to vector<8x4096x16xf32>
    %slice3A = vector.extract_strided_slice %reshape3A {offsets = [0, 0, 0], sizes = [1, 4096, 16], strides = [1, 1, 1]} : vector<8x4096x16xf32> to vector<1x4096x16xf32>
    %squeeze3A = vector.shape_cast %slice3A : vector<1x4096x16xf32> to vector<4096x16xf32>
    %slice3A_2 = vector.extract_strided_slice %reshape3A {offsets = [1, 0, 0], sizes = [1, 4096, 16], strides = [1, 1, 1]} : vector<8x4096x16xf32> to vector<1x4096x16xf32>
    %squeeze3A_3 = vector.shape_cast %slice3A_2 : vector<1x4096x16xf32> to vector<4096x16xf32>
    %slice3A_4 = vector.extract_strided_slice %reshape3A {offsets = [2, 0, 0], sizes = [1, 4096, 16], strides = [1, 1, 1]} : vector<8x4096x16xf32> to vector<1x4096x16xf32>
    %squeeze3A_5 = vector.shape_cast %slice3A_4 : vector<1x4096x16xf32> to vector<4096x16xf32>
    %slice3A_6 = vector.extract_strided_slice %reshape3A {offsets = [3, 0, 0], sizes = [1, 4096, 16], strides = [1, 1, 1]} : vector<8x4096x16xf32> to vector<1x4096x16xf32>
    %squeeze3A_7 = vector.shape_cast %slice3A_6 : vector<1x4096x16xf32> to vector<4096x16xf32>
    %slice3A_8 = vector.extract_strided_slice %reshape3A {offsets = [4, 0, 0], sizes = [1, 4096, 16], strides = [1, 1, 1]} : vector<8x4096x16xf32> to vector<1x4096x16xf32>
    %squeeze3A_9 = vector.shape_cast %slice3A_8 : vector<1x4096x16xf32> to vector<4096x16xf32>
    %slice3A_10 = vector.extract_strided_slice %reshape3A {offsets = [5, 0, 0], sizes = [1, 4096, 16], strides = [1, 1, 1]} : vector<8x4096x16xf32> to vector<1x4096x16xf32>
    %squeeze3A_11 = vector.shape_cast %slice3A_10 : vector<1x4096x16xf32> to vector<4096x16xf32>
    %slice3A_12 = vector.extract_strided_slice %reshape3A {offsets = [6, 0, 0], sizes = [1, 4096, 16], strides = [1, 1, 1]} : vector<8x4096x16xf32> to vector<1x4096x16xf32>
    %squeeze3A_13 = vector.shape_cast %slice3A_12 : vector<1x4096x16xf32> to vector<4096x16xf32>
    %slice3A_14 = vector.extract_strided_slice %reshape3A {offsets = [7, 0, 0], sizes = [1, 4096, 16], strides = [1, 1, 1]} : vector<8x4096x16xf32> to vector<1x4096x16xf32>
    %squeeze3A_15 = vector.shape_cast %slice3A_14 : vector<1x4096x16xf32> to vector<4096x16xf32>
    %concatenate3A = tpu.concatenate %squeeze3A, %squeeze3A_3, %squeeze3A_5, %squeeze3A_7, %squeeze3A_9, %squeeze3A_11, %squeeze3A_13, %squeeze3A_15 in 1 : vector<4096x16xf32>, vector<4096x16xf32>, vector<4096x16xf32>, vector<4096x16xf32>, vector<4096x16xf32>, vector<4096x16xf32>, vector<4096x16xf32>, vector<4096x16xf32> -> vector<4096x128xf32>
    %swap3A = arith.constant 0 : index
    %swap3A_16 = arith.constant 0 : index
    %swap3A_17 = vector.load %arg2[%swap3A, %swap3A_16] : memref<4096x128xf32, #tpu.memory_space<vmem>>, vector<4096x128xf32>
    tpu.vector_store %arg2[%swap3A, %swap3A_16], %concatenate3A {strides = array<i32>} : memref<4096x128xf32, #tpu.memory_space<vmem>>, vector<4096x128xf32>,
    return
  }
  func.func @transform_0(%arg0: i32) -> (i32, i32) {
    %add3A = arith.constant 5 : i32
    %add3A_0 = arith.addi %arg0, %add3A : i32
    %c0_i32 = arith.constant 0 : i32
    %c0_i32_1 = arith.constant 0 : i32
    return %c0_i32, %add3A_0 : i32, i32
  }
  func.func @transform_1(%arg0: i32) -> (i32, i32) {
    %c0_i32 = arith.constant 0 : i32
    %c0_i32_0 = arith.constant 0 : i32
    return %arg0, %c0_i32 : i32, i32
  }
}

module attributes {stable_mosaic.version = 14 : i64} {
  func.func @_edges_to_slabs_kernel(%arg0: i32, %arg1: memref<16x32768xf32, #tpu.memory_space<vmem>>, %arg2: memref<4096x128xf32, #tpu.memory_space<vmem>>) attributes {dimension_semantics = [#tpu.dimension_semantics<arbitrary>], iteration_bounds = array<i64: 5>, scalar_prefetch = 0 : i64, scratch_operands = 0 : i64, tpu.core_type = #tpu.core_type<tc>, window_params = [{transform_indices = @transform_0, window_bounds = array<i64: 16, 32768>}, {transform_indices = @transform_1, window_bounds = array<i64: 4096, 128>}]} {
    %get3A = arith.constant 0 : index
    %get3A_0 = arith.constant 0 : index
    %get3A_1 = vector.load %arg1[%get3A, %get3A_0] : memref<16x32768xf32, #tpu.memory_space<vmem>>, vector<16x32768xf32>
    %transpose3A = tpu.transpose %get3A_1, [1, 0] : vector<16x32768xf32> -> vector<32768x16xf32>
    %reshape3A = vector.shape_cast %transpose3A : vector<32768x16xf32> to vector<8x4096x16xf32>
    %slice3A = vector.extract_strided_slice %reshape3A {offsets = [0, 0, 0], sizes = [1, 4096, 16], strides = [1, 1, 1]} : vector<8x4096x16xf32> to vector<1x4096x16xf32>
    %squeeze3A = vector.shape_cast %slice3A : vector<1x4096x16xf32> to vector<4096x16xf32>
    %slice3A_2 = vector.extract_strided_slice %reshape3A {offsets = [1, 0, 0], sizes = [1, 4096, 16], strides = [1, 1, 1]} : vector<8x4096x16xf32> to vector<1x4096x16xf32>
    %squeeze3A_3 = vector.shape_cast %slice3A_2 : vector<1x4096x16xf32> to vector<4096x16xf32>
    %slice3A_4 = vector.extract_strided_slice %reshape3A {offsets = [2, 0, 0], sizes = [1, 4096, 16], strides = [1, 1, 1]} : vector<8x4096x16xf32> to vector<1x4096x16xf32>
    %squeeze3A_5 = vector.shape_cast %slice3A_4 : vector<1x4096x16xf32> to vector<4096x16xf32>
    %slice3A_6 = vector.extract_strided_slice %reshape3A {offsets = [3, 0, 0], sizes = [1, 4096, 16], strides = [1, 1, 1]} : vector<8x4096x16xf32> to vector<1x4096x16xf32>
    %squeeze3A_7 = vector.shape_cast %slice3A_6 : vector<1x4096x16xf32> to vector<4096x16xf32>
    %slice3A_8 = vector.extract_strided_slice %reshape3A {offsets = [4, 0, 0], sizes = [1, 4096, 16], strides = [1, 1, 1]} : vector<8x4096x16xf32> to vector<1x4096x16xf32>
    %squeeze3A_9 = vector.shape_cast %slice3A_8 : vector<1x4096x16xf32> to vector<4096x16xf32>
    %slice3A_10 = vector.extract_strided_slice %reshape3A {offsets = [5, 0, 0], sizes = [1, 4096, 16], strides = [1, 1, 1]} : vector<8x4096x16xf32> to vector<1x4096x16xf32>
    %squeeze3A_11 = vector.shape_cast %slice3A_10 : vector<1x4096x16xf32> to vector<4096x16xf32>
    %slice3A_12 = vector.extract_strided_slice %reshape3A {offsets = [6, 0, 0], sizes = [1, 4096, 16], strides = [1, 1, 1]} : vector<8x4096x16xf32> to vector<1x4096x16xf32>
    %squeeze3A_13 = vector.shape_cast %slice3A_12 : vector<1x4096x16xf32> to vector<4096x16xf32>
    %slice3A_14 = vector.extract_strided_slice %reshape3A {offsets = [7, 0, 0], sizes = [1, 4096, 16], strides = [1, 1, 1]} : vector<8x4096x16xf32> to vector<1x4096x16xf32>
    %squeeze3A_15 = vector.shape_cast %slice3A_14 : vector<1x4096x16xf32> to vector<4096x16xf32>
    %concatenate3A = tpu.concatenate %squeeze3A, %squeeze3A_3, %squeeze3A_5, %squeeze3A_7, %squeeze3A_9, %squeeze3A_11, %squeeze3A_13, %squeeze3A_15 in 1 : vector<4096x16xf32>, vector<4096x16xf32>, vector<4096x16xf32>, vector<4096x16xf32>, vector<4096x16xf32>, vector<4096x16xf32>, vector<4096x16xf32>, vector<4096x16xf32> -> vector<4096x128xf32>
    %swap3A = arith.constant 0 : index
    %swap3A_16 = arith.constant 0 : index
    %swap3A_17 = vector.load %arg2[%swap3A, %swap3A_16] : memref<4096x128xf32, #tpu.memory_space<vmem>>, vector<4096x128xf32>
    tpu.vector_store %arg2[%swap3A, %swap3A_16], %concatenate3A {strides = array<i32>} : memref<4096x128xf32, #tpu.memory_space<vmem>>, vector<4096x128xf32>,
    return
  }
  func.func @transform_0(%arg0: i32) -> (i32, i32) {
    %add3A = arith.constant 0 : i32
    %add3A_0 = arith.addi %arg0, %add3A : i32
    %c0_i32 = arith.constant 0 : i32
    %c0_i32_1 = arith.constant 0 : i32
    return %c0_i32, %add3A_0 : i32, i32
  }
  func.func @transform_1(%arg0: i32) -> (i32, i32) {
    %c0_i32 = arith.constant 0 : i32
    %c0_i32_0 = arith.constant 0 : i32
    return %arg0, %c0_i32 : i32, i32
  }
}

module attributes {stable_mosaic.version = 14 : i64} {
  func.func @_tc_mlp_kernel(%arg0: i32, %arg1: memref<1000x128xf32, #tpu.memory_space<vmem>>, %arg2: memref<2x1000x16xf32, #tpu.memory_space<vmem>>, %arg3: memref<2x1000x16xf32, #tpu.memory_space<vmem>>, %arg4: memref<1x1x1000xi32, #tpu.memory_space<vmem>>, %arg5: memref<64x64xf32, #tpu.memory_space<vmem>>, %arg6: memref<208x64xf32, #tpu.memory_space<vmem>>, %arg7: memref<1x64xf32, #tpu.memory_space<vmem>>, %arg8: memref<64x128xf32, #tpu.memory_space<vmem>>, %arg9: memref<1x128xf32, #tpu.memory_space<vmem>>, %arg10: memref<1000x128xf32, #tpu.memory_space<vmem>>) attributes {dimension_semantics = [#tpu.dimension_semantics<arbitrary>], iteration_bounds = array<i64: 10>, scalar_prefetch = 0 : i64, scratch_operands = 0 : i64, tpu.core_type = #tpu.core_type<tc>, window_params = [{transform_indices = @transform_0, window_bounds = array<i64: 1000, 128>}, {transform_indices = @transform_1, window_bounds = array<i64: 2, 1000, 16>}, {transform_indices = @transform_2, window_bounds = array<i64: 2, 1000, 16>}, {transform_indices = @transform_3, window_bounds = array<i64: 1, 1, 1000>}, {pipeline_mode = #tpu.pipeline_mode<synchronous>, transform_indices = @transform_4, window_bounds = array<i64: 64, 64>}, {pipeline_mode = #tpu.pipeline_mode<synchronous>, transform_indices = @transform_5, window_bounds = array<i64: 208, 64>}, {pipeline_mode = #tpu.pipeline_mode<synchronous>, transform_indices = @transform_6, window_bounds = array<i64: 1, 64>}, {pipeline_mode = #tpu.pipeline_mode<synchronous>, transform_indices = @transform_7, window_bounds = array<i64: 64, 128>}, {pipeline_mode = #tpu.pipeline_mode<synchronous>, transform_indices = @transform_8, window_bounds = array<i64: 1, 128>}, {transform_indices = @transform_9, window_bounds = array<i64: 1000, 128>}]} {
    %get3A = arith.constant 0 : index
    %get3A_0 = arith.constant 0 : index
    %get3A_1 = vector.load %arg1[%get3A, %get3A_0] : memref<1000x128xf32, #tpu.memory_space<vmem>>, vector<1000x128xf32>
    %get3A_2 = arith.constant 0 : index
    %get3A_3 = arith.constant 0 : index
    %get3A_4 = arith.constant 0 : index
    %get3A_5 = vector.load %arg2[%get3A_2, %get3A_3, %get3A_4] : memref<2x1000x16xf32, #tpu.memory_space<vmem>>, vector<2x1000x16xf32>
    %get3A_6 = arith.constant 0 : index
    %get3A_7 = arith.constant 0 : index
    %get3A_8 = arith.constant 0 : index
    %get3A_9 = vector.load %arg3[%get3A_6, %get3A_7, %get3A_8] : memref<2x1000x16xf32, #tpu.memory_space<vmem>>, vector<2x1000x16xf32>
    %slice3A = vector.extract_strided_slice %get3A_5 {offsets = [0, 0, 0], sizes = [1, 1000, 16], strides = [1, 1, 1]} : vector<2x1000x16xf32> to vector<1x1000x16xf32>
    %squeeze3A = vector.shape_cast %slice3A : vector<1x1000x16xf32> to vector<1000x16xf32>
    %slice3A_10 = vector.extract_strided_slice %get3A_5 {offsets = [1, 0, 0], sizes = [1, 1000, 16], strides = [1, 1, 1]} : vector<2x1000x16xf32> to vector<1x1000x16xf32>
    %squeeze3A_11 = vector.shape_cast %slice3A_10 : vector<1x1000x16xf32> to vector<1000x16xf32>
    %add3A = arith.addf %squeeze3A, %squeeze3A_11 : vector<1000x16xf32>
    %slice3A_12 = vector.extract_strided_slice %get3A_9 {offsets = [0, 0, 0], sizes = [1, 1000, 16], strides = [1, 1, 1]} : vector<2x1000x16xf32> to vector<1x1000x16xf32>
    %squeeze3A_13 = vector.shape_cast %slice3A_12 : vector<1x1000x16xf32> to vector<1000x16xf32>
    %add3A_14 = arith.addf %add3A, %squeeze3A_13 : vector<1000x16xf32>
    %slice3A_15 = vector.extract_strided_slice %get3A_9 {offsets = [1, 0, 0], sizes = [1, 1000, 16], strides = [1, 1, 1]} : vector<2x1000x16xf32> to vector<1x1000x16xf32>
    %squeeze3A_16 = vector.shape_cast %slice3A_15 : vector<1x1000x16xf32> to vector<1000x16xf32>
    %add3A_17 = arith.addf %add3A_14, %squeeze3A_16 : vector<1000x16xf32>
    %get3A_18 = arith.constant 0 : index
    %get3A_19 = arith.constant 0 : index
    %get3A_20 = arith.constant 0 : index
    %get3A_21 = vector.load %arg4[%get3A_18, %get3A_19, %get3A_20] : memref<1x1x1000xi32, #tpu.memory_space<vmem>>, vector<1x1x1000xi32>
    %get3A_22 = vector.shape_cast %get3A_21 : vector<1x1x1000xi32> to vector<1000xi32>
    %get3A_23 = arith.constant 0 : index
    %get3A_24 = arith.constant 0 : index
    %get3A_25 = vector.load %arg5[%get3A_23, %get3A_24] : memref<64x64xf32, #tpu.memory_space<vmem>>, vector<64x64xf32>
    %get3A_26 = arith.constant 144 : index
    %get3A_27 = arith.constant 0 : index
    %get3A_28 = vector.load %arg6[%get3A_26, %get3A_27] : memref<208x64xf32, #tpu.memory_space<vmem>>, vector<64x64xf32>
    %dot_general3A = arith.constant dense<0.000000e+00> : vector<64x64xf32>
    %dot_general3A_29 = tpu.matmul %get3A_25, %get3A_28, %dot_general3A {dimension_numbers = #tpu.dot_dimension_numbers<[1], [0], [0], [1], [0, 0, 1, 1], [], []>, transpose_lhs_hint = false} : vector<64x64xf32>, vector<64x64xf32>, vector<64x64xf32> -> vector<64x64xf32>
    %broadcast_in_dim3A = vector.shape_cast %get3A_22 : vector<1000xi32> to vector<1000x1xi32>
    %iota3A = tpu.iota {dimensions = array<i32: 1>} : vector<1000x64xi32>
    %eq3A = vector.broadcast %broadcast_in_dim3A : vector<1000x1xi32> to vector<1000x64xi32>
    %eq3A_30 = arith.cmpi eq, %eq3A, %iota3A : vector<1000x64xi32>
    %convert_element_type3A = arith.extui %eq3A_30 : vector<1000x64xi1> to vector<1000x64xi32>
    %convert_element_type3A_31 = arith.sitofp %convert_element_type3A : vector<1000x64xi32> to vector<1000x64xf32>
    %get3A_32 = arith.constant 0 : index
    %get3A_33 = arith.constant 0 : index
    %get3A_34 = vector.load %arg6[%get3A_32, %get3A_33] : memref<208x64xf32, #tpu.memory_space<vmem>>, vector<128x64xf32>
    %dot_general3A_35 = arith.constant dense<0.000000e+00> : vector<1000x64xf32>
    %dot_general3A_36 = tpu.matmul %get3A_1, %get3A_34, %dot_general3A_35 {dimension_numbers = #tpu.dot_dimension_numbers<[1], [0], [0], [1], [0, 0, 1, 1], [], []>, transpose_lhs_hint = false} : vector<1000x128xf32>, vector<128x64xf32>, vector<1000x64xf32> -> vector<1000x64xf32>
    %get3A_37 = arith.constant 128 : index
    %get3A_38 = arith.constant 0 : index
    %get3A_39 = vector.load %arg6[%get3A_37, %get3A_38] : memref<208x64xf32, #tpu.memory_space<vmem>>, vector<16x64xf32>
    %dot_general3A_40 = arith.constant dense<0.000000e+00> : vector<1000x64xf32>
    %dot_general3A_41 = tpu.matmul %add3A_17, %get3A_39, %dot_general3A_40 {dimension_numbers = #tpu.dot_dimension_numbers<[1], [0], [0], [1], [0, 0, 1, 1], [], []>, transpose_lhs_hint = false} : vector<1000x16xf32>, vector<16x64xf32>, vector<1000x64xf32> -> vector<1000x64xf32>
    %add3A_42 = arith.addf %dot_general3A_36, %dot_general3A_41 : vector<1000x64xf32>
    %dot_general3A_43 = arith.constant dense<0.000000e+00> : vector<1000x64xf32>
    %dot_general3A_44 = tpu.matmul %convert_element_type3A_31, %dot_general3A_29, %dot_general3A_43 {dimension_numbers = #tpu.dot_dimension_numbers<[1], [0], [0], [1], [0, 0, 1, 1], [], []>, transpose_lhs_hint = false} : vector<1000x64xf32>, vector<64x64xf32>, vector<1000x64xf32> -> vector<1000x64xf32>
    %add3A_45 = arith.addf %add3A_42, %dot_general3A_44 : vector<1000x64xf32>
    %get3A_46 = arith.constant 0 : index
    %get3A_47 = arith.constant 0 : index
    %get3A_48 = vector.load %arg7[%get3A_46, %get3A_47] : memref<1x64xf32, #tpu.memory_space<vmem>>, vector<1x64xf32>
    %add3A_49 = vector.broadcast %get3A_48 : vector<1x64xf32> to vector<1000x64xf32>
    %add3A_50 = arith.addf %add3A_45, %add3A_49 : vector<1000x64xf32>
    %max3A = arith.constant 0.000000e+00 : f32
    %max3A_51 = vector.broadcast %max3A : f32 to vector<1000x64xf32>
    %max3A_52 = arith.maximumf %add3A_50, %max3A_51 : vector<1000x64xf32>
    %get3A_53 = arith.constant 0 : index
    %get3A_54 = arith.constant 0 : index
    %get3A_55 = vector.load %arg8[%get3A_53, %get3A_54] : memref<64x128xf32, #tpu.memory_space<vmem>>, vector<64x128xf32>
    %dot_general3A_56 = arith.constant dense<0.000000e+00> : vector<1000x128xf32>
    %dot_general3A_57 = tpu.matmul %max3A_52, %get3A_55, %dot_general3A_56 {dimension_numbers = #tpu.dot_dimension_numbers<[1], [0], [0], [1], [0, 0, 1, 1], [], []>, transpose_lhs_hint = false} : vector<1000x64xf32>, vector<64x128xf32>, vector<1000x128xf32> -> vector<1000x128xf32>
    %get3A_58 = arith.constant 0 : index
    %get3A_59 = arith.constant 0 : index
    %get3A_60 = vector.load %arg9[%get3A_58, %get3A_59] : memref<1x128xf32, #tpu.memory_space<vmem>>, vector<1x128xf32>
    %add3A_61 = vector.broadcast %get3A_60 : vector<1x128xf32> to vector<1000x128xf32>
    %add3A_62 = arith.addf %dot_general3A_57, %add3A_61 : vector<1000x128xf32>
    %swap3A = arith.constant 0 : index
    %swap3A_63 = arith.constant 0 : index
    %swap3A_64 = vector.load %arg10[%swap3A, %swap3A_63] : memref<1000x128xf32, #tpu.memory_space<vmem>>, vector<1000x128xf32>
    tpu.vector_store %arg10[%swap3A, %swap3A_63], %add3A_62 {strides = array<i32>} : memref<1000x128xf32, #tpu.memory_space<vmem>>, vector<1000x128xf32>,
    return
  }
  func.func @transform_0(%arg0: i32) -> (i32, i32) {
    %c0_i32 = arith.constant 0 : i32
    %c0_i32_0 = arith.constant 0 : i32
    return %arg0, %c0_i32 : i32, i32
  }
  func.func @transform_1(%arg0: i32) -> (i32, i32, i32) {
    %c0_i32 = arith.constant 0 : i32
    %c0_i32_0 = arith.constant 0 : i32
    %c0_i32_1 = arith.constant 0 : i32
    return %c0_i32, %arg0, %c0_i32_0 : i32, i32, i32
  }
  func.func @transform_2(%arg0: i32) -> (i32, i32, i32) {
    %c0_i32 = arith.constant 0 : i32
    %c0_i32_0 = arith.constant 0 : i32
    %c0_i32_1 = arith.constant 0 : i32
    return %c0_i32, %arg0, %c0_i32_0 : i32, i32, i32
  }
  func.func @transform_3(%arg0: i32) -> (i32, i32, i32) {
    %c0_i32 = arith.constant 0 : i32
    %c0_i32_0 = arith.constant 0 : i32
    %c0_i32_1 = arith.constant 0 : i32
    return %arg0, %c0_i32, %c0_i32_0 : i32, i32, i32
  }
  func.func @transform_4(%arg0: i32) -> (i32, i32) {
    %c0_i32 = arith.constant 0 : i32
    %c0_i32_0 = arith.constant 0 : i32
    %c0_i32_1 = arith.constant 0 : i32
    return %c0_i32, %c0_i32_0 : i32, i32
  }
  func.func @transform_5(%arg0: i32) -> (i32, i32) {
    %c0_i32 = arith.constant 0 : i32
    %c0_i32_0 = arith.constant 0 : i32
    %c0_i32_1 = arith.constant 0 : i32
    return %c0_i32, %c0_i32_0 : i32, i32
  }
  func.func @transform_6(%arg0: i32) -> (i32, i32) {
    %c0_i32 = arith.constant 0 : i32
    %c0_i32_0 = arith.constant 0 : i32
    %c0_i32_1 = arith.constant 0 : i32
    return %c0_i32, %c0_i32_0 : i32, i32
  }
  func.func @transform_7(%arg0: i32) -> (i32, i32) {
    %c0_i32 = arith.constant 0 : i32
    %c0_i32_0 = arith.constant 0 : i32
    %c0_i32_1 = arith.constant 0 : i32
    return %c0_i32, %c0_i32_0 : i32, i32
  }
  func.func @transform_8(%arg0: i32) -> (i32, i32) {
    %c0_i32 = arith.constant 0 : i32
    %c0_i32_0 = arith.constant 0 : i32
    %c0_i32_1 = arith.constant 0 : i32
    return %c0_i32, %c0_i32_0 : i32, i32
  }
  func.func @transform_9(%arg0: i32) -> (i32, i32) {
    %c0_i32 = arith.constant 0 : i32
    %c0_i32_0 = arith.constant 0 : i32
    return %arg0, %c0_i32 : i32, i32
  }
}

</mosaic_0001>

<sc_bundles>
// kernel: kernel.11.cloned.1.call-start
scs
__scs_entry_jumppad:
0x0: {  	(pc) =	sbr.rel $0x88, $3  }
0x1: {  	(tag) =	ssettag $0x0;
	lr =	simm.s32 $0x1  }
0x2: {  	[smem:$0x3F98] =	sst lr;
	_ =	strace $0xD0000000  }
0x3: {  	_ = 	snop  }
0x4: {  	_ = 	snop  }
0x5: {  	_ = 	snop  }
0x6: {  	_ = 	snop  }
0x7: {  	_ = 	snop  }
__scs_overlays_trampoline_lowered:
0x8: {  	[smem:$0x3FA7] =	sst s0  }
0x9: {  	[smem:$0x3FA8] =	sst s1  }
0xa: {  	[smem:$0x3FA9] =	sst s2  }
0xb: {  	[smem:$0x3FAA] =	sst s3  }
0xc: {  	[smem:$0x3FAB] =	sst s4  }
0xd: {  	[smem:$0x3FAC] =	sst s5  }
0xe: {  	[smem:$0x3FAD] =	sst s6  }
0xf: {  	[smem:$0x3FAE] =	sst s7  }
0x10: {  	[smem:$0x3FAF] =	sst s8  }
0x11: {  	[smem:$0x3FB0] =	sst s9;
	s0 =	simm.s32 @!p0 $0x0  }
0x12: {  	s1 =	sld [smem:$0x3F96];
	s0 =	simm.s32 @p0 $0x1  }
0x13: {  	[smem:$0x3FB1] =	sst s0;
	s0 =	simm.s32 @!p1 $0x0  }
0x14: {  	s2 =	sld [smem:$0x3F95];
	s0 =	simm.s32 @p1 $0x1  }
0x15: {  	[smem:$0x3FB2] =	sst s0;
	s0 =	simm.s32 @!p2 $0x0  }
0x16: {  	s3 =	sld [smem:$0x3FDB];
	s0 =	simm.s32 @p2 $0x1  }
0x17: {  	s4 =	simm.s32 $0x1BF5;
	[smem:$0x3FB4] =	sst s0  }
0x18: {  	s0 =	sld [smem:$0x3F97];
	_ =	swait.ge [sflag:s4], $0x0  }
0x19: {  	s7 =	sld [smem:$0x3F98]  }
0x1a: {  	s8 =	sadd.s32 $0xFFFFE003, lr  }
0x1b: {  	s9 =	sadd.s32 $0xFFFFFEF7, lr;
	s5 =	simm.s32 $0xFFFFFFFF;
	p2 =	slt.u32 s8, $0xFFFFF086  }
0x1c: {  	p1 =	slt.u32 s9, $0xF7A;
	s5 =	simm.s32 @!p2 $0x0  }
0x1d: {  	s5 =	simm.s32 @p1 $0x1;
	p0 =	seq.s32 s7, s2  }
0x1e: {  	s7 =	smul.u32 @!p0 $0xF7A, s2;
	p2 =	seq.s32 @!p0 s5, $0x0  }
0x1f: {  	s9 =	smul.u32 $0xF7A, s1;
	s8 =	simm.s32 @!p0 $0x1BF5;
	p2 =	por !p2, p0  }
0x20: {  	[sflag:s8] =	ssyncset.s32 @!p0 $0xFFFFF086;
	s6 =	sadd.s32 @!p0 s3, s7;
	s7 =	simm.s32 @!p0 $0x108  }
0x21: {  	s3 =	sadd.s32 s3, s9;
	s6 =	sadd.s32 @!p0 $0x88, s6;
	s7 =	simm.s32 @p2 $0x1082  }
0x22: {  	[simem:s7], [sflag:s8] =	dma.local @!p0 [hbm:s6], $0xF7A  }
0x23: {  	s9 =	sor.u32 $0xD0000000, s2;
	s6 =	simm.s32 $0x108;
	_ =	swait.ge @!p0 [sflag:s8], $0x0  }
0x24: {  	s3 =	sadd.s32 $0x88, s3;
	s6 =	simm.s32 @!p1 $0x1082;
	[sflag:s4] =	ssyncset.s32 $0xFFFFF086  }
0x25: {  	[simem:s6], [sflag:s4] =	dma.local [hbm:s3], $0xF7A  }
0x26: {  	[smem:$0x3F98] =	sst s1;
	(tag) =	ssettag s2;
	_ =	strace s9  }
0x27: {  	s1 =	sld [smem:$0x3FA8]  }
0x28: {  	s2 =	sld [smem:$0x3FA9]  }
0x29: {  	s4 =	sld [smem:$0x3FAB]  }
0x2a: {  	p0 =	seq.s32 s5, $0x0;
	s5 =	sld [smem:$0x3FAC]  }
0x2b: {  	s6 =	sld [smem:$0x3FAD]  }
0x2c: {  	s7 =	sld [smem:$0x3FAE]  }
0x2d: {  	s3 =	simm.s32 $0x108;
	s8 =	sld [smem:$0x3FAF]  }
0x2e: {  	s3 =	simm.s32 @!p0 $0x1082;
	s9 =	sld [smem:$0x3FB0]  }
0x2f: {  	lr =	sadd.s32 s0, s3;
	s0 =	sld [smem:$0x3FA7]  }
0x30: {  	s3 =	sld [smem:$0x3FAA]  }
0x31: {  	[smem:$0x3FB3] =	sst s10  }
0x32: {  	s10 =	sld [smem:$0x3FB1];
	_ =	sdelay $0x3  }
0x33: {  	p0 =	seq.s32 s10, $0x1;
	s10 =	sld [smem:$0x3FB3];
	_ =	sdelay $0x3  }
0x34: {  	[smem:$0x3FB3] =	sst s10  }
0x35: {  	s10 =	sld [smem:$0x3FB2];
	_ =	sdelay $0x3  }
0x36: {  	p1 =	seq.s32 s10, $0x1;
	s10 =	sld [smem:$0x3FB3];
	_ =	sdelay $0x3  }
0x37: {  	[smem:$0x3FB3] =	sst s10  }
0x38: {  	s10 =	sld [smem:$0x3FB4]  }
0x39: {  	_ = 	snop;
	(pc) =	sbr.ind lr, $3  }
0x3a: {  	_ = 	snop  }
0x3b: {  	_ = 	snop  }
0x3c: {  	p2 =	seq.s32 s10, $0x1;
	s10 =	sld [smem:$0x3FB3]  }
0x3d: {  	_ =	shalt  }
0x3e: {  	_ =	shalt  }
0x3f: {  	_ =	shalt  }
0x40: {  	_ =	shalt  }
0x41: {  	_ =	shalt  }
0x42: {  	_ =	shalt  }
0x43: {  	_ =	shalt  }
0x44: {  	_ =	shalt  }
0x45: {  	_ =	shalt  }
0x46: {  	_ =	shalt  }
0x47: {  	_ =	shalt  }
0x48: {  	_ =	shalt  }
0x49: {  	_ =	shalt  }
0x4a: {  	_ =	shalt  }
0x4b: {  	_ =	shalt  }
0x4c: {  	_ =	shalt  }
0x4d: {  	_ =	shalt  }
0x4e: {  	_ =	shalt  }
0x4f: {  	_ =	shalt  }
0x50: {  	_ =	shalt  }
0x51: {  	_ =	shalt  }
0x52: {  	_ =	shalt  }
0x53: {  	_ =	shalt  }
0x54: {  	_ =	shalt  }
0x55: {  	_ =	shalt  }
0x56: {  	_ =	shalt  }
0x57: {  	_ =	shalt  }
0x58: {  	_ =	shalt  }
0x59: {  	_ =	shalt  }
0x5a: {  	_ =	shalt  }
0x5b: {  	_ =	shalt  }
0x5c: {  	_ =	shalt  }
0x5d: {  	_ =	shalt  }
0x5e: {  	_ =	shalt  }
0x5f: {  	_ =	shalt  }
0x60: {  	_ =	shalt  }
0x61: {  	_ =	shalt  }
0x62: {  	_ =	shalt  }
0x63: {  	_ =	shalt  }
0x64: {  	_ =	shalt  }
0x65: {  	_ =	shalt  }
0x66: {  	_ =	shalt  }
0x67: {  	_ =	shalt  }
0x68: {  	_ =	shalt  }
0x69: {  	_ =	shalt  }
0x6a: {  	_ =	shalt  }
0x6b: {  	_ =	shalt  }
0x6c: {  	_ =	shalt  }
0x6d: {  	_ =	shalt  }
0x6e: {  	_ =	shalt  }
0x6f: {  	_ =	shalt  }
0x70: {  	_ =	shalt  }
0x71: {  	_ =	shalt  }
0x72: {  	_ =	shalt  }
0x73: {  	_ =	shalt  }
0x74: {  	_ =	shalt  }
0x75: {  	_ =	shalt  }
0x76: {  	_ =	shalt  }
0x77: {  	_ =	shalt  }
0x78: {  	_ =	shalt  }
0x79: {  	_ =	shalt  }
0x7a: {  	_ =	shalt  }
0x7b: {  	_ =	shalt  }
0x7c: {  	_ =	shalt  }
0x7d: {  	_ =	shalt  }
0x7e: {  	_ =	shalt  }
0x7f: {  	_ =	shalt  }
0x80: {  	_ =	shalt  }
0x81: {  	_ =	shalt  }
0x82: {  	_ =	shalt  }
0x83: {  	_ =	shalt  }
0x84: {  	_ =	shalt  }
0x85: {  	_ =	shalt  }
0x86: {  	_ =	shalt  }
0x87: {  	_ =	shalt  }
.Lfunc_end0:
.L_simem_size_0:
called_computation.1_lowered:
.L_overlay_start_0:
0x88: {  	s2 =	sld [smem:$0x3FD9]  }
0x89: {  	s3 =	sld [smem:$0x3FFE];
	_ =	sdelay $0x1  }
0x8a: {  	s1 =	srdreg.scid  }
0x8b: {  	s0 =	sand.u32 $0x1, s1  }
0x8c: {  	s17 =	sshll.u32 s0, $0xA;
	s2 =	sadd.s32 s3, s2  }
0x8d: {  	s2 =	sadd.s32 s2, s17  }
0x8e: {  	[smem:$0x3FBF] =	sst s2  }
0x8f: {  	_ = 	snop  }
0x90: {  	s2 =	sld [smem:$0x3FD0];
	(tm) =	ssettm $0x1  }
0x91: {  	s18 =	sld [smem:$0x3FFB];
	_ =	sdelay $0x3  }
0x92: {  	_ =	strace s18  }
0x93: {  	s3 =	sld [smem:$0x3FFC];
	_ =	sdelay $0x3  }
0x94: {  	_ =	strace s3  }
0x95: {  	s3 =	sld [smem:$0x3FFD];
	_ =	sdelay $0x3  }
0x96: {  	_ =	strace s3  }
0x97: {  	_ =	strace $0x8FFFFFFF  }
0x98: {  	s19 =	sld [smem:$0x3FDB];
	_ =	sdelay $0x1  }
0x99: {  	s4 =	simm.s32 $_scs_section_size  }
0x9a: {  	s5 =	simm.s32 $_size__tile_overlayer_lowered;
	s6 =	simm.s32 $_tile_overlayer_lowered  }
0x9b: {  	s22 =	simm.s32 $0x1BFF;
	s21 =	sshll.u32 s6, $0x1;
	s3 =	sadd.s32 s4, s19  }
0x9c: {  	s7 =	simm.s32 $0x0;
	s20 =	sshll.u32 s5, $0x1;
	s5 =	sadd.s32 s21, s3  }
0x9d: {  	[timem:s7], [sflag:s22] =	dma.local [hbm:s5], s20  }
0x9e: {  	_ =	swait.ge [sflag:s22], s20  }
0x9f: {  	s4 =	ssub.s32 $0x0, s20;
	[sflag:s22] =	ssyncset.done $0x0  }
0xa0: {  	[sflag:s22] =	ssyncadd.s32 s4;
	_ =	sdelay $0x1  }
0xa1: {  	s23 =	simm.s32 $0x1B8B  }
0xa2: {  	_ =	swait.ge [sflag:s23], $0x1  }
0xa3: {  	[sflag:s23] =	ssyncset.done $0x0  }
0xa4: {  	s25 =	simm.s32 $0x1B8E;
	s24 =	sld [smem:$0x3FFE];
	[sflag:s23] =	ssyncadd.s32 $0xFFFFFFFF  }
0xa5: {  	s26 =	simm.s32 $execute0_lowered;
	[smem:$0x3FD2] =	sst s25  }
0xa6: {  	s5 =	sshll.u32 s26, $0x1;
	_ =	strace $0x80000046;
	[dreg:$0x1] =	wrdreg $0xFFFFFFFF  }
0xa7: {  	s28 =	simm.s32 $_size_execute0_lowered;
	s3 =	sadd.s32 s3, s5;
	[dreg:$0x0] =	wrdreg $0x0  }
0xa8: {  	s5 =	sshll.u32 s28, $0x1;
	[dreg:$0x2] =	wrdreg s3  }
0xa9: {  	[dreg:$0x3] =	wrdreg s5  }
0xaa: {  	[dreg:$0x4] =	wrdreg $0xC0  }
0xab: {  	_ =	task [dreg:s7], $0x5FFFF  }
0xac: {  	[dreg:$0x1] =	wrdreg $0xFFFFFFFF  }
0xad: {  	[dreg:$0x0] =	wrdreg $0x60  }
0xae: {  	[dreg:$0x2] =	wrdreg s24  }
0xaf: {  	[dreg:$0x3] =	wrdreg s2  }
0xb0: {  	[dreg:$0x4] =	wrdreg $0x19000  }
0xb1: {  	[dreg:$0x5] =	wrdreg $0xA  }
0xb2: {  	_ =	task.clear_ibuf [dreg:s7], $0x6FFFF;
	_ =	strace $0x90000046  }
0xb3: {  	s29 =	simm.s32 $0xA;
	_ =	strace $0x80000048  }
0xb4: {  	_ =	swait.ge [sflag:s29], $0x1  }
0xb5: {  	[sflag:s29] =	ssyncadd.s32 $0xFFFFFFFF  }
0xb6: {  	_ =	strace $0x90000048  }
0xb7: {  	_ =	sfence  }
0xb8: {  	s30 =	sld [smem:$0x0];
	_ =	sdelay $0x2  }
0xb9: {  	s31 =	sshll.u32 s1, $0xD;
	s1 =	sshrl.u32 s1, $0x2  }
0xba: {  	s3 =	sand.u32 $0x4000, s31;
	s1 =	sadd.s32 s1, s30  }
0xbb: {  	s0 =	sor.u32 s3, s0;
	s1 =	sshll.u32 s1, $0x11  }
0xbc: {  	s0 =	sor.u32 s1, s0  }
0xbd: {  	s0 =	sadd.s32 $0x8F2B, s0  }
0xbe: {  	[sflag:s0] =	ssyncadd.remote.s32 $0x1  }
0xbf: {  	_ =	sfence.sel $0xFFFF  }
0xc0: {  	[dreg:$0x0] =	wrdreg $0xFFFFFFFF;
	(pc) =	sbr.abs _section_cstart, $3  }
0xc1: {  	[dreg:$0x1] =	wrdreg $0xFFFFFFFF  }
0xc2: {  	_ =	task.clear_ibuf [dreg:s7], $0x2FFFF;
	_ =	strace $0x9FFFFFFF  }
0xc3: {  	(tm) =	ssettm $0x7FFFFFFF  }
tec
execute0_lowered:
.L_overlay_start_1:
0x0: {  	(tag) =	ssettag $0x1  }
0x1: {  	s6 =	rddreg [dreg:$0x0]  }
0x2: {  	s0 =	rddreg [dreg:$0x1]  }
0x3: {  	s1 =	rddreg [dreg:$0x2]  }
0x4: {  	s2 =	srdreg.scid;
	s3 =	simm.s32 $0x0;
	s16 =	stileid.u32  }
0x5: {  	s13 =	simm.s32 $0x27;
	s28 =	simm.s32 $0x80;
	s29 =	simm.s32 $0x100  }
0x6: {  	s30 =	simm.s32 $0x900;
	s31 =	simm.s32 $0x1;
	s7 =	smul.u32 $0x2800, s16  }
0x7: {  	s5 =	sand.u32 $0x1, s2;
	[smem:$0x7FF] =	sst s3;
	s26 =	smul.u32 $0xA000, s16  }
0x8: {  	s4 =	sadd.s32 $0x2400, s6;
	s2 =	smul.u32 $0x28000, s5;
	s24 =	ssub.s32 $0x2, s5  }
0x9: {  	_ =	strace $0x80000047;
	s8 =	sshll.u32 s5, $0x4;
	s25 =	sshrl.u32 s24, $0x1  }
0xa: {  	s9 =	sadd.s32 s7, s2;
	s2 =	sor.u32 s16, s8;
	s7 =	sadd.s32 s7, s1  }
0xb: {  	s23 =	sshrl.u32 s9, $0x3;
	s10 =	smul.u32 $0x26, s2;
	s11 =	smin.u32 s2, $0x4  }
0xc: {  	s9 =	ssub.s32 s24, s25;
	p0 =	slt.u32 s2, $0x4;
	s24 =	smul.u32 $0x98000, s16  }
0xd: {  	s25 =	smul.u32 $0x260, s5;
	s8 =	sadd.s32 s23, s6;
	s6 =	sshrl.u32 s26, $0x2  }
0xe: {  	s13 =	simm.s32 @!p0 $0x26;
	s23 =	smul.u32 $0x980000, s5;
	s9 =	smax.u32 s9, $0x1  }
0xf: {  	s5 =	smul.u32 $0x130000, s5;
	p0 =	sgt.u32 s2, $0x3;
	s2 =	simm.s32 $0x3  }
0x10: {  	s10 =	sadd.s32 s10, s11;
	s18 =	sadd.s32 s6, s1;
	s8 =	sadd.s32 $0x52400, s8  }
0x11: {  	[dreg:$0xa] =	wrdreg s9;
	s12 =	sadd.s32 $0x500, s10;
	s15 =	sshll.u32 s10, $0xB  }
0x12: {  	s17 =	sshll.u32 s10, $0xE;
	[dreg:$0x9] =	wrdreg s8;
	s26 =	sadd.s32 $0x800, s18  }
0x13: {  	s8 =	sadd.s32 s24, s23;
	[dreg:$0x4] =	wrdreg s18;
	s24 =	sshll.u32 s11, $0xB  }
0x14: {  	s14 =	sshll.u32 s12, $0x4;
	s6 =	sadd.s32 s13, s12;
	[dreg:$0xb] =	wrdreg s26  }
0x15: {  	s26 =	sshrl.u32 s7, $0x3;
	s13 =	sand.u32 $0x1FFFFFF0, s14;
	s22 =	sadd.s32 s14, s0  }
0x16: {  	s14 =	smul.u32 $0x26, s16;
	[dreg:$0x14] =	wrdreg s26;
	s12 =	sadd.s32 s0, s13  }
0x17: {  	s13 =	sand.u32 $0x7C000, s17;
	s17 =	sor.u32 s25, s11;
	[dreg:$0x5] =	wrdreg s12  }
0x18: {  	s12 =	sand.u32 $0x780000, s15;
	s15 =	sshrl.u32 s10, $0x1;
	s10 =	sadd.s32 $0x1, s10  }
0x19: {  	s17 =	sadd.s32 s14, s17;
	s12 =	sor.u32 s13, s12;
	s19 =	sand.u32 $0x70, s15  }
0x1a: {  	s20 =	sshll.u32 s10, $0xB;
	s21 =	sshll.u32 s10, $0xE;
	s10 =	sshrl.u32 s10, $0x1  }
0x1b: {  	s23 =	sadd.s32 $0x3, s17;
	s12 =	sor.u32 s19, s12;
	s13 =	sand.u32 $0x7FF80000, s20  }
0x1c: {  	s15 =	sand.u32 $0x7C000, s21;
	s10 =	sand.u32 $0x70, s10;
	s19 =	smul.u32 $0x13000, s16  }
0x1d: {  	s20 =	sadd.s32 $0x1800, s18;
	s21 =	sadd.s32 s14, s25;
	s9 =	sshrl.u32 s23, $0x1  }
0x1e: {  	s12 =	sshrl.u32 s12, $0x3;
	s13 =	sor.u32 s15, s13;
	[dreg:$0xe] =	wrdreg s20  }
0x1f: {  	s15 =	sshll.u32 s11, $0xE;
	[dreg:$0x10] =	wrdreg s9;
	s12 =	sadd.s32 s4, s12  }
0x20: {  	s10 =	sor.u32 s10, s13;
	s13 =	sadd.s32 $0x1000, s18;
	[dreg:$0x6] =	wrdreg s12  }
0x21: {  	s8 =	sadd.s32 s15, s8;
	s5 =	sadd.s32 s19, s5;
	[dreg:$0xc] =	wrdreg s13  }
0x22: {  	s12 =	sadd.s32 $0x10, s22;
	s10 =	sshrl.u32 s10, $0x3;
	[dreg:$0xd] =	wrdreg s8  }
0x23: {  	s22 =	sadd.s32 $0x2000, s18;
	s8 =	sadd.s32 s11, s21;
	[dreg:$0x7] =	wrdreg s12  }
0x24: {  	s5 =	sadd.s32 s24, s5;
	[dreg:$0xf] =	wrdreg s22;
	s8 =	sshll.u32 s8, $0x4  }
0x25: {  	s10 =	sadd.s32 s4, s10;
	[dreg:$0x11] =	wrdreg s5;
	s0 =	sadd.s32 s0, s8  }
0x26: {  	s7 =	simm.s32 $0x4;
	[dreg:$0x8] =	wrdreg s10;
	s25 =	sadd.s32 $0x5030, s0  }
0x27: {  	s24 =	simm.s32 $0x5;
	s0 =	sadd.s32 $0x5020, s0;
	[dreg:$0x12] =	wrdreg s25  }
0x28: {  	v0 =	vimm.f32 $0.0e+00;
	s8 =	simm.s32 $0x0;
	[dreg:$0x13] =	wrdreg s0;
	s0 =	simm.s32 $0x2  }
.LBB2_1:
0x29: {  	s5 =	simm.s32 $0x40;
	s9 =	simm.s32 $0x0  }
.LBB2_2:
0x2a: {  	p1 =	sne.s32 s5, $0x1FC0;
	[tilespmem:s9+$0x1100] =	vst v0;
	s9 =	smov.u32 s5;
	s5 =	sadd.s32 $0x40, s5  }
.Ltmp0:
0x2b: {  	(pc) =	sbr.rel @p1 .LBB2_2-.Ltmp0, $2  }
0x2c: {  	_ =	sdelay $0x2  }
0x2d: {  	s9 =	sshra.s32 s9, $0x2  }
0x2e: {  	[tilespmem:s9+$0x1100] =	vst v0;
	s5 =	rddreg [dreg:$0x4];
	s14 =	simm.s32 $0x1100  }
0x2f: {  	[spmem:s5] =	stream.linear.scatter [tilespmem:s14], [sflag:$0x5], $0x800, $0x38;
	[tilespmem:$0x4100] =	vst v63  }
0x30: {  	_ =	swait.ge [sflag:s24], $0x800  }
0x31: {  	[sflag:s24] =	ssyncset.done $0x0  }
0x32: {  	s15 =	rddreg [dreg:$0xb];
	[sflag:s24] =	ssyncadd.s32 $0xFFFFF800  }
0x33: {  	[spmem:s15] =	stream.linear.scatter [tilespmem:s14], [sflag:$0x5], $0x800, $0x38;
	[tilespmem:$0x4100] =	vst v63  }
0x34: {  	_ =	swait.ge [sflag:s24], $0x800  }
0x35: {  	[sflag:s24] =	ssyncset.done $0x0  }
0x36: {  	s16 =	rddreg [dreg:$0xc];
	[sflag:s24] =	ssyncadd.s32 $0xFFFFF800  }
0x37: {  	[spmem:s16] =	stream.linear.scatter [tilespmem:s14], [sflag:$0x5], $0x800, $0x38;
	[tilespmem:$0x4100] =	vst v63  }
0x38: {  	_ =	swait.ge [sflag:s24], $0x800  }
0x39: {  	[sflag:s24] =	ssyncset.done $0x0  }
0x3a: {  	s18 =	rddreg [dreg:$0xe];
	[sflag:s24] =	ssyncadd.s32 $0xFFFFF800  }
0x3b: {  	[spmem:s18] =	stream.linear.scatter [tilespmem:s14], [sflag:$0x5], $0x800, $0x38;
	[tilespmem:$0x4100] =	vst v63  }
0x3c: {  	_ =	swait.ge [sflag:s24], $0x800  }
0x3d: {  	[sflag:s24] =	ssyncset.done $0x0  }
0x3e: {  	s19 =	rddreg [dreg:$0xf];
	[sflag:s24] =	ssyncadd.s32 $0xFFFFF800  }
0x3f: {  	[spmem:s19] =	stream.linear.scatter [tilespmem:s14], [sflag:$0x5], $0x800, $0x38;
	[tilespmem:$0x4100] =	vst v63  }
0x40: {  	_ =	swait.ge [sflag:s24], $0x800  }
0x41: {  	[sflag:s24] =	ssyncset.done $0x0  }
0x42: {  	[sflag:s24] =	ssyncadd.s32 $0xFFFFF800  }
0x43: {  	[bflag:$0x0] =	sbarrier.arrive $0xFFFF  }
0x44: {  	s20 =	simm.s32 $0x0;
	s21 =	rddreg [dreg:$0x5]  }
0x45: {  	[tilespmem:s20], [sflag:$0x1] =	stream.linear.gather [hbm4b:s21+s20], $0x80, $0x38;
	[tilespmem:$0x4100] =	vst v63  }
0x46: {  	s10 =	simm.s32 $0x10;
	s22 =	rddreg [dreg:$0x6]  }
0x47: {  	[tilespmem:s29], [sflag:$0x1] =	stream.strided.gather [hbm4b:s22+s10], $0x800, s28, s10, $0x38;
	[tilespmem:$0x4100] =	vst v63  }
0x48: {  	s26 =	sadd.s32 $0x0, s17;
	s23 =	rddreg [dreg:$0x7]  }
0x49: {  	[tilespmem:s28], [sflag:$0x2] =	stream.linear.gather [hbm4b:s23+s20], $0x80, $0x38;
	[tilespmem:$0x4100] =	vst v63  }
0x4a: {  	s5 =	sadd.s32 $0x503, s26;
	s16 =	sadd.s32 $0x502, s26;
	s25 =	rddreg [dreg:$0x8]  }
0x4b: {  	[tilespmem:s30], [sflag:$0x2] =	stream.strided.gather [hbm4b:s25+s10], $0x800, s28, s10, $0x38;
	[tilespmem:$0x4100] =	vst v63  }
0x4c: {  	p1 =	sge.u32 s5, s6;
	p2 =	sge.u32 s16, s6;
	_ =	swait.ge [sflag:s31], $0x80  }
0x4d: {  	s5 =	sadd.s32 @!p2 $0x0, s17;
	[sflag:s31] =	ssyncset.done $0x0;
	s22 =	rddreg [dreg:$0x13]  }
0x4e: {  	s5 =	sadd.s32 @!p2 $0x2, s5;
	s19 =	rddreg [dreg:$0x11];
	[sflag:s31] =	ssyncadd.s32 $0xFFFFFF80  }
0x4f: {  	s5 =	sshrl.u32 @!p2 s5, $0x1;
	s20 =	rddreg [dreg:$0x12];
	_ =	swait.ge [sflag:s31], $0x800  }
0x50: {  	s9 =	simm.s32 $0x2;
	s5 =	sand.u32 @!p2 $0x70, s5;
	[sflag:s31] =	ssyncset.done $0x0  }
0x51: {  	s25 =	simm.s32 @!p2 $0x80;
	s10 =	sadd.s32 $0x20, s22;
	[sflag:s31] =	ssyncadd.s32 $0xFFFFF800  }
0x52: {  	[spmem:s1] =	stream.indirect.scatter.add.f32 [tilespmem:s29], [sflag:$0x3], $0x10, s3, s28, $0xb8;
	[tilespmem:$0x4100] =	vst v63  }
0x53: {  	s11 =	sadd.s32 $0x1000, s19;
	s15 =	rddreg [dreg:$0x10];
	_ =	swait.ge [sflag:s0], $0x80  }
0x54: {  	s12 =	sadd.s32 $0x20, s20;
	s14 =	rddreg [dreg:$0xd];
	[sflag:s0] =	ssyncset.done $0x0  }
0x55: {  	s18 =	sadd.s32 @!p2 $0x1000, s19;
	s16 =	sadd.s32 @!p2 $0x8000, s14;
	[sflag:s0] =	ssyncadd.s32 $0xFFFFFF80  }
0x56: {  	s18 =	sand.u32 @!p2 $0xFFF80000, s18;
	s16 =	sand.u32 @!p2 $0x7C000, s16;
	_ =	swait.ge [sflag:s0], $0x800  }
0x57: {  	s13 =	sadd.s32 $0x1, s15;
	s16 =	sor.u32 @!p2 s16, s18;
	[sflag:s0] =	ssyncset.done $0x0  }
0x58: {  	s18 =	sadd.s32 @!p1 $0x1800, s19;
	s19 =	simm.s32 @!p2 $0x10;
	s5 =	sor.u32 @!p2 s5, s16  }
0x59: {  	[sflag:s0] =	ssyncadd.s32 $0xFFFFF800;
	s16 =	sadd.s32 @!p1 $0xC000, s14;
	s21 =	sand.u32 @!p1 $0xFFF80000, s18  }
0x5a: {  	[spmem:s1] =	stream.indirect.scatter.add.f32 [tilespmem:s30], [sflag:$0x4], $0x10, s28, s28, $0xb8;
	[tilespmem:$0x4100] =	vst v63  }
0x5b: {  	s18 =	sand.u32 @!p1 $0x70, s15;
	s5 =	sshrl.u32 @!p2 s5, $0x3;
	_ =	swait.ge [sflag:s2], $0x800  }
0x5c: {  	s16 =	sand.u32 @!p1 $0x7C000, s16;
	s26 =	sadd.s32 @!p2 s4, s5;
	[sflag:s2] =	ssyncset.done $0x0  }
0x5d: {  	s5 =	simm.s32 @!p2 $0x0;
	s16 =	sor.u32 @!p1 s16, s21;
	[sflag:s2] =	ssyncadd.s32 $0xFFFFF800  }
0x5e: {  	[tilespmem:s5], [sflag:$0x1] =	stream.linear.gather @!p2 [hbm4b:s22+s5], $0x80, $0x38;
	[tilespmem:$0x4100] =	vst v63  }
0x5f: {  	s21 =	smov.u32 s20;
	s5 =	sadd.s32 $0x8000, s14;
	s22 =	simm.s32 @!p2 $0x100  }
.LBB2_4:
0x60: {  	s14 =	simm.s32 @!p1 $0x0;
	s23 =	simm.s32 @!p1 $0x80;
	s18 =	sor.u32 @!p1 s18, s16  }
0x61: {  	s15 =	smov.u32 s9;
	s16 =	smov.u32 s10;
	s20 =	smov.u32 s11  }
0x62: {  	[tilespmem:s22], [sflag:$0x1] =	stream.strided.gather @!p2 [hbm4b:s26+s19], $0x800, s25, s19, $0x38;
	[tilespmem:$0x4100] =	vst v63  }
0x63: {  	s18 =	sshrl.u32 @!p1 s18, $0x3;
	s19 =	simm.s32 @!p1 $0x900;
	_ =	swait.ge [sflag:s7], $0x800  }
0x64: {  	s25 =	simm.s32 @!p1 $0x10;
	s22 =	sadd.s32 @!p1 s4, s18;
	[sflag:s7] =	ssyncset.done $0x0  }
0x65: {  	s9 =	sadd.s32 $0x2, s9;
	s18 =	smov.u32 s13;
	[sflag:s7] =	ssyncadd.s32 $0xFFFFF800  }
0x66: {  	[tilespmem:s23], [sflag:$0x2] =	stream.linear.gather @!p1 [hbm4b:s21+s14], $0x80, $0x38;
	[tilespmem:$0x4100] =	vst v63  }
0x67: {  	p3 =	sne.s32 s9, $0x26;
	s21 =	smov.u32 s12  }
0x68: {  	[tilespmem:s19], [sflag:$0x2] =	stream.strided.gather @!p1 [hbm4b:s22+s25], $0x800, s23, s25, $0x38;
	[tilespmem:$0x4100] =	vst v63  }
0x69: {  	s10 =	sadd.s32 $0x20, s10;
	s11 =	sadd.s32 $0x1000, s11;
	_ =	swait.ge [sflag:s31], $0x80  }
0x6a: {  	s12 =	sadd.s32 $0x20, s12;
	s14 =	sadd.s32 s15, s17;
	[sflag:s31] =	ssyncset.done $0x0  }
0x6b: {  	s13 =	sadd.s32 $0x1, s13;
	s19 =	sadd.s32 $0x502, s14;
	[sflag:s31] =	ssyncadd.s32 $0xFFFFFF80  }
0x6c: {  	s14 =	sadd.s32 $0x503, s14;
	p2 =	sge.u32 s19, s6;
	_ =	swait.ge [sflag:s31], $0x800  }
0x6d: {  	p1 =	sge.u32 s14, s6;
	s14 =	sadd.s32 @!p2 s15, s17;
	[sflag:s31] =	ssyncset.done $0x0  }
0x6e: {  	s15 =	sadd.s32 @!p2 $0x8000, s5;
	s19 =	sadd.s32 @!p2 $0x1000, s20;
	[sflag:s31] =	ssyncadd.s32 $0xFFFFF800  }
0x6f: {  	[spmem:s1] =	stream.indirect.scatter.add.f32 [tilespmem:s29], [sflag:$0x3], $0x10, s3, s28, $0xb8;
	[tilespmem:$0x4100] =	vst v63  }
0x70: {  	s14 =	sadd.s32 @!p2 $0x2, s14;
	s15 =	sand.u32 @!p2 $0x7C000, s15;
	_ =	swait.ge [sflag:s0], $0x80  }
0x71: {  	s19 =	sand.u32 @!p2 $0xFFF80000, s19;
	s14 =	sshrl.u32 @!p2 s14, $0x1;
	[sflag:s0] =	ssyncset.done $0x0  }
0x72: {  	s15 =	sor.u32 @!p2 s15, s19;
	s14 =	sand.u32 @!p2 $0x70, s14;
	[sflag:s0] =	ssyncadd.s32 $0xFFFFFF80  }
0x73: {  	s19 =	sadd.s32 @!p1 $0x1800, s20;
	s14 =	sor.u32 @!p2 s14, s15;
	_ =	swait.ge [sflag:s0], $0x800  }
0x74: {  	s15 =	sadd.s32 @!p1 $0xC000, s5;
	s14 =	sshrl.u32 @!p2 s14, $0x3;
	[sflag:s0] =	ssyncset.done $0x0  }
0x75: {  	s15 =	sand.u32 @!p1 $0x7C000, s15;
	s26 =	sadd.s32 @!p2 s4, s14;
	[sflag:s0] =	ssyncadd.s32 $0xFFFFF800  }
0x76: {  	[spmem:s1] =	stream.indirect.scatter.add.f32 [tilespmem:s30], [sflag:$0x4], $0x10, s28, s28, $0xb8;
	[tilespmem:$0x4100] =	vst v63  }
.Ltmp1:
0x77: {  	s14 =	sand.u32 @!p1 $0xFFF80000, s19;
	_ =	swait.ge [sflag:s2], $0x800;
	(pc) =	sbr.rel @p3 .LBB2_4-.Ltmp1, $4  }
0x78: {  	s25 =	simm.s32 @!p2 $0x80;
	s5 =	sadd.s32 $0x8000, s5;
	[sflag:s2] =	ssyncset.done $0x0  }
0x79: {  	s18 =	sand.u32 @!p1 $0x70, s18;
	s19 =	simm.s32 @!p2 $0x0;
	[sflag:s2] =	ssyncadd.s32 $0xFFFFF800  }
0x7a: {  	[tilespmem:s19], [sflag:$0x1] =	stream.linear.gather @!p2 [hbm4b:s16+s19], $0x80, $0x38;
	[tilespmem:$0x4100] =	vst v63  }
0x7b: {  	s22 =	simm.s32 @!p2 $0x100;
	s19 =	simm.s32 @!p2 $0x10;
	s16 =	sor.u32 @!p1 s15, s14  }
0x7c: {  	[tilespmem:s22], [sflag:$0x1] =	stream.strided.gather @!p2 [hbm4b:s26+s19], $0x800, s25, s19, $0x38;
	[tilespmem:$0x4100] =	vst v63  }
0x7d: {  	_ =	swait.ge [sflag:s7], $0x800  }
0x7e: {  	s5 =	simm.s32 @!p1 $0x0;
	s9 =	sor.u32 @!p1 s18, s16;
	[sflag:s7] =	ssyncset.done $0x0  }
0x7f: {  	s10 =	simm.s32 @!p1 $0x80;
	s9 =	sshrl.u32 @!p1 s9, $0x3;
	[sflag:s7] =	ssyncadd.s32 $0xFFFFF800  }
0x80: {  	[tilespmem:s10], [sflag:$0x2] =	stream.linear.gather @!p1 [hbm4b:s21+s5], $0x80, $0x38;
	[tilespmem:$0x4100] =	vst v63  }
0x81: {  	s11 =	simm.s32 @!p1 $0x10;
	s9 =	sadd.s32 @!p1 s4, s9;
	s5 =	simm.s32 @!p1 $0x900  }
0x82: {  	[tilespmem:s5], [sflag:$0x2] =	stream.strided.gather @!p1 [hbm4b:s9+s11], $0x800, s10, s11, $0x38;
	[tilespmem:$0x4100] =	vst v63  }
0x83: {  	s5 =	simm.s32 @!p0 $0x1  }
0x84: {  	_ =	swait.ge @!p0 [sflag:s5], $0x80  }
0x85: {  	[sflag:s5] =	ssyncset.done @!p0 $0x0  }
0x86: {  	[sflag:s5] =	ssyncadd.s32 @!p0 $0xFFFFFF80  }
0x87: {  	_ =	swait.ge @!p0 [sflag:s5], $0x800  }
0x88: {  	s9 =	simm.s32 @!p0 $0x0;
	[sflag:s5] =	ssyncset.done @!p0 $0x0  }
0x89: {  	s10 =	simm.s32 @!p0 $0x100;
	[sflag:s5] =	ssyncadd.s32 @!p0 $0xFFFFF800;
	s5 =	simm.s32 @!p0 $0x80  }
0x8a: {  	[spmem:s1] =	stream.indirect.scatter.add.f32 @!p0 [tilespmem:s10], [sflag:$0x3], $0x10, s9, s5, $0xb8;
	[tilespmem:$0x4100] =	vst v63  }
0x8b: {  	s5 =	simm.s32 @!p0 $0x3  }
0x8c: {  	_ =	swait.ge @!p0 [sflag:s5], $0x800  }
0x8d: {  	[sflag:s5] =	ssyncset.done @!p0 $0x0  }
0x8e: {  	[sflag:s5] =	ssyncadd.s32 @!p0 $0xFFFFF800  }
0x8f: {  	s22 =	stileid.u32;
	[bflag:$0x0] =	sbarrier.arrive $0xFFFF  }
0x90: {  	s5 =	sshll.u32 s22, $0x6;
	s23 =	rddreg [dreg:$0x9]  }
0x91: {  	s5 =	sor.u32 $0x1C05, s5;
	s25 =	rddreg [dreg:$0x14]  }
0x92: {  	[hbm:s23], [sflag:s5] =	dma.local [spmem:s25], $0x500  }
0x93: {  	_ =	swait.ge [sflag:s24], $0x500  }
0x94: {  	s8 =	sadd.s32 $0x1, s8;
	s26 =	rddreg [dreg:$0xa]  }
0x95: {  	p1 =	sne.s32 s8, s26  }
.Ltmp2:
0x96: {  	_ = 	snop;
	(pc) =	sbr.rel @p1 .LBB2_1-.Ltmp2, $3  }
0x97: {  	_ =	sdelay $0x1  }
0x98: {  	[sflag:s24] =	ssyncset.done $0x0  }
0x99: {  	[sflag:s24] =	ssyncadd.s32 $0xFFFFFB00  }
0x9a: {  	_ =	sfence.sel $0x180000  }
0x9b: {  	[bflag:$0x0] =	sbarrier.arrive $0xFFFF  }
0x9c: {  	_ =	strace $0x90000047  }
0x9d: {  	s0 =	stileid.u32;
	[bflag:$0x2] =	sbarrier.arrive $0xFFFF  }
0x9e: {  	p0 =	sne.s32 s0, $0x0;
	s0 =	rddreg [dreg:$0x3]  }
0x9f: {  	s0 =	sadd.s32 @!p0 $0x100000, s0  }
0xa0: {  	[sflag:s0] =	ssyncadd.tile.s32 @!p0 $0x1;
	_ =	shalt  }
.Lfunc_end2:
_tile_overlayer_lowered:
.L_overlay_start_2:
0xa1: {  	(tag) =	ssettag $0x2  }
0xa2: {  	s0 =	rddreg [dreg:$0x0];
	s2 =	stileid.u32  }
0xa3: {  	s1 =	rddreg [dreg:$0x1];
	p0 =	sne.s32 s2, $0x0  }
0xa4: {  	s3 =	rddreg [dreg:$0x2];
	[bflag:$0x3] =	sbarrier.arrive $0xFFFF;
	s2 =	simm.s32 @!p0 $0x1C05  }
0xa5: {  	[timem:s3], [sflag:s2] =	dma.local @!p0 [hbm:s0], s1  }
0xa6: {  	s0 =	simm.s32 @!p0 $0x5  }
0xa7: {  	_ =	swait.ge @!p0 [sflag:s0], s1  }
0xa8: {  	s1 =	ssub.s32 @!p0 $0x0, s1;
	[sflag:s0] =	ssyncset.done @!p0 $0x0  }
0xa9: {  	[sflag:s0] =	ssyncadd.s32 @!p0 s1  }
0xaa: {  	[bflag:$0x3] =	sbarrier.arrive $0xFFFF  }
0xab: {  	_ =	shalt  }

// kernel: kernel.8.cloned.1.call-start
scs
__scs_entry_jumppad:
0x0: {  	(pc) =	sbr.rel $0x88, $3  }
0x1: {  	(tag) =	ssettag $0x0;
	lr =	simm.s32 $0x1  }
0x2: {  	[smem:$0x3F98] =	sst lr;
	_ =	strace $0xD0000000  }
0x3: {  	_ = 	snop  }
0x4: {  	_ = 	snop  }
0x5: {  	_ = 	snop  }
0x6: {  	_ = 	snop  }
0x7: {  	_ = 	snop  }
__scs_overlays_trampoline_lowered:
0x8: {  	[smem:$0x3FA7] =	sst s0  }
0x9: {  	[smem:$0x3FA8] =	sst s1  }
0xa: {  	[smem:$0x3FA9] =	sst s2  }
0xb: {  	[smem:$0x3FAA] =	sst s3  }
0xc: {  	[smem:$0x3FAB] =	sst s4  }
0xd: {  	[smem:$0x3FAC] =	sst s5  }
0xe: {  	[smem:$0x3FAD] =	sst s6  }
0xf: {  	[smem:$0x3FAE] =	sst s7  }
0x10: {  	[smem:$0x3FAF] =	sst s8  }
0x11: {  	[smem:$0x3FB0] =	sst s9;
	s0 =	simm.s32 @!p0 $0x0  }
0x12: {  	s1 =	sld [smem:$0x3F96];
	s0 =	simm.s32 @p0 $0x1  }
0x13: {  	[smem:$0x3FB1] =	sst s0;
	s0 =	simm.s32 @!p1 $0x0  }
0x14: {  	s2 =	sld [smem:$0x3F95];
	s0 =	simm.s32 @p1 $0x1  }
0x15: {  	[smem:$0x3FB2] =	sst s0;
	s0 =	simm.s32 @!p2 $0x0  }
0x16: {  	s3 =	sld [smem:$0x3FDB];
	s0 =	simm.s32 @p2 $0x1  }
0x17: {  	s4 =	simm.s32 $0x1BF5;
	[smem:$0x3FB4] =	sst s0  }
0x18: {  	s0 =	sld [smem:$0x3F97];
	_ =	swait.ge [sflag:s4], $0x0  }
0x19: {  	s7 =	sld [smem:$0x3F98]  }
0x1a: {  	s8 =	sadd.s32 $0xFFFFE003, lr  }
0x1b: {  	s9 =	sadd.s32 $0xFFFFFEF7, lr;
	s5 =	simm.s32 $0xFFFFFFFF;
	p2 =	slt.u32 s8, $0xFFFFF086  }
0x1c: {  	p1 =	slt.u32 s9, $0xF7A;
	s5 =	simm.s32 @!p2 $0x0  }
0x1d: {  	s5 =	simm.s32 @p1 $0x1;
	p0 =	seq.s32 s7, s2  }
0x1e: {  	s7 =	smul.u32 @!p0 $0xF7A, s2;
	p2 =	seq.s32 @!p0 s5, $0x0  }
0x1f: {  	s9 =	smul.u32 $0xF7A, s1;
	s8 =	simm.s32 @!p0 $0x1BF5;
	p2 =	por !p2, p0  }
0x20: {  	[sflag:s8] =	ssyncset.s32 @!p0 $0xFFFFF086;
	s6 =	sadd.s32 @!p0 s3, s7;
	s7 =	simm.s32 @!p0 $0x108  }
0x21: {  	s3 =	sadd.s32 s3, s9;
	s6 =	sadd.s32 @!p0 $0x88, s6;
	s7 =	simm.s32 @p2 $0x1082  }
0x22: {  	[simem:s7], [sflag:s8] =	dma.local @!p0 [hbm:s6], $0xF7A  }
0x23: {  	s9 =	sor.u32 $0xD0000000, s2;
	s6 =	simm.s32 $0x108;
	_ =	swait.ge @!p0 [sflag:s8], $0x0  }
0x24: {  	s3 =	sadd.s32 $0x88, s3;
	s6 =	simm.s32 @!p1 $0x1082;
	[sflag:s4] =	ssyncset.s32 $0xFFFFF086  }
0x25: {  	[simem:s6], [sflag:s4] =	dma.local [hbm:s3], $0xF7A  }
0x26: {  	[smem:$0x3F98] =	sst s1;
	(tag) =	ssettag s2;
	_ =	strace s9  }
0x27: {  	s1 =	sld [smem:$0x3FA8]  }
0x28: {  	s2 =	sld [smem:$0x3FA9]  }
0x29: {  	s4 =	sld [smem:$0x3FAB]  }
0x2a: {  	p0 =	seq.s32 s5, $0x0;
	s5 =	sld [smem:$0x3FAC]  }
0x2b: {  	s6 =	sld [smem:$0x3FAD]  }
0x2c: {  	s7 =	sld [smem:$0x3FAE]  }
0x2d: {  	s3 =	simm.s32 $0x108;
	s8 =	sld [smem:$0x3FAF]  }
0x2e: {  	s3 =	simm.s32 @!p0 $0x1082;
	s9 =	sld [smem:$0x3FB0]  }
0x2f: {  	lr =	sadd.s32 s0, s3;
	s0 =	sld [smem:$0x3FA7]  }
0x30: {  	s3 =	sld [smem:$0x3FAA]  }
0x31: {  	[smem:$0x3FB3] =	sst s10  }
0x32: {  	s10 =	sld [smem:$0x3FB1];
	_ =	sdelay $0x3  }
0x33: {  	p0 =	seq.s32 s10, $0x1;
	s10 =	sld [smem:$0x3FB3];
	_ =	sdelay $0x3  }
0x34: {  	[smem:$0x3FB3] =	sst s10  }
0x35: {  	s10 =	sld [smem:$0x3FB2];
	_ =	sdelay $0x3  }
0x36: {  	p1 =	seq.s32 s10, $0x1;
	s10 =	sld [smem:$0x3FB3];
	_ =	sdelay $0x3  }
0x37: {  	[smem:$0x3FB3] =	sst s10  }
0x38: {  	s10 =	sld [smem:$0x3FB4]  }
0x39: {  	_ = 	snop;
	(pc) =	sbr.ind lr, $3  }
0x3a: {  	_ = 	snop  }
0x3b: {  	_ = 	snop  }
0x3c: {  	p2 =	seq.s32 s10, $0x1;
	s10 =	sld [smem:$0x3FB3]  }
0x3d: {  	_ =	shalt  }
0x3e: {  	_ =	shalt  }
0x3f: {  	_ =	shalt  }
0x40: {  	_ =	shalt  }
0x41: {  	_ =	shalt  }
0x42: {  	_ =	shalt  }
0x43: {  	_ =	shalt  }
0x44: {  	_ =	shalt  }
0x45: {  	_ =	shalt  }
0x46: {  	_ =	shalt  }
0x47: {  	_ =	shalt  }
0x48: {  	_ =	shalt  }
0x49: {  	_ =	shalt  }
0x4a: {  	_ =	shalt  }
0x4b: {  	_ =	shalt  }
0x4c: {  	_ =	shalt  }
0x4d: {  	_ =	shalt  }
0x4e: {  	_ =	shalt  }
0x4f: {  	_ =	shalt  }
0x50: {  	_ =	shalt  }
0x51: {  	_ =	shalt  }
0x52: {  	_ =	shalt  }
0x53: {  	_ =	shalt  }
0x54: {  	_ =	shalt  }
0x55: {  	_ =	shalt  }
0x56: {  	_ =	shalt  }
0x57: {  	_ =	shalt  }
0x58: {  	_ =	shalt  }
0x59: {  	_ =	shalt  }
0x5a: {  	_ =	shalt  }
0x5b: {  	_ =	shalt  }
0x5c: {  	_ =	shalt  }
0x5d: {  	_ =	shalt  }
0x5e: {  	_ =	shalt  }
0x5f: {  	_ =	shalt  }
0x60: {  	_ =	shalt  }
0x61: {  	_ =	shalt  }
0x62: {  	_ =	shalt  }
0x63: {  	_ =	shalt  }
0x64: {  	_ =	shalt  }
0x65: {  	_ =	shalt  }
0x66: {  	_ =	shalt  }
0x67: {  	_ =	shalt  }
0x68: {  	_ =	shalt  }
0x69: {  	_ =	shalt  }
0x6a: {  	_ =	shalt  }
0x6b: {  	_ =	shalt  }
0x6c: {  	_ =	shalt  }
0x6d: {  	_ =	shalt  }
0x6e: {  	_ =	shalt  }
0x6f: {  	_ =	shalt  }
0x70: {  	_ =	shalt  }
0x71: {  	_ =	shalt  }
0x72: {  	_ =	shalt  }
0x73: {  	_ =	shalt  }
0x74: {  	_ =	shalt  }
0x75: {  	_ =	shalt  }
0x76: {  	_ =	shalt  }
0x77: {  	_ =	shalt  }
0x78: {  	_ =	shalt  }
0x79: {  	_ =	shalt  }
0x7a: {  	_ =	shalt  }
0x7b: {  	_ =	shalt  }
0x7c: {  	_ =	shalt  }
0x7d: {  	_ =	shalt  }
0x7e: {  	_ =	shalt  }
0x7f: {  	_ =	shalt  }
0x80: {  	_ =	shalt  }
0x81: {  	_ =	shalt  }
0x82: {  	_ =	shalt  }
0x83: {  	_ =	shalt  }
0x84: {  	_ =	shalt  }
0x85: {  	_ =	shalt  }
0x86: {  	_ =	shalt  }
0x87: {  	_ =	shalt  }
.Lfunc_end0:
.L_simem_size_0:
called_computation_lowered:
.L_overlay_start_0:
0x88: {  	s2 =	sld [smem:$0x3FD9]  }
0x89: {  	s3 =	sld [smem:$0x3FFE];
	_ =	sdelay $0x1  }
0x8a: {  	s1 =	srdreg.scid  }
0x8b: {  	s0 =	sand.u32 $0x1, s1  }
0x8c: {  	s17 =	sshll.u32 s0, $0xA;
	s2 =	sadd.s32 s3, s2  }
0x8d: {  	s2 =	sadd.s32 s2, s17  }
0x8e: {  	[smem:$0x3FBF] =	sst s2  }
0x8f: {  	_ = 	snop  }
0x90: {  	s18 =	sld [smem:$0x3FD0];
	(tm) =	ssettm $0x1  }
0x91: {  	s19 =	sld [smem:$0x3FFB];
	_ =	sdelay $0x3  }
0x92: {  	_ =	strace s19  }
0x93: {  	s2 =	sld [smem:$0x3FFC];
	_ =	sdelay $0x3  }
0x94: {  	_ =	strace s2  }
0x95: {  	s2 =	sld [smem:$0x3FFD];
	_ =	sdelay $0x3  }
0x96: {  	_ =	strace s2  }
0x97: {  	_ =	strace $0x8FFFFFFF  }
0x98: {  	s20 =	sld [smem:$0x3FDB];
	_ =	sdelay $0x1  }
0x99: {  	s4 =	simm.s32 $_scs_section_size  }
0x9a: {  	s5 =	simm.s32 $_size__tile_overlayer_lowered;
	s6 =	simm.s32 $_tile_overlayer_lowered  }
0x9b: {  	s7 =	simm.s32 $0x1BFF;
	s21 =	sshll.u32 s6, $0x1;
	s4 =	sadd.s32 s4, s20  }
0x9c: {  	s22 =	simm.s32 $0x0;
	s5 =	sshll.u32 s5, $0x1;
	s6 =	sadd.s32 s21, s4  }
0x9d: {  	[timem:s22], [sflag:s7] =	dma.local [hbm:s6], s5  }
0x9e: {  	_ =	swait.ge [sflag:s7], s5  }
0x9f: {  	s5 =	ssub.s32 $0x0, s5;
	[sflag:s7] =	ssyncset.done $0x0  }
0xa0: {  	[sflag:s7] =	ssyncadd.s32 s5;
	_ =	sdelay $0x1  }
0xa1: {  	s23 =	simm.s32 $0x1B8B  }
0xa2: {  	_ =	swait.ge [sflag:s23], $0x1  }
0xa3: {  	[sflag:s23] =	ssyncset.done $0x0  }
0xa4: {  	[sflag:s23] =	ssyncadd.s32 $0xFFFFFFFF  }
0xa5: {  	s5 =	sld [smem:$0x0]  }
0xa6: {  	s6 =	sand.u32 $0xFFFFFFFE, s1  }
0xa7: {  	p0 =	sne.s32 s1, s6  }
0xa8: {  	s6 =	sshll.u32 @p0 s6, $0xE  }
0xa9: {  	s6 =	sadd.s32 @p0 $0x11B8D, s6;
	s7 =	sshll.u32 @p0 s5, $0x11  }
0xaa: {  	s6 =	sor.u32 @p0 s7, s6  }
0xab: {  	[sflag:s6] =	ssyncadd.remote.s32 @p0 $0x1;
	_ =	sdelay $0x1  }
0xac: {  	s6 =	simm.s32 @p0 $0x1B8D  }
0xad: {  	_ =	swait.eq @p0 [sflag:s6], $0x1  }
0xae: {  	[sflag:s6] =	ssyncadd.s32 @p0 $0xFFFFFFFF  }
0xaf: {  	s7 =	sshll.u32 @!p0 s1, $0xE  }
0xb0: {  	s7 =	sor.u32 @!p0 $0x4000, s7;
	s6 =	simm.s32 @!p0 $0x1B8D  }
0xb1: {  	s5 =	sshll.u32 @!p0 s5, $0x11;
	s7 =	sadd.s32 @!p0 $0x11B8D, s7;
	_ =	swait.eq @!p0 [sflag:s6], $0x1  }
0xb2: {  	s5 =	sor.u32 @!p0 s5, s7;
	[sflag:s6] =	ssyncadd.s32 @!p0 $0xFFFFFFFF  }
0xb3: {  	s25 =	simm.s32 $0x1B8E;
	s24 =	sld [smem:$0x3FFE];
	[sflag:s5] =	ssyncadd.remote.s32 @!p0 $0x1  }
0xb4: {  	s26 =	simm.s32 $execute0_lowered;
	[smem:$0x3FD2] =	sst s25  }
0xb5: {  	s6 =	sshll.u32 s26, $0x1;
	_ =	strace $0x80000049;
	[dreg:$0x1] =	wrdreg $0xFFFFFFFF  }
0xb6: {  	s28 =	simm.s32 $_size_execute0_lowered;
	s4 =	sadd.s32 s4, s6;
	[dreg:$0x0] =	wrdreg $0x0  }
0xb7: {  	s6 =	sshll.u32 s28, $0x1;
	[dreg:$0x2] =	wrdreg s4  }
0xb8: {  	[dreg:$0x3] =	wrdreg s6  }
0xb9: {  	[dreg:$0x4] =	wrdreg $0xC0  }
0xba: {  	_ =	task [dreg:s22], $0x5FFFF  }
0xbb: {  	[dreg:$0x1] =	wrdreg $0xFFFFFFFF  }
0xbc: {  	[dreg:$0x0] =	wrdreg $0x60  }
0xbd: {  	[dreg:$0x2] =	wrdreg s24  }
0xbe: {  	[dreg:$0x3] =	wrdreg s18  }
0xbf: {  	[dreg:$0x4] =	wrdreg $0x19000  }
0xc0: {  	[dreg:$0x5] =	wrdreg $0x9  }
0xc1: {  	_ =	task.clear_ibuf [dreg:s22], $0x6FFFF;
	_ =	strace $0x90000049  }
0xc2: {  	s29 =	simm.s32 $0x9;
	_ =	strace $0x8000004B  }
0xc3: {  	_ =	swait.ge [sflag:s29], $0x1  }
0xc4: {  	[sflag:s29] =	ssyncadd.s32 $0xFFFFFFFF  }
0xc5: {  	_ =	strace $0x9000004B  }
0xc6: {  	_ =	sfence  }
0xc7: {  	s30 =	sld [smem:$0x0];
	_ =	sdelay $0x2  }
0xc8: {  	s31 =	sshll.u32 s1, $0xD;
	s1 =	sshrl.u32 s1, $0x2  }
0xc9: {  	s4 =	sand.u32 $0x4000, s31;
	s1 =	sadd.s32 s1, s30  }
0xca: {  	s0 =	sor.u32 s4, s0;
	s1 =	sshll.u32 s1, $0x11  }
0xcb: {  	s0 =	sor.u32 s1, s0  }
0xcc: {  	s0 =	sadd.s32 $0x8F2B, s0  }
0xcd: {  	[sflag:s0] =	ssyncadd.remote.s32 $0x1  }
0xce: {  	_ =	sfence.sel $0xFFFF  }
0xcf: {  	[dreg:$0x0] =	wrdreg $0xFFFFFFFF;
	(pc) =	sbr.abs _section_cstart, $3  }
0xd0: {  	[dreg:$0x1] =	wrdreg $0xFFFFFFFF  }
0xd1: {  	_ =	task.clear_ibuf [dreg:s22], $0x2FFFF;
	_ =	strace $0x9FFFFFFF  }
0xd2: {  	(tm) =	ssettm $0x7FFFFFFF  }
0xd3: {  	_ =	shalt  }
tec
execute0_lowered:
.L_overlay_start_1:
0x0: {  	(tag) =	ssettag $0x1  }
0x1: {  	s1 =	rddreg [dreg:$0x0]  }
0x2: {  	s0 =	rddreg [dreg:$0x1];
	s3 =	srdreg.scid  }
0x3: {  	s2 =	rddreg [dreg:$0x2];
	s15 =	stileid.u32  }
0x4: {  	s28 =	simm.s32 $0x100;
	s29 =	simm.s32 $0x900;
	s30 =	simm.s32 $0x1  }
0x5: {  	s31 =	simm.s32 $0x2;
	s5 =	sand.u32 $0x1, s3;
	s7 =	smul.u32 $0x2800, s15  }
0x6: {  	s3 =	simm.s32 $0x0;
	s4 =	sadd.s32 $0x5C400, s1;
	s9 =	smul.u32 $0xA000, s15  }
0x7: {  	s24 =	sshll.u32 s15, $0x11;
	s6 =	smul.u32 $0x28000, s5;
	s8 =	sshll.u32 s5, $0x4  }
0x8: {  	[smem:$0x7FF] =	sst s3;
	s21 =	ssub.s32 $0x2, s5;
	s8 =	sor.u32 s15, s8  }
0x9: {  	_ =	strace $0x8000004A;
	s10 =	sshrl.u32 s21, $0x1;
	s11 =	smul.u32 $0x14000, s8  }
0xa: {  	s9 =	sshrl.u32 s9, $0x2;
	s6 =	sadd.s32 s7, s6;
	s22 =	smul.u32 $0x28, s8  }
0xb: {  	s10 =	ssub.s32 s21, s10;
	s16 =	sadd.s32 s9, s2;
	s8 =	smul.u32 $0x280, s8  }
0xc: {  	s7 =	sadd.s32 s7, s2;
	s6 =	sshrl.u32 s6, $0x3;
	s17 =	sadd.s32 $0x800, s16  }
0xd: {  	s18 =	sadd.s32 $0x1000, s16;
	s19 =	sadd.s32 $0x1800, s16;
	[dreg:$0x6] =	wrdreg s16  }
0xe: {  	s20 =	sadd.s32 $0x2000, s16;
	s1 =	sadd.s32 s6, s1;
	[dreg:$0xd] =	wrdreg s17  }
0xf: {  	s23 =	sand.u32 $0x380000, s11;
	s11 =	sand.u32 $0x60000, s24;
	[dreg:$0xe] =	wrdreg s18  }
0x10: {  	s12 =	sshrl.u32 s22, $0x1;
	s13 =	sor.u32 $0x1, s22;
	[dreg:$0xf] =	wrdreg s19  }
0x11: {  	s6 =	sadd.s32 $0x28, s22;
	s8 =	sadd.s32 s0, s8;
	[dreg:$0x10] =	wrdreg s20  }
0x12: {  	s22 =	smul.u32 $0x140000, s5;
	s12 =	sand.u32 $0x70, s12;
	s11 =	sor.u32 s11, s23  }
0x13: {  	s14 =	sshll.u32 s13, $0xE;
	[dreg:$0x7] =	wrdreg s8;
	s26 =	sshll.u32 s13, $0x4  }
0x14: {  	s1 =	sadd.s32 $0xAC400, s1;
	s13 =	smul.u32 $0x28, s15;
	s14 =	sand.u32 $0x64000, s14  }
0x15: {  	s11 =	sor.u32 s12, s11;
	s9 =	sor.u32 s14, s23;
	s23 =	smul.u32 $0x14000, s15  }
0x16: {  	[dreg:$0xb] =	wrdreg s1;
	s9 =	sor.u32 s12, s9;
	s12 =	smul.u32 $0x280, s5  }
0x17: {  	s25 =	sshrl.u32 s11, $0x3;
	s14 =	smax.u32 s10, $0x1;
	s5 =	smul.u32 $0xA00000, s5  }
0x18: {  	s8 =	sadd.s32 s4, s25;
	[dreg:$0xc] =	wrdreg s14;
	s25 =	smul.u32 $0xA0000, s15  }
0x19: {  	[dreg:$0x8] =	wrdreg s8;
	s8 =	sadd.s32 s0, s26;
	s11 =	sshrl.u32 s9, $0x3  }
0x1a: {  	s9 =	sadd.s32 s23, s22;
	s23 =	simm.s32 $0x5;
	[dreg:$0x9] =	wrdreg s8  }
0x1b: {  	s26 =	sshrl.u32 s7, $0x3;
	s7 =	simm.s32 $0x0;
	[dreg:$0x12] =	wrdreg s9  }
0x1c: {  	s8 =	sadd.s32 s4, s11;
	s1 =	sadd.s32 s13, s12;
	[dreg:$0x14] =	wrdreg s26  }
0x1d: {  	s20 =	sadd.s32 s25, s5;
	[dreg:$0xa] =	wrdreg s8;
	s24 =	sor.u32 $0x2, s1  }
0x1e: {  	s21 =	sshll.u32 s1, $0x4;
	s19 =	sor.u32 $0x3, s1;
	s11 =	sshrl.u32 s24, $0x1  }
0x1f: {  	s8 =	sadd.s32 s21, s0;
	s1 =	sshrl.u32 s19, $0x1;
	[dreg:$0x11] =	wrdreg s11  }
0x20: {  	s8 =	sadd.s32 $0x30, s8;
	s11 =	sshll.u32 s11, $0x5;
	[dreg:$0x13] =	wrdreg s1  }
0x21: {  	s26 =	simm.s32 $0x80;
	[dreg:$0x5] =	wrdreg s8;
	s0 =	sadd.s32 s11, s0  }
0x22: {  	v0 =	vimm.f32 $0.0e+00;
	s1 =	simm.s32 $0x4;
	[dreg:$0x4] =	wrdreg s0;
	s0 =	simm.s32 $0x3  }
.LBB2_1:
0x23: {  	s5 =	simm.s32 $0x40;
	s8 =	simm.s32 $0x0  }
.LBB2_2:
0x24: {  	p0 =	sne.s32 s5, $0x1FC0;
	[tilespmem:s8+$0x1100] =	vst v0;
	s8 =	smov.u32 s5;
	s5 =	sadd.s32 $0x40, s5  }
.Ltmp0:
0x25: {  	(pc) =	sbr.rel @p0 .LBB2_2-.Ltmp0, $2  }
0x26: {  	_ =	sdelay $0x2  }
0x27: {  	s8 =	sshra.s32 s8, $0x2  }
0x28: {  	[tilespmem:s8+$0x1100] =	vst v0;
	s5 =	rddreg [dreg:$0x6];
	s13 =	simm.s32 $0x1100  }
0x29: {  	[spmem:s5] =	stream.linear.scatter [tilespmem:s13], [sflag:$0x5], $0x800, $0x38;
	[tilespmem:$0x4100] =	vst v63  }
0x2a: {  	_ =	swait.ge [sflag:s23], $0x800  }
0x2b: {  	[sflag:s23] =	ssyncset.done $0x0  }
0x2c: {  	s14 =	rddreg [dreg:$0xd];
	[sflag:s23] =	ssyncadd.s32 $0xFFFFF800  }
0x2d: {  	[spmem:s14] =	stream.linear.scatter [tilespmem:s13], [sflag:$0x5], $0x800, $0x38;
	[tilespmem:$0x4100] =	vst v63  }
0x2e: {  	_ =	swait.ge [sflag:s23], $0x800  }
0x2f: {  	[sflag:s23] =	ssyncset.done $0x0  }
0x30: {  	s15 =	rddreg [dreg:$0xe];
	[sflag:s23] =	ssyncadd.s32 $0xFFFFF800  }
0x31: {  	[spmem:s15] =	stream.linear.scatter [tilespmem:s13], [sflag:$0x5], $0x800, $0x38;
	[tilespmem:$0x4100] =	vst v63  }
0x32: {  	_ =	swait.ge [sflag:s23], $0x800  }
0x33: {  	[sflag:s23] =	ssyncset.done $0x0  }
0x34: {  	s16 =	rddreg [dreg:$0xf];
	[sflag:s23] =	ssyncadd.s32 $0xFFFFF800  }
0x35: {  	[spmem:s16] =	stream.linear.scatter [tilespmem:s13], [sflag:$0x5], $0x800, $0x38;
	[tilespmem:$0x4100] =	vst v63  }
0x36: {  	_ =	swait.ge [sflag:s23], $0x800  }
0x37: {  	[sflag:s23] =	ssyncset.done $0x0  }
0x38: {  	s17 =	rddreg [dreg:$0x10];
	[sflag:s23] =	ssyncadd.s32 $0xFFFFF800  }
0x39: {  	[spmem:s17] =	stream.linear.scatter [tilespmem:s13], [sflag:$0x5], $0x800, $0x38;
	[tilespmem:$0x4100] =	vst v63  }
0x3a: {  	_ =	swait.ge [sflag:s23], $0x800  }
0x3b: {  	[sflag:s23] =	ssyncset.done $0x0  }
0x3c: {  	[sflag:s23] =	ssyncadd.s32 $0xFFFFF800  }
0x3d: {  	[bflag:$0x0] =	sbarrier.arrive $0xFFFF  }
0x3e: {  	s8 =	simm.s32 $0x0;
	s18 =	rddreg [dreg:$0x7]  }
0x3f: {  	[tilespmem:s8], [sflag:$0x1] =	stream.linear.gather [hbm4b:s18+s8], $0x80, $0x38;
	[tilespmem:$0x4100] =	vst v63  }
0x40: {  	s9 =	simm.s32 $0x10;
	s21 =	rddreg [dreg:$0x8]  }
0x41: {  	[tilespmem:s28], [sflag:$0x1] =	stream.strided.gather [hbm4b:s21+s9], $0x800, s26, s9, $0x38;
	[tilespmem:$0x4100] =	vst v63  }
0x42: {  	s22 =	rddreg [dreg:$0x9]  }
0x43: {  	[tilespmem:s26], [sflag:$0x2] =	stream.linear.gather [hbm4b:s22+s8], $0x80, $0x38;
	[tilespmem:$0x4100] =	vst v63  }
0x44: {  	s24 =	rddreg [dreg:$0xa]  }
0x45: {  	[tilespmem:s29], [sflag:$0x2] =	stream.strided.gather [hbm4b:s24+s9], $0x800, s26, s9, $0x38;
	[tilespmem:$0x4100] =	vst v63  }
0x46: {  	_ =	swait.ge [sflag:s30], $0x80  }
0x47: {  	[sflag:s30] =	ssyncset.done $0x0  }
0x48: {  	[sflag:s30] =	ssyncadd.s32 $0xFFFFFF80  }
0x49: {  	_ =	swait.ge [sflag:s30], $0x800  }
0x4a: {  	s25 =	sadd.s32 $0xFFFFFFFF, s19;
	[sflag:s30] =	ssyncset.done $0x0  }
0x4b: {  	p0 =	sge.u32 s25, s6;
	[sflag:s30] =	ssyncadd.s32 $0xFFFFF800  }
0x4c: {  	[spmem:s2] =	stream.indirect.scatter.add.f32 [tilespmem:s28], [sflag:$0x3], $0x10, s3, s26, $0xb8;
	[tilespmem:$0x4100] =	vst v63  }
0x4d: {  	s11 =	sadd.s32 $0x2, s19;
	s12 =	sadd.s32 @!p0 $0x8000, s20;
	_ =	swait.ge [sflag:s31], $0x80  }
0x4e: {  	p1 =	sge.u32 s19, s6;
	s12 =	sand.u32 @!p0 $0x78000, s12;
	[sflag:s31] =	ssyncset.done $0x0  }
0x4f: {  	s15 =	simm.s32 @!p0 $0x10;
	s16 =	sadd.s32 @!p1 $0xC000, s20;
	[sflag:s31] =	ssyncadd.s32 $0xFFFFFF80  }
0x50: {  	s16 =	sand.u32 @!p1 $0x7C000, s16;
	s14 =	rddreg [dreg:$0x11];
	_ =	swait.ge [sflag:s31], $0x800  }
0x51: {  	s13 =	simm.s32 @!p0 $0x80;
	s17 =	rddreg [dreg:$0x12];
	[sflag:s31] =	ssyncset.done $0x0  }
0x52: {  	s9 =	simm.s32 $0x20;
	s5 =	sadd.s32 @!p0 $0x1000, s17;
	[sflag:s31] =	ssyncadd.s32 $0xFFFFF800  }
0x53: {  	[spmem:s2] =	stream.indirect.scatter.add.f32 [tilespmem:s29], [sflag:$0x4], $0x10, s26, s26, $0xb8;
	[tilespmem:$0x4100] =	vst v63  }
0x54: {  	s10 =	sadd.s32 $0x1, s14;
	s5 =	sand.u32 @!p0 $0x7FF80000, s5;
	_ =	swait.ge [sflag:s0], $0x800  }
0x55: {  	s14 =	sand.u32 @!p0 $0x70, s14;
	s5 =	sor.u32 @!p0 s12, s5;
	s12 =	rddreg [dreg:$0x4]  }
0x56: {  	[sflag:s0] =	ssyncset.done $0x0;
	s5 =	sor.u32 @!p0 s14, s5;
	s14 =	simm.s32 @!p0 $0x0  }
0x57: {  	[sflag:s0] =	ssyncadd.s32 $0xFFFFF800;
	s5 =	sshrl.u32 @!p0 s5, $0x3;
	s12 =	sadd.s32 @!p0 $0x0, s12  }
0x58: {  	[tilespmem:s14], [sflag:$0x1] =	stream.linear.gather @!p0 [hbm4b:s12+s14], $0x80, $0x38;
	[tilespmem:$0x4100] =	vst v63  }
0x59: {  	s18 =	rddreg [dreg:$0x13];
	s5 =	sadd.s32 @!p0 s4, s5;
	s14 =	simm.s32 @!p0 $0x100  }
0x5a: {  	[tilespmem:s14], [sflag:$0x1] =	stream.strided.gather @!p0 [hbm4b:s5+s15], $0x800, s13, s15, $0x38;
	[tilespmem:$0x4100] =	vst v63  }
0x5b: {  	s12 =	sadd.s32 $0x1, s18;
	s13 =	sadd.s32 $0x1000, s17;
	s5 =	sadd.s32 @!p1 $0x1800, s17  }
0x5c: {  	s14 =	sadd.s32 $0x8000, s20;
	s15 =	sand.u32 @!p1 $0x70, s18;
	s24 =	sand.u32 @!p1 $0x7FF80000, s5  }
0x5d: {  	_ =	swait.ge [sflag:s1], $0x800;
	s5 =	simm.s32 @!p1 $0x0;
	s16 =	sor.u32 @!p1 s16, s24  }
0x5e: {  	[sflag:s1] =	ssyncset.done $0x0;
	s25 =	rddreg [dreg:$0x5];
	s24 =	simm.s32 @!p1 $0x10  }
.LBB2_4:
0x5f: {  	[sflag:s1] =	ssyncadd.s32 $0xFFFFF800;
	s15 =	sor.u32 @!p1 s15, s16  }
0x60: {  	s22 =	simm.s32 @!p1 $0x80;
	s8 =	sadd.s32 @!p1 s8, s25;
	s15 =	sshrl.u32 @!p1 s15, $0x3  }
0x61: {  	[tilespmem:s22], [sflag:$0x2] =	stream.linear.gather @!p1 [hbm4b:s8+s5], $0x80, $0x38;
	[tilespmem:$0x4100] =	vst v63  }
0x62: {  	s17 =	smov.u32 s9;
	s18 =	simm.s32 @!p1 $0x900;
	s25 =	sadd.s32 @!p1 s4, s15  }
0x63: {  	[tilespmem:s18], [sflag:$0x2] =	stream.strided.gather @!p1 [hbm4b:s25+s24], $0x800, s22, s24, $0x38;
	[tilespmem:$0x4100] =	vst v63  }
0x64: {  	s9 =	sadd.s32 $0x20, s9;
	s21 =	smov.u32 s10;
	_ =	swait.ge [sflag:s30], $0x80  }
0x65: {  	s16 =	smov.u32 s11;
	s10 =	sadd.s32 $0x1, s10;
	[sflag:s30] =	ssyncset.done $0x0  }
0x66: {  	p0 =	sne.s32 s9, $0x280;
	s8 =	smov.u32 s17;
	[sflag:s30] =	ssyncadd.s32 $0xFFFFFF80  }
0x67: {  	s5 =	smov.u32 s13;
	s15 =	smov.u32 s12;
	_ =	swait.ge [sflag:s30], $0x800  }
0x68: {  	s12 =	sadd.s32 $0x1, s12;
	s25 =	sadd.s32 $0xFFFFFFFF, s11;
	[sflag:s30] =	ssyncset.done $0x0  }
0x69: {  	s11 =	sadd.s32 $0x2, s11;
	p1 =	sge.u32 s16, s6;
	[sflag:s30] =	ssyncadd.s32 $0xFFFFF800  }
0x6a: {  	[spmem:s2] =	stream.indirect.scatter.add.f32 [tilespmem:s28], [sflag:$0x3], $0x10, s3, s26, $0xb8;
	[tilespmem:$0x4100] =	vst v63  }
0x6b: {  	p2 =	sge.u32 s25, s6;
	s16 =	sadd.s32 @!p1 $0xC000, s14;
	_ =	swait.ge [sflag:s31], $0x80  }
0x6c: {  	s5 =	sadd.s32 @!p1 $0x1800, s5;
	s15 =	sand.u32 @!p1 $0x70, s15;
	[sflag:s31] =	ssyncset.done $0x0  }
0x6d: {  	s17 =	sadd.s32 @!p2 $0x1000, s13;
	s18 =	simm.s32 @!p2 $0x80;
	[sflag:s31] =	ssyncadd.s32 $0xFFFFFF80  }
0x6e: {  	s22 =	sadd.s32 @!p2 $0x8000, s14;
	s21 =	sand.u32 @!p2 $0x70, s21;
	_ =	swait.ge [sflag:s31], $0x800  }
0x6f: {  	s24 =	simm.s32 @!p2 $0x0;
	s13 =	sadd.s32 $0x1000, s13;
	[sflag:s31] =	ssyncset.done $0x0  }
0x70: {  	s17 =	sand.u32 @!p2 $0x7FF80000, s17;
	s22 =	sand.u32 @!p2 $0x78000, s22;
	[sflag:s31] =	ssyncadd.s32 $0xFFFFF800  }
0x71: {  	[spmem:s2] =	stream.indirect.scatter.add.f32 [tilespmem:s29], [sflag:$0x4], $0x10, s26, s26, $0xb8;
	[tilespmem:$0x4100] =	vst v63  }
0x72: {  	s14 =	sadd.s32 $0x8000, s14;
	s17 =	sor.u32 @!p2 s22, s17;
	_ =	swait.ge [sflag:s0], $0x800  }
0x73: {  	s17 =	sor.u32 @!p2 s21, s17;
	[sflag:s0] =	ssyncset.done $0x0;
	s21 =	rddreg [dreg:$0x4]  }
0x74: {  	s25 =	simm.s32 @!p2 $0x100;
	[sflag:s0] =	ssyncadd.s32 $0xFFFFF800;
	s21 =	sadd.s32 @!p2 s8, s21  }
0x75: {  	[tilespmem:s24], [sflag:$0x1] =	stream.linear.gather @!p2 [hbm4b:s21+s24], $0x80, $0x38;
	[tilespmem:$0x4100] =	vst v63  }
.Ltmp1:
0x76: {  	s16 =	sand.u32 @!p1 $0x7C000, s16;
	s17 =	sshrl.u32 @!p2 s17, $0x3;
	(pc) =	sbr.rel @p0 .LBB2_4-.Ltmp1, $4  }
0x77: {  	s22 =	simm.s32 @!p2 $0x10;
	s17 =	sadd.s32 @!p2 s4, s17;
	s21 =	sand.u32 @!p1 $0x7FF80000, s5  }
0x78: {  	[tilespmem:s25], [sflag:$0x1] =	stream.strided.gather @!p2 [hbm4b:s17+s22], $0x800, s18, s22, $0x38;
	[tilespmem:$0x4100] =	vst v63  }
0x79: {  	s5 =	simm.s32 @!p1 $0x0;
	s24 =	simm.s32 @!p1 $0x10;
	_ =	swait.ge [sflag:s1], $0x800  }
0x7a: {  	s16 =	sor.u32 @!p1 s16, s21;
	[sflag:s1] =	ssyncset.done $0x0;
	s25 =	rddreg [dreg:$0x5]  }
0x7b: {  	[sflag:s1] =	ssyncadd.s32 $0xFFFFF800;
	s9 =	sor.u32 @!p1 s15, s16  }
0x7c: {  	s10 =	simm.s32 @!p1 $0x80;
	s8 =	sadd.s32 @!p1 s8, s25;
	s9 =	sshrl.u32 @!p1 s9, $0x3  }
0x7d: {  	[tilespmem:s10], [sflag:$0x2] =	stream.linear.gather @!p1 [hbm4b:s8+s5], $0x80, $0x38;
	[tilespmem:$0x4100] =	vst v63  }
0x7e: {  	s8 =	simm.s32 @!p1 $0x900;
	s5 =	sadd.s32 @!p1 s4, s9  }
0x7f: {  	[tilespmem:s8], [sflag:$0x2] =	stream.strided.gather @!p1 [hbm4b:s5+s24], $0x800, s10, s24, $0x38;
	[tilespmem:$0x4100] =	vst v63  }
0x80: {  	s21 =	stileid.u32;
	[bflag:$0x0] =	sbarrier.arrive $0xFFFF  }
0x81: {  	s5 =	sshll.u32 s21, $0x6;
	s22 =	rddreg [dreg:$0xb]  }
0x82: {  	s5 =	sor.u32 $0x1C05, s5;
	s24 =	rddreg [dreg:$0x14]  }
0x83: {  	[hbm:s22], [sflag:s5] =	dma.local [spmem:s24], $0x500  }
0x84: {  	_ =	swait.ge [sflag:s23], $0x500  }
0x85: {  	s7 =	sadd.s32 $0x1, s7;
	s25 =	rddreg [dreg:$0xc]  }
0x86: {  	p0 =	sne.s32 s7, s25  }
.Ltmp2:
0x87: {  	_ = 	snop;
	(pc) =	sbr.rel @p0 .LBB2_1-.Ltmp2, $3  }
0x88: {  	_ =	sdelay $0x1  }
0x89: {  	[sflag:s23] =	ssyncset.done $0x0  }
0x8a: {  	[sflag:s23] =	ssyncadd.s32 $0xFFFFFB00  }
0x8b: {  	_ =	sfence.sel $0x180000  }
0x8c: {  	[bflag:$0x0] =	sbarrier.arrive $0xFFFF  }
0x8d: {  	_ =	strace $0x9000004A  }
0x8e: {  	s0 =	stileid.u32;
	[bflag:$0x2] =	sbarrier.arrive $0xFFFF  }
0x8f: {  	p0 =	sne.s32 s0, $0x0;
	s0 =	rddreg [dreg:$0x3]  }
0x90: {  	s0 =	sadd.s32 @!p0 $0x100000, s0  }
0x91: {  	[sflag:s0] =	ssyncadd.tile.s32 @!p0 $0x1;
	_ =	shalt  }
.Lfunc_end2:
_tile_overlayer_lowered:
.L_overlay_start_2:
0x92: {  	(tag) =	ssettag $0x2  }
0x93: {  	s0 =	rddreg [dreg:$0x0];
	s2 =	stileid.u32  }
0x94: {  	s1 =	rddreg [dreg:$0x1];
	p0 =	sne.s32 s2, $0x0  }
0x95: {  	s3 =	rddreg [dreg:$0x2];
	[bflag:$0x3] =	sbarrier.arrive $0xFFFF;
	s2 =	simm.s32 @!p0 $0x1C05  }
0x96: {  	[timem:s3], [sflag:s2] =	dma.local @!p0 [hbm:s0], s1  }
0x97: {  	s0 =	simm.s32 @!p0 $0x5  }
0x98: {  	_ =	swait.ge @!p0 [sflag:s0], s1  }
0x99: {  	s1 =	ssub.s32 @!p0 $0x0, s1;
	[sflag:s0] =	ssyncset.done @!p0 $0x0  }
0x9a: {  	[sflag:s0] =	ssyncadd.s32 @!p0 s1  }
0x9b: {  	[bflag:$0x3] =	sbarrier.arrive $0xFFFF  }
0x9c: {  	_ =	shalt  }

</sc_bundles>
